<compile_context>
chip_gen: v7x
topology: tpu7x:2x2x1
jax: 0.10.2.dev20260603
libtpu: 0.0.44.dev20260713+nightly
codegen_flags: <defaults>
</compile_context>

<pallas_src>
import functools

import jax
import jax.numpy as jnp
from jax import lax
from jax.experimental import pallas as pl
from jax.experimental.pallas import tpu as pltpu
from jax.experimental.pallas import tpu_sc as plsc

N = 10000
E = 320000
D_IN = 128
D_H = 256
D_OUT = 128

NC = 2
NS = 16
LANES = 16

N_PAD = 10240
ROW_SLICE = N_PAD // NS
E_TOT = E + N
K = 128
E_PAD = 8192 * 41
E_F = 4096 * 81
PT_L = E_F // NS
PT_D = E_PAD // (NC * NS)

@functools.cache
def _mesh():
    return plsc.VectorSubcoreMesh(
        core_axis_name="c", subcore_axis_name="s", num_cores=NC, num_subcores=NS
    )


def _zero_1d(buf, n):
    def w(i, _):
        buf[pl.ds(i * LANES, LANES)] = jnp.zeros((LANES,), jnp.float32)
        return 0
    lax.fori_loop(0, n // LANES, w, 0)


def _zero_2d(buf, rows, cols):
    def w(r, _):
        for j in range(cols // LANES):
            buf[r, pl.ds(j * LANES, LANES)] = jnp.zeros((LANES,), jnp.float32)
        return 0
    lax.fori_loop(0, rows, w, 0)


@functools.cache
def _get_deg_kernel():
    return pl.kernel(
        _deg_body,
        out_type=jax.ShapeDtypeStruct((NC, N_PAD), jnp.float32),
        mesh=_mesh(),
        scratch_types=[
            pltpu.VMEM((K,), jnp.int32),
            pltpu.VMEM((K,), jnp.int32),
            pltpu.VMEM((K,), jnp.float32),
            pltpu.VMEM((ROW_SLICE,), jnp.float32),
            pltpu.VMEM_SHARED((N_PAD,), jnp.float32),
            pltpu.SemaphoreType.DMA,
            pltpu.SemaphoreType.DMA,
        ],
    )


def _deg_body(dst_hbm, out_hbm, d0, d1, ones_v, buf_v, acc, isem0, isem1):
    c = lax.axis_index("c")
    s = lax.axis_index("s")
    idxs = (d0, d1)
    isems = (isem0, isem1)

    def w1(i, _):
        ones_v[pl.ds(i * LANES, LANES)] = jnp.full((LANES,), 1.0, jnp.float32)
        return 0
    lax.fori_loop(0, K // LANES, w1, 0)
    _zero_1d(buf_v, ROW_SLICE)
    pltpu.sync_copy(buf_v, acc.at[pl.ds(s * ROW_SLICE, ROW_SLICE)])

    base = c * (E_PAD // NC) + s * PT_D
    nb = (PT_D // K) // 2

    def issue_idx(g, p):
        pltpu.async_copy(dst_hbm.at[pl.ds(base + g * K, K)],
                         idxs[p], isems[p])

    def wait_idx(p):
        pltpu.make_async_copy(dst_hbm.at[pl.ds(0, K)],
                              idxs[p], isems[p]).wait()

    issue_idx(0, 0)
    plsc.subcore_barrier()

    def body(t, _):
        wait_idx(0)
        issue_idx(2 * t + 1, 1)
        pltpu.sync_copy(ones_v, acc.at[d0], add=True)
        wait_idx(1)

        @pl.when(t + 1 < nb)
        def _():
            issue_idx(2 * (t + 1), 0)
        pltpu.sync_copy(ones_v, acc.at[d1], add=True)
        return 0
    lax.fori_loop(0, nb, body, 0)

    plsc.subcore_barrier()
    pltpu.sync_copy(acc.at[pl.ds(s * ROW_SLICE, ROW_SLICE)], buf_v)
    pltpu.sync_copy(buf_v, out_hbm.at[c, pl.ds(s * ROW_SLICE, ROW_SLICE)])


@functools.cache
def _make_edge_kernel(mode):
    feat = mode == "feat"
    dh = 128
    nch = (PT_L if feat else PT_D) // K
    nb = nch // 2
    assert nb * 2 == nch

    def edge_kernel(table_hbm, srcb_hbm, dst_hbm, out_hbm,
                    src0, src1, dst0, dst1, rows0, rows1, acc,
                    gsem0, gsem1, isem0, isem1):
        c = lax.axis_index("c")
        s = lax.axis_index("s")
        srcs = (src0, src1)
        dsts = (dst0, dst1)
        rows = (rows0, rows1)
        gsems = (gsem0, gsem1)
        isems = (isem0, isem1)

        if feat:
            sbase = c * E_PAD + s * PT_L
            dbase = s * PT_L
        else:
            sbase = c * (E_PAD // NC) + s * PT_D
            dbase = sbase

        def issue_idx(g, p):
            pltpu.async_copy(srcb_hbm.at[pl.ds(sbase + g * K, K)],
                             srcs[p], isems[p])
            pltpu.async_copy(dst_hbm.at[pl.ds(dbase + g * K, K)],
                             dsts[p], isems[p])

        def wait_idx(p):
            pltpu.make_async_copy(srcb_hbm.at[pl.ds(0, K)],
                                  srcs[p], isems[p]).wait()
            pltpu.make_async_copy(dst_hbm.at[pl.ds(0, K)],
                                  dsts[p], isems[p]).wait()

        def issue_gather(p):
            pltpu.async_copy(table_hbm.at[srcs[p]], rows[p], gsems[p])

        def wait_gather(p):
            pltpu.make_async_copy(table_hbm.at[pl.ds(0, K)],
                                  rows[p], gsems[p]).wait()

        def sync_scatter(p):
            pltpu.sync_copy(rows[p], acc.at[dsts[p]], add=True)

        _zero_2d(rows0, K, dh)
        for r in range(ROW_SLICE // K):
            pltpu.sync_copy(rows0, acc.at[pl.ds(s * ROW_SLICE + r * K, K)])

        issue_idx(0, 0)
        wait_idx(0)
        issue_gather(0)
        issue_idx(1, 1)
        plsc.subcore_barrier()

        def body(t, _):
            wait_gather(0)
            wait_idx(1)
            issue_gather(1)
            sync_scatter(0)

            @pl.when(t + 1 < nb)
            def _():
                issue_idx(2 * (t + 1), 0)

            wait_gather(1)

            @pl.when(t + 1 < nb)
            def _():
                wait_idx(0)
                issue_gather(0)
            sync_scatter(1)

            @pl.when(t + 1 < nb)
            def _():
                issue_idx(2 * (t + 1) + 1, 1)
            return 0
        lax.fori_loop(0, nb, body, 0)

        plsc.subcore_barrier()
        for r in range(ROW_SLICE // K):
            row0 = s * ROW_SLICE + r * K
            pltpu.sync_copy(acc.at[pl.ds(row0, K)], rows0)
            pltpu.sync_copy(rows0, out_hbm.at[c, pl.ds(row0, K)])

    return pl.kernel(
        edge_kernel,
        out_type=jax.ShapeDtypeStruct((NC, N_PAD, dh), jnp.float32),
        mesh=_mesh(),
        scratch_types=[
            pltpu.VMEM((K,), jnp.int32),
            pltpu.VMEM((K,), jnp.int32),
            pltpu.VMEM((K,), jnp.int32),
            pltpu.VMEM((K,), jnp.int32),
            pltpu.VMEM((K, dh), jnp.float32),
            pltpu.VMEM((K, dh), jnp.float32),
            pltpu.VMEM_SHARED((N_PAD, dh), jnp.float32),
            pltpu.SemaphoreType.DMA,
            pltpu.SemaphoreType.DMA,
            pltpu.SemaphoreType.DMA,
            pltpu.SemaphoreType.DMA,
        ],
    )


def _tc_a_body(x_ref, wlin_ref, w1_ref, degp_ref, table_ref, dinv_ref):
    deg = degp_ref[0, :] + degp_ref[1, :]
    dinv = lax.rsqrt(jnp.maximum(deg, 1e-12))
    xr = jnp.dot(x_ref[:], wlin_ref[:].T, preferred_element_type=jnp.float32)
    h1 = jnp.dot(xr, w1_ref[:].T, preferred_element_type=jnp.float32)
    h1s = h1 * dinv[:, None]
    table_ref[0:N_PAD, :] = h1s[:, : D_H // 2]
    table_ref[N_PAD:, :] = h1s[:, D_H // 2:]
    dinv_ref[:] = dinv[:, None]


def _tc_c_body(raw_ref, dinv_ref, b1_ref, w2_ref, table_ref):
    dinv = dinv_ref[:]
    h = jnp.concatenate([raw_ref[0], raw_ref[1]], axis=1)
    h = jnp.maximum(h * dinv + b1_ref[:][None, :], 0.0)
    table_ref[:] = jnp.dot(h, w2_ref[:].T, preferred_element_type=jnp.float32) * dinv


def _tc_e_body(raw_ref, dinv_ref, b2_ref, z_ref):
    z = (raw_ref[0] + raw_ref[1]) * dinv_ref[:] + b2_ref[:][None, :]
    z_ref[:] = z[:N, :]


def kernel(x, train_pos_edge_index, Wlin, W1, b1, W2, b2):
    idt = train_pos_edge_index.dtype
    loop = jnp.arange(N, dtype=idt)
    pad = N + jnp.arange(E_PAD - E_TOT, dtype=idt) % (N_PAD - N)
    src = jnp.concatenate([train_pos_edge_index[0], loop, pad])
    dst = jnp.concatenate([train_pos_edge_index[1], loop, pad])
    src_both = jnp.concatenate([src, src + N_PAD])
    x_pad = jnp.pad(x, ((0, N_PAD - N), (0, 0)))

    deg_parts = _get_deg_kernel()(dst)

    table1, dinv = pl.pallas_call(
        _tc_a_body,
        out_shape=(
            jax.ShapeDtypeStruct((2 * N_PAD, D_H // 2), jnp.float32),
            jax.ShapeDtypeStruct((N_PAD, 1), jnp.float32),
        ),
    )(x_pad, Wlin, W1, deg_parts)

    raw1 = _make_edge_kernel("feat")(table1, src_both, dst)

    table2 = pl.pallas_call(
        _tc_c_body,
        out_shape=jax.ShapeDtypeStruct((N_PAD, D_OUT), jnp.float32),
    )(raw1, dinv, b1, W2)

    raw2 = _make_edge_kernel("edge")(table2, src_both, dst)

    z = pl.pallas_call(
        _tc_e_body,
        out_shape=jax.ShapeDtypeStruct((N, D_OUT), jnp.float32),
    )(raw2, dinv, b2)

    return z

# --- scband reference (transcript-rebuilt; emitter-appended) ---
"""Pipeline reference for scband-sparse-subspace-gae-79370995630469 (READ-ONLY COPY).

The authoritative reference and input builder live on the scoring server;
editing this copy changes nothing except your own understanding.
"""

import jax, jax.numpy as jnp
import numpy as np

N = 10000
E = 320000
D_IN = 128
D_H = 256
D_OUT = 128


def _gcn_conv(x, src, dst, W, b):
    # x: [N, d_in], W: [d_out, d_in], b: [d_out]
    # PyG GCNConv with add_self_loops=True, symmetric normalization
    n = x.shape[0]
    h = x @ W.T
    deg = jnp.zeros((n,), dtype=x.dtype).at[dst].add(1.0)
    dinv = jax.lax.rsqrt(jnp.maximum(deg, 1e-12))
    norm = dinv[src] * dinv[dst]
    msg = h[src] * norm[:, None]
    out = jnp.zeros((n, W.shape[0]), dtype=x.dtype).at[dst].add(msg)
    return out + b


def setup_inputs(seed: int = 0):
    key = jax.random.key(seed)
    ks = jax.random.split(key, 8)
    x = jax.random.normal(ks[0], (N, D_IN), dtype=jnp.float32)
    train_pos_edge_index = jax.random.randint(ks[1], (2, E), 0, N, dtype=jnp.int32)
    Wlin = jax.random.normal(ks[2], (D_IN, D_IN), dtype=jnp.float32) * (1.0 / np.sqrt(D_IN))
    W1 = jax.random.normal(ks[3], (D_H, D_IN), dtype=jnp.float32) * (1.0 / np.sqrt(D_IN))
    b1 = jnp.zeros((D_H,), dtype=jnp.float32)
    W2 = jax.random.normal(ks[4], (D_OUT, D_H), dtype=jnp.float32) * (1.0 / np.sqrt(D_H))
    b2 = jnp.zeros((D_OUT,), dtype=jnp.float32)
    return {"x": x, "train_pos_edge_index": train_pos_edge_index,
            "Wlin": Wlin, "W1": W1, "b1": b1, "W2": W2, "b2": b2}


def reference(x, train_pos_edge_index, Wlin, W1, b1, W2, b2):
    # SubspaceGAE.forward: rotation linear (lambda_o truthy) then 2-layer GCN encoder
    loop = jnp.arange(N, dtype=train_pos_edge_index.dtype)
    src = jnp.concatenate([train_pos_edge_index[0], loop])
    dst = jnp.concatenate([train_pos_edge_index[1], loop])
    xr = x @ Wlin.T  # nn.Linear(input_dim, input_dim, bias=False)
    h = jax.nn.relu(_gcn_conv(xr, src, dst, W1, b1))
    z = _gcn_conv(h, src, dst, W2, b2)
    return z

if __name__ == "__main__":
    import jax
    _d = setup_inputs()
    print(jax.jit(kernel)(*tuple(_d.values())))

</pallas_src>

<mosaic_0001>
#map = affine_map<(d0, d1) -> (0, 0)>
#map1 = affine_map<(d0, d1) -> (0)>
#map2 = affine_map<(d0, d1) -> (0, 0, 0)>
module attributes {stable_mosaic.version = 14 : i64} {
  func.func @edge_kernel(%arg0: i32, %arg1: i32, %arg2: memref<20480x128xf32, #tpu.memory_space<hbm>>, %arg3: memref<671744xi32, #tpu.memory_space<hbm>>, %arg4: memref<335872xi32, #tpu.memory_space<hbm>>, %arg5: memref<2x10240x128xf32, #tpu.memory_space<hbm>>, %arg6: memref<128xi32, #tpu.memory_space<vmem>>, %arg7: memref<128xi32, #tpu.memory_space<vmem>>, %arg8: memref<128xi32, #tpu.memory_space<vmem>>, %arg9: memref<128xi32, #tpu.memory_space<vmem>>, %arg10: memref<128x128xf32, #tpu.memory_space<vmem>>, %arg11: memref<128x128xf32, #tpu.memory_space<vmem>>, %arg12: memref<10240x128xf32, #tpu.memory_space<vmem_shared>>, %arg13: memref<!tpu.dma_semaphore, #tpu.memory_space<semaphore_mem>>, %arg14: memref<!tpu.dma_semaphore, #tpu.memory_space<semaphore_mem>>, %arg15: memref<!tpu.dma_semaphore, #tpu.memory_space<semaphore_mem>>, %arg16: memref<!tpu.dma_semaphore, #tpu.memory_space<semaphore_mem>>) attributes {dimension_semantics = [#tpu.dimension_semantics<core_parallel>, #tpu.dimension_semantics<subcore_parallel>], iteration_bounds = array<i64: 2, 16>, scalar_prefetch = 0 : i64, scratch_operands = 11 : i64, tpu.core_type = #tpu.core_type<sc_vector_subcore>, window_params = [{transform_indices = #map}, {transform_indices = #map1}, {transform_indices = #map1}, {transform_indices = #map2}]} {
    %mul3A = arith.constant 335872 : i32
    %mul3A_0 = arith.muli %arg0, %mul3A : i32
    %mul3A_1 = arith.constant 20736 : i32
    %mul3A_2 = arith.muli %arg1, %mul3A_1 : i32
    %add3A = arith.addi %mul3A_0, %mul3A_2 : i32
    %mul3A_3 = arith.constant 20736 : i32
    %mul3A_4 = arith.muli %arg1, %mul3A_3 : i32
    %scan3A = arith.constant 0 : i32
    %scan3A_5 = arith.constant 0 : i32
    %scan3A_6 = arith.constant 128 : i32
    %scan3A_7 = arith.addi %scan3A_5, %scan3A_6 : i32
    %scan3A_8 = arith.constant 1 : i32
    %scan3A_9 = scf.for %scan3A_84 = %scan3A_5 to %scan3A_7 step %scan3A_8 iter_args(%scan3A_85 = %scan3A) -> (i32)  : i32 {
      %broadcast_in_dim3A = arith.constant 0.000000e+00 : f32
      %broadcast_in_dim3A_86 = vector.broadcast %broadcast_in_dim3A : f32 to vector<16xf32>
      %swap3A = arith.index_cast %scan3A_84 : i32 to index
      %swap3A_87 = arith.constant 0 : index
      %swap3A_88 = tpu.vector_load %arg10[%swap3A, %swap3A_87] {strides = array<i32>} : memref<128x128xf32, #tpu.memory_space<vmem>>, vector<1x16xf32>,
      %swap3A_89 = vector.shape_cast %swap3A_88 : vector<1x16xf32> to vector<16xf32>
      %swap3A_90 = vector.shape_cast %broadcast_in_dim3A_86 : vector<16xf32> to vector<1x16xf32>
      tpu.vector_store %arg10[%swap3A, %swap3A_87], %swap3A_90 {strides = array<i32>} : memref<128x128xf32, #tpu.memory_space<vmem>>, vector<1x16xf32>,
      %broadcast_in_dim3A_91 = arith.constant 0.000000e+00 : f32
      %broadcast_in_dim3A_92 = vector.broadcast %broadcast_in_dim3A_91 : f32 to vector<16xf32>
      %swap3A_93 = arith.index_cast %scan3A_84 : i32 to index
      %swap3A_94 = arith.constant 16 : index
      %swap3A_95 = tpu.vector_load %arg10[%swap3A_93, %swap3A_94] {strides = array<i32>} : memref<128x128xf32, #tpu.memory_space<vmem>>, vector<1x16xf32>,
      %swap3A_96 = vector.shape_cast %swap3A_95 : vector<1x16xf32> to vector<16xf32>
      %swap3A_97 = vector.shape_cast %broadcast_in_dim3A_92 : vector<16xf32> to vector<1x16xf32>
      tpu.vector_store %arg10[%swap3A_93, %swap3A_94], %swap3A_97 {strides = array<i32>} : memref<128x128xf32, #tpu.memory_space<vmem>>, vector<1x16xf32>,
      %broadcast_in_dim3A_98 = arith.constant 0.000000e+00 : f32
      %broadcast_in_dim3A_99 = vector.broadcast %broadcast_in_dim3A_98 : f32 to vector<16xf32>
      %swap3A_100 = arith.index_cast %scan3A_84 : i32 to index
      %swap3A_101 = arith.constant 32 : index
      %swap3A_102 = tpu.vector_load %arg10[%swap3A_100, %swap3A_101] {strides = array<i32>} : memref<128x128xf32, #tpu.memory_space<vmem>>, vector<1x16xf32>,
      %swap3A_103 = vector.shape_cast %swap3A_102 : vector<1x16xf32> to vector<16xf32>
      %swap3A_104 = vector.shape_cast %broadcast_in_dim3A_99 : vector<16xf32> to vector<1x16xf32>
      tpu.vector_store %arg10[%swap3A_100, %swap3A_101], %swap3A_104 {strides = array<i32>} : memref<128x128xf32, #tpu.memory_space<vmem>>, vector<1x16xf32>,
      %broadcast_in_dim3A_105 = arith.constant 0.000000e+00 : f32
      %broadcast_in_dim3A_106 = vector.broadcast %broadcast_in_dim3A_105 : f32 to vector<16xf32>
      %swap3A_107 = arith.index_cast %scan3A_84 : i32 to index
      %swap3A_108 = arith.constant 48 : index
      %swap3A_109 = tpu.vector_load %arg10[%swap3A_107, %swap3A_108] {strides = array<i32>} : memref<128x128xf32, #tpu.memory_space<vmem>>, vector<1x16xf32>,
      %swap3A_110 = vector.shape_cast %swap3A_109 : vector<1x16xf32> to vector<16xf32>
      %swap3A_111 = vector.shape_cast %broadcast_in_dim3A_106 : vector<16xf32> to vector<1x16xf32>
      tpu.vector_store %arg10[%swap3A_107, %swap3A_108], %swap3A_111 {strides = array<i32>} : memref<128x128xf32, #tpu.memory_space<vmem>>, vector<1x16xf32>,
      %broadcast_in_dim3A_112 = arith.constant 0.000000e+00 : f32
      %broadcast_in_dim3A_113 = vector.broadcast %broadcast_in_dim3A_112 : f32 to vector<16xf32>
      %swap3A_114 = arith.index_cast %scan3A_84 : i32 to index
      %swap3A_115 = arith.constant 64 : index
      %swap3A_116 = tpu.vector_load %arg10[%swap3A_114, %swap3A_115] {strides = array<i32>} : memref<128x128xf32, #tpu.memory_space<vmem>>, vector<1x16xf32>,
      %swap3A_117 = vector.shape_cast %swap3A_116 : vector<1x16xf32> to vector<16xf32>
      %swap3A_118 = vector.shape_cast %broadcast_in_dim3A_113 : vector<16xf32> to vector<1x16xf32>
      tpu.vector_store %arg10[%swap3A_114, %swap3A_115], %swap3A_118 {strides = array<i32>} : memref<128x128xf32, #tpu.memory_space<vmem>>, vector<1x16xf32>,
      %broadcast_in_dim3A_119 = arith.constant 0.000000e+00 : f32
      %broadcast_in_dim3A_120 = vector.broadcast %broadcast_in_dim3A_119 : f32 to vector<16xf32>
      %swap3A_121 = arith.index_cast %scan3A_84 : i32 to index
      %swap3A_122 = arith.constant 80 : index
      %swap3A_123 = tpu.vector_load %arg10[%swap3A_121, %swap3A_122] {strides = array<i32>} : memref<128x128xf32, #tpu.memory_space<vmem>>, vector<1x16xf32>,
      %swap3A_124 = vector.shape_cast %swap3A_123 : vector<1x16xf32> to vector<16xf32>
      %swap3A_125 = vector.shape_cast %broadcast_in_dim3A_120 : vector<16xf32> to vector<1x16xf32>
      tpu.vector_store %arg10[%swap3A_121, %swap3A_122], %swap3A_125 {strides = array<i32>} : memref<128x128xf32, #tpu.memory_space<vmem>>, vector<1x16xf32>,
      %broadcast_in_dim3A_126 = arith.constant 0.000000e+00 : f32
      %broadcast_in_dim3A_127 = vector.broadcast %broadcast_in_dim3A_126 : f32 to vector<16xf32>
      %swap3A_128 = arith.index_cast %scan3A_84 : i32 to index
      %swap3A_129 = arith.constant 96 : index
      %swap3A_130 = tpu.vector_load %arg10[%swap3A_128, %swap3A_129] {strides = array<i32>} : memref<128x128xf32, #tpu.memory_space<vmem>>, vector<1x16xf32>,
      %swap3A_131 = vector.shape_cast %swap3A_130 : vector<1x16xf32> to vector<16xf32>
      %swap3A_132 = vector.shape_cast %broadcast_in_dim3A_127 : vector<16xf32> to vector<1x16xf32>
      tpu.vector_store %arg10[%swap3A_128, %swap3A_129], %swap3A_132 {strides = array<i32>} : memref<128x128xf32, #tpu.memory_space<vmem>>, vector<1x16xf32>,
      %broadcast_in_dim3A_133 = arith.constant 0.000000e+00 : f32
      %broadcast_in_dim3A_134 = vector.broadcast %broadcast_in_dim3A_133 : f32 to vector<16xf32>
      %swap3A_135 = arith.index_cast %scan3A_84 : i32 to index
      %swap3A_136 = arith.constant 112 : index
      %swap3A_137 = tpu.vector_load %arg10[%swap3A_135, %swap3A_136] {strides = array<i32>} : memref<128x128xf32, #tpu.memory_space<vmem>>, vector<1x16xf32>,
      %swap3A_138 = vector.shape_cast %swap3A_137 : vector<1x16xf32> to vector<16xf32>
      %swap3A_139 = vector.shape_cast %broadcast_in_dim3A_134 : vector<16xf32> to vector<1x16xf32>
      tpu.vector_store %arg10[%swap3A_135, %swap3A_136], %swap3A_139 {strides = array<i32>} : memref<128x128xf32, #tpu.memory_space<vmem>>, vector<1x16xf32>,
      %scan3A_140 = arith.constant 0 : i32
      scf.yield %scan3A_140 : i32
    }
    %scan3A_10 = arith.constant 128 : i32
    %mul3A_11 = arith.constant 640 : i32
    %mul3A_12 = arith.muli %arg1, %mul3A_11 : i32
    %add3A_13 = arith.constant 0 : i32
    %add3A_14 = arith.addi %mul3A_12, %add3A_13 : i32
    "tpu.region"() ({
      %run_scoped3A = tpu.sem_alloc : memref<!tpu.dma_semaphore, #tpu.memory_space<semaphore_mem>>
      %dma_start3A_84 = arith.constant 0 : i32
      %dma_start3A_85 = tpu.memref_slice %arg12[%add3A_14, %dma_start3A_84] : memref<10240x128xf32, #tpu.memory_space<vmem_shared>> -> memref<128x128xf32, #tpu.memory_space<vmem_shared>>
      %dma_start3A_86 = arith.constant 0 : i32
      %dma_start3A_87 = tpu.memref_slice %arg12[%add3A_14, %dma_start3A_86] : memref<10240x128xf32, #tpu.memory_space<vmem_shared>> -> memref<128x128xf32, #tpu.memory_space<vmem_shared>>
      tpu.enqueue_dma source(%arg10 : memref<128x128xf32, #tpu.memory_space<vmem>>) target(%dma_start3A_87 : memref<128x128xf32, #tpu.memory_space<vmem_shared>>) target_semaphore(%run_scoped3A : memref<!tpu.dma_semaphore, #tpu.memory_space<semaphore_mem>>)
      %dma_wait3A_88 = arith.constant 0 : i32
      %dma_wait3A_89 = tpu.memref_slice %arg12[%add3A_14, %dma_wait3A_88] : memref<10240x128xf32, #tpu.memory_space<vmem_shared>> -> memref<128x128xf32, #tpu.memory_space<vmem_shared>>
      %dma_wait3A_90 = arith.constant 0 : i32
      %dma_wait3A_91 = tpu.memref_slice %arg12[%add3A_14, %dma_wait3A_90] : memref<10240x128xf32, #tpu.memory_space<vmem_shared>> -> memref<128x128xf32, #tpu.memory_space<vmem_shared>>
      tpu.wait_dma2 semaphore(%run_scoped3A : memref<!tpu.dma_semaphore, #tpu.memory_space<semaphore_mem>>) src(%arg10 : memref<128x128xf32, #tpu.memory_space<vmem>>) dst(%dma_wait3A_91 : memref<128x128xf32, #tpu.memory_space<vmem_shared>>)
      tpu.yield
    }) : () -> ()
    %mul3A_15 = arith.constant 640 : i32
    %mul3A_16 = arith.muli %arg1, %mul3A_15 : i32
    %add3A_17 = arith.constant 128 : i32
    %add3A_18 = arith.addi %mul3A_16, %add3A_17 : i32
    "tpu.region"() ({
      %run_scoped3A = tpu.sem_alloc : memref<!tpu.dma_semaphore, #tpu.memory_space<semaphore_mem>>
      %dma_start3A_84 = arith.constant 0 : i32
      %dma_start3A_85 = tpu.memref_slice %arg12[%add3A_18, %dma_start3A_84] : memref<10240x128xf32, #tpu.memory_space<vmem_shared>> -> memref<128x128xf32, #tpu.memory_space<vmem_shared>>
      %dma_start3A_86 = arith.constant 0 : i32
      %dma_start3A_87 = tpu.memref_slice %arg12[%add3A_18, %dma_start3A_86] : memref<10240x128xf32, #tpu.memory_space<vmem_shared>> -> memref<128x128xf32, #tpu.memory_space<vmem_shared>>
      tpu.enqueue_dma source(%arg10 : memref<128x128xf32, #tpu.memory_space<vmem>>) target(%dma_start3A_87 : memref<128x128xf32, #tpu.memory_space<vmem_shared>>) target_semaphore(%run_scoped3A : memref<!tpu.dma_semaphore, #tpu.memory_space<semaphore_mem>>)
      %dma_wait3A_88 = arith.constant 0 : i32
      %dma_wait3A_89 = tpu.memref_slice %arg12[%add3A_18, %dma_wait3A_88] : memref<10240x128xf32, #tpu.memory_space<vmem_shared>> -> memref<128x128xf32, #tpu.memory_space<vmem_shared>>
      %dma_wait3A_90 = arith.constant 0 : i32
      %dma_wait3A_91 = tpu.memref_slice %arg12[%add3A_18, %dma_wait3A_90] : memref<10240x128xf32, #tpu.memory_space<vmem_shared>> -> memref<128x128xf32, #tpu.memory_space<vmem_shared>>
      tpu.wait_dma2 semaphore(%run_scoped3A : memref<!tpu.dma_semaphore, #tpu.memory_space<semaphore_mem>>) src(%arg10 : memref<128x128xf32, #tpu.memory_space<vmem>>) dst(%dma_wait3A_91 : memref<128x128xf32, #tpu.memory_space<vmem_shared>>)
      tpu.yield
    }) : () -> ()
    %mul3A_19 = arith.constant 640 : i32
    %mul3A_20 = arith.muli %arg1, %mul3A_19 : i32
    %add3A_21 = arith.constant 256 : i32
    %add3A_22 = arith.addi %mul3A_20, %add3A_21 : i32
    "tpu.region"() ({
      %run_scoped3A = tpu.sem_alloc : memref<!tpu.dma_semaphore, #tpu.memory_space<semaphore_mem>>
      %dma_start3A_84 = arith.constant 0 : i32
      %dma_start3A_85 = tpu.memref_slice %arg12[%add3A_22, %dma_start3A_84] : memref<10240x128xf32, #tpu.memory_space<vmem_shared>> -> memref<128x128xf32, #tpu.memory_space<vmem_shared>>
      %dma_start3A_86 = arith.constant 0 : i32
      %dma_start3A_87 = tpu.memref_slice %arg12[%add3A_22, %dma_start3A_86] : memref<10240x128xf32, #tpu.memory_space<vmem_shared>> -> memref<128x128xf32, #tpu.memory_space<vmem_shared>>
      tpu.enqueue_dma source(%arg10 : memref<128x128xf32, #tpu.memory_space<vmem>>) target(%dma_start3A_87 : memref<128x128xf32, #tpu.memory_space<vmem_shared>>) target_semaphore(%run_scoped3A : memref<!tpu.dma_semaphore, #tpu.memory_space<semaphore_mem>>)
      %dma_wait3A_88 = arith.constant 0 : i32
      %dma_wait3A_89 = tpu.memref_slice %arg12[%add3A_22, %dma_wait3A_88] : memref<10240x128xf32, #tpu.memory_space<vmem_shared>> -> memref<128x128xf32, #tpu.memory_space<vmem_shared>>
      %dma_wait3A_90 = arith.constant 0 : i32
      %dma_wait3A_91 = tpu.memref_slice %arg12[%add3A_22, %dma_wait3A_90] : memref<10240x128xf32, #tpu.memory_space<vmem_shared>> -> memref<128x128xf32, #tpu.memory_space<vmem_shared>>
      tpu.wait_dma2 semaphore(%run_scoped3A : memref<!tpu.dma_semaphore, #tpu.memory_space<semaphore_mem>>) src(%arg10 : memref<128x128xf32, #tpu.memory_space<vmem>>) dst(%dma_wait3A_91 : memref<128x128xf32, #tpu.memory_space<vmem_shared>>)
      tpu.yield
    }) : () -> ()
    %mul3A_23 = arith.constant 640 : i32
    %mul3A_24 = arith.muli %arg1, %mul3A_23 : i32
    %add3A_25 = arith.constant 384 : i32
    %add3A_26 = arith.addi %mul3A_24, %add3A_25 : i32
    "tpu.region"() ({
      %run_scoped3A = tpu.sem_alloc : memref<!tpu.dma_semaphore, #tpu.memory_space<semaphore_mem>>
      %dma_start3A_84 = arith.constant 0 : i32
      %dma_start3A_85 = tpu.memref_slice %arg12[%add3A_26, %dma_start3A_84] : memref<10240x128xf32, #tpu.memory_space<vmem_shared>> -> memref<128x128xf32, #tpu.memory_space<vmem_shared>>
      %dma_start3A_86 = arith.constant 0 : i32
      %dma_start3A_87 = tpu.memref_slice %arg12[%add3A_26, %dma_start3A_86] : memref<10240x128xf32, #tpu.memory_space<vmem_shared>> -> memref<128x128xf32, #tpu.memory_space<vmem_shared>>
      tpu.enqueue_dma source(%arg10 : memref<128x128xf32, #tpu.memory_space<vmem>>) target(%dma_start3A_87 : memref<128x128xf32, #tpu.memory_space<vmem_shared>>) target_semaphore(%run_scoped3A : memref<!tpu.dma_semaphore, #tpu.memory_space<semaphore_mem>>)
      %dma_wait3A_88 = arith.constant 0 : i32
      %dma_wait3A_89 = tpu.memref_slice %arg12[%add3A_26, %dma_wait3A_88] : memref<10240x128xf32, #tpu.memory_space<vmem_shared>> -> memref<128x128xf32, #tpu.memory_space<vmem_shared>>
      %dma_wait3A_90 = arith.constant 0 : i32
      %dma_wait3A_91 = tpu.memref_slice %arg12[%add3A_26, %dma_wait3A_90] : memref<10240x128xf32, #tpu.memory_space<vmem_shared>> -> memref<128x128xf32, #tpu.memory_space<vmem_shared>>
      tpu.wait_dma2 semaphore(%run_scoped3A : memref<!tpu.dma_semaphore, #tpu.memory_space<semaphore_mem>>) src(%arg10 : memref<128x128xf32, #tpu.memory_space<vmem>>) dst(%dma_wait3A_91 : memref<128x128xf32, #tpu.memory_space<vmem_shared>>)
      tpu.yield
    }) : () -> ()
    %mul3A_27 = arith.constant 640 : i32
    %mul3A_28 = arith.muli %arg1, %mul3A_27 : i32
    %add3A_29 = arith.constant 512 : i32
    %add3A_30 = arith.addi %mul3A_28, %add3A_29 : i32
    "tpu.region"() ({
      %run_scoped3A = tpu.sem_alloc : memref<!tpu.dma_semaphore, #tpu.memory_space<semaphore_mem>>
      %dma_start3A_84 = arith.constant 0 : i32
      %dma_start3A_85 = tpu.memref_slice %arg12[%add3A_30, %dma_start3A_84] : memref<10240x128xf32, #tpu.memory_space<vmem_shared>> -> memref<128x128xf32, #tpu.memory_space<vmem_shared>>
      %dma_start3A_86 = arith.constant 0 : i32
      %dma_start3A_87 = tpu.memref_slice %arg12[%add3A_30, %dma_start3A_86] : memref<10240x128xf32, #tpu.memory_space<vmem_shared>> -> memref<128x128xf32, #tpu.memory_space<vmem_shared>>
      tpu.enqueue_dma source(%arg10 : memref<128x128xf32, #tpu.memory_space<vmem>>) target(%dma_start3A_87 : memref<128x128xf32, #tpu.memory_space<vmem_shared>>) target_semaphore(%run_scoped3A : memref<!tpu.dma_semaphore, #tpu.memory_space<semaphore_mem>>)
      %dma_wait3A_88 = arith.constant 0 : i32
      %dma_wait3A_89 = tpu.memref_slice %arg12[%add3A_30, %dma_wait3A_88] : memref<10240x128xf32, #tpu.memory_space<vmem_shared>> -> memref<128x128xf32, #tpu.memory_space<vmem_shared>>
      %dma_wait3A_90 = arith.constant 0 : i32
      %dma_wait3A_91 = tpu.memref_slice %arg12[%add3A_30, %dma_wait3A_90] : memref<10240x128xf32, #tpu.memory_space<vmem_shared>> -> memref<128x128xf32, #tpu.memory_space<vmem_shared>>
      tpu.wait_dma2 semaphore(%run_scoped3A : memref<!tpu.dma_semaphore, #tpu.memory_space<semaphore_mem>>) src(%arg10 : memref<128x128xf32, #tpu.memory_space<vmem>>) dst(%dma_wait3A_91 : memref<128x128xf32, #tpu.memory_space<vmem_shared>>)
      tpu.yield
    }) : () -> ()
    %add3A_31 = arith.constant 0 : i32
    %add3A_32 = arith.addi %add3A, %add3A_31 : i32
    %dma_start3A = tpu.memref_slice %arg3[%add3A_32] : memref<671744xi32, #tpu.memory_space<hbm>> -> memref<128xi32, #tpu.memory_space<hbm>>
    %dma_start3A_33 = tpu.memref_slice %arg3[%add3A_32] : memref<671744xi32, #tpu.memory_space<hbm>> -> memref<128xi32, #tpu.memory_space<hbm>>
    tpu.enqueue_dma source(%dma_start3A_33 : memref<128xi32, #tpu.memory_space<hbm>>) target(%arg6 : memref<128xi32, #tpu.memory_space<vmem>>) target_semaphore(%arg15 : memref<!tpu.dma_semaphore, #tpu.memory_space<semaphore_mem>>)
    %add3A_34 = arith.constant 0 : i32
    %add3A_35 = arith.addi %mul3A_4, %add3A_34 : i32
    %dma_start3A_36 = tpu.memref_slice %arg4[%add3A_35] : memref<335872xi32, #tpu.memory_space<hbm>> -> memref<128xi32, #tpu.memory_space<hbm>>
    %dma_start3A_37 = tpu.memref_slice %arg4[%add3A_35] : memref<335872xi32, #tpu.memory_space<hbm>> -> memref<128xi32, #tpu.memory_space<hbm>>
    tpu.enqueue_dma source(%dma_start3A_37 : memref<128xi32, #tpu.memory_space<hbm>>) target(%arg8 : memref<128xi32, #tpu.memory_space<vmem>>) target_semaphore(%arg15 : memref<!tpu.dma_semaphore, #tpu.memory_space<semaphore_mem>>)
    %dma_wait3A = arith.constant 0 : i32
    %dma_wait3A_38 = tpu.memref_slice %arg3[%dma_wait3A] : memref<671744xi32, #tpu.memory_space<hbm>> -> memref<128xi32, #tpu.memory_space<hbm>>
    %dma_wait3A_39 = arith.constant 0 : i32
    %dma_wait3A_40 = tpu.memref_slice %arg3[%dma_wait3A_39] : memref<671744xi32, #tpu.memory_space<hbm>> -> memref<128xi32, #tpu.memory_space<hbm>>
    tpu.wait_dma2 semaphore(%arg15 : memref<!tpu.dma_semaphore, #tpu.memory_space<semaphore_mem>>) src(%dma_wait3A_40 : memref<128xi32, #tpu.memory_space<hbm>>) dst(%arg6 : memref<128xi32, #tpu.memory_space<vmem>>)
    %dma_wait3A_41 = arith.constant 0 : i32
    %dma_wait3A_42 = tpu.memref_slice %arg4[%dma_wait3A_41] : memref<335872xi32, #tpu.memory_space<hbm>> -> memref<128xi32, #tpu.memory_space<hbm>>
    %dma_wait3A_43 = arith.constant 0 : i32
    %dma_wait3A_44 = tpu.memref_slice %arg4[%dma_wait3A_43] : memref<335872xi32, #tpu.memory_space<hbm>> -> memref<128xi32, #tpu.memory_space<hbm>>
    tpu.wait_dma2 semaphore(%arg15 : memref<!tpu.dma_semaphore, #tpu.memory_space<semaphore_mem>>) src(%dma_wait3A_44 : memref<128xi32, #tpu.memory_space<hbm>>) dst(%arg8 : memref<128xi32, #tpu.memory_space<vmem>>)
    %dma_start3A_45 = arith.constant 0 : i32
    %dma_start3A_46 = arith.constant 0 : i32
    %dma_start3A_47 = tpu.memref_slice %arg2[%dma_start3A_45, %dma_start3A_46] : memref<20480x128xf32, #tpu.memory_space<hbm>> -> memref<20480x128xf32, #tpu.memory_space<hbm>>
    tpu.enqueue_indirect_dma source(%dma_start3A_47 : memref<20480x128xf32, #tpu.memory_space<hbm>>) target(%arg10 : memref<128x128xf32, #tpu.memory_space<vmem>>) offsets(%arg6 : memref<128xi32, #tpu.memory_space<vmem>>) semaphore(%arg13 : memref<!tpu.dma_semaphore, #tpu.memory_space<semaphore_mem>>)
    %add3A_48 = arith.constant 128 : i32
    %add3A_49 = arith.addi %add3A, %add3A_48 : i32
    %dma_start3A_50 = tpu.memref_slice %arg3[%add3A_49] : memref<671744xi32, #tpu.memory_space<hbm>> -> memref<128xi32, #tpu.memory_space<hbm>>
    %dma_start3A_51 = tpu.memref_slice %arg3[%add3A_49] : memref<671744xi32, #tpu.memory_space<hbm>> -> memref<128xi32, #tpu.memory_space<hbm>>
    tpu.enqueue_dma source(%dma_start3A_51 : memref<128xi32, #tpu.memory_space<hbm>>) target(%arg7 : memref<128xi32, #tpu.memory_space<vmem>>) target_semaphore(%arg16 : memref<!tpu.dma_semaphore, #tpu.memory_space<semaphore_mem>>)
    %add3A_52 = arith.constant 128 : i32
    %add3A_53 = arith.addi %mul3A_4, %add3A_52 : i32
    %dma_start3A_54 = tpu.memref_slice %arg4[%add3A_53] : memref<335872xi32, #tpu.memory_space<hbm>> -> memref<128xi32, #tpu.memory_space<hbm>>
    %dma_start3A_55 = tpu.memref_slice %arg4[%add3A_53] : memref<335872xi32, #tpu.memory_space<hbm>> -> memref<128xi32, #tpu.memory_space<hbm>>
    tpu.enqueue_dma source(%dma_start3A_55 : memref<128xi32, #tpu.memory_space<hbm>>) target(%arg9 : memref<128xi32, #tpu.memory_space<vmem>>) target_semaphore(%arg16 : memref<!tpu.dma_semaphore, #tpu.memory_space<semaphore_mem>>)
    %barrier3A = arith.constant 0 : index
    tpu.barrier barrier_id(%barrier3A)
    %scan3A_56 = arith.constant 0 : i32
    %scan3A_57 = arith.constant 0 : i32
    %scan3A_58 = arith.constant 81 : i32
    %scan3A_59 = arith.addi %scan3A_57, %scan3A_58 : i32
    %scan3A_60 = arith.constant 1 : i32
    %scan3A_61 = scf.for %scan3A_84 = %scan3A_57 to %scan3A_59 step %scan3A_60 iter_args(%scan3A_85 = %scan3A_56) -> (i32)  : i32 {
      %dma_wait3A_86 = arith.constant 0 : i32
      %dma_wait3A_87 = arith.constant 0 : i32
      %dma_wait3A_88 = tpu.memref_slice %arg2[%dma_wait3A_86, %dma_wait3A_87] : memref<20480x128xf32, #tpu.memory_space<hbm>> -> memref<128x128xf32, #tpu.memory_space<hbm>>
      %dma_wait3A_89 = arith.constant 0 : i32
      %dma_wait3A_90 = arith.constant 0 : i32
      %dma_wait3A_91 = tpu.memref_slice %arg2[%dma_wait3A_89, %dma_wait3A_90] : memref<20480x128xf32, #tpu.memory_space<hbm>> -> memref<128x128xf32, #tpu.memory_space<hbm>>
      tpu.wait_dma2 semaphore(%arg13 : memref<!tpu.dma_semaphore, #tpu.memory_space<semaphore_mem>>) src(%dma_wait3A_91 : memref<128x128xf32, #tpu.memory_space<hbm>>) dst(%arg10 : memref<128x128xf32, #tpu.memory_space<vmem>>)
      %dma_wait3A_92 = arith.constant 0 : i32
      %dma_wait3A_93 = tpu.memref_slice %arg3[%dma_wait3A_92] : memref<671744xi32, #tpu.memory_space<hbm>> -> memref<128xi32, #tpu.memory_space<hbm>>
      %dma_wait3A_94 = arith.constant 0 : i32
      %dma_wait3A_95 = tpu.memref_slice %arg3[%dma_wait3A_94] : memref<671744xi32, #tpu.memory_space<hbm>> -> memref<128xi32, #tpu.memory_space<hbm>>
      tpu.wait_dma2 semaphore(%arg16 : memref<!tpu.dma_semaphore, #tpu.memory_space<semaphore_mem>>) src(%dma_wait3A_95 : memref<128xi32, #tpu.memory_space<hbm>>) dst(%arg7 : memref<128xi32, #tpu.memory_space<vmem>>)
      %dma_wait3A_96 = arith.constant 0 : i32
      %dma_wait3A_97 = tpu.memref_slice %arg4[%dma_wait3A_96] : memref<335872xi32, #tpu.memory_space<hbm>> -> memref<128xi32, #tpu.memory_space<hbm>>
      %dma_wait3A_98 = arith.constant 0 : i32
      %dma_wait3A_99 = tpu.memref_slice %arg4[%dma_wait3A_98] : memref<335872xi32, #tpu.memory_space<hbm>> -> memref<128xi32, #tpu.memory_space<hbm>>
      tpu.wait_dma2 semaphore(%arg16 : memref<!tpu.dma_semaphore, #tpu.memory_space<semaphore_mem>>) src(%dma_wait3A_99 : memref<128xi32, #tpu.memory_space<hbm>>) dst(%arg9 : memref<128xi32, #tpu.memory_space<vmem>>)
      %dma_start3A_100 = arith.constant 0 : i32
      %dma_start3A_101 = arith.constant 0 : i32
      %dma_start3A_102 = tpu.memref_slice %arg2[%dma_start3A_100, %dma_start3A_101] : memref<20480x128xf32, #tpu.memory_space<hbm>> -> memref<20480x128xf32, #tpu.memory_space<hbm>>
      tpu.enqueue_indirect_dma source(%dma_start3A_102 : memref<20480x128xf32, #tpu.memory_space<hbm>>) target(%arg11 : memref<128x128xf32, #tpu.memory_space<vmem>>) offsets(%arg7 : memref<128xi32, #tpu.memory_space<vmem>>) semaphore(%arg14 : memref<!tpu.dma_semaphore, #tpu.memory_space<semaphore_mem>>)
      "tpu.region"() ({
        %run_scoped3A = tpu.sem_alloc : memref<!tpu.dma_semaphore, #tpu.memory_space<semaphore_mem>>
        %dma_start3A_128 = arith.constant 0 : i32
        %dma_start3A_129 = arith.constant 0 : i32
        %dma_start3A_130 = tpu.memref_slice %arg12[%dma_start3A_128, %dma_start3A_129] : memref<10240x128xf32, #tpu.memory_space<vmem_shared>> -> memref<10240x128xf32, #tpu.memory_space<vmem_shared>>
        tpu.enqueue_indirect_dma source(%arg10 : memref<128x128xf32, #tpu.memory_space<vmem>>) target(%dma_start3A_130 : memref<10240x128xf32, #tpu.memory_space<vmem_shared>>) offsets(%arg8 : memref<128xi32, #tpu.memory_space<vmem>>) semaphore(%run_scoped3A : memref<!tpu.dma_semaphore, #tpu.memory_space<semaphore_mem>>) {add = true}
        %dma_wait3A_131 = arith.constant 0 : i32
        %dma_wait3A_132 = arith.constant 0 : i32
        %dma_wait3A_133 = tpu.memref_slice %arg12[%dma_wait3A_131, %dma_wait3A_132] : memref<10240x128xf32, #tpu.memory_space<vmem_shared>> -> memref<10240x128xf32, #tpu.memory_space<vmem_shared>>
        tpu.wait_indirect_dma semaphore(%run_scoped3A : memref<!tpu.dma_semaphore, #tpu.memory_space<semaphore_mem>>) src(%arg10 : memref<128x128xf32, #tpu.memory_space<vmem>>) dst(%dma_wait3A_133 : memref<10240x128xf32, #tpu.memory_space<vmem_shared>>)
        tpu.yield
      }) : () -> ()
      %add3A_103 = arith.constant 1 : i32
      %add3A_104 = arith.addi %scan3A_84, %add3A_103 : i32
      %lt3A = arith.constant 81 : i32
      %lt3A_105 = arith.cmpi slt, %add3A_104, %lt3A : i32
      %convert_element_type3A = arith.extui %lt3A_105 : i1 to i32
      %cond3A = arith.constant 0 : i32
      %cond3A_106 = arith.cmpi ne, %convert_element_type3A, %cond3A : i32
      scf.if %cond3A_106 {
        %add3A_128 = arith.constant 1 : i32
        %add3A_129 = arith.addi %scan3A_84, %add3A_128 : i32
        %mul3A_130 = arith.constant 2 : i32
        %mul3A_131 = arith.muli %mul3A_130, %add3A_129 : i32
        %mul3A_132 = arith.constant 128 : i32
        %mul3A_133 = arith.muli %mul3A_131, %mul3A_132 : i32
        %add3A_134 = arith.addi %add3A, %mul3A_133 : i32
        %dma_start3A_135 = tpu.memref_slice %arg3[%add3A_134] : memref<671744xi32, #tpu.memory_space<hbm>> -> memref<128xi32, #tpu.memory_space<hbm>>
        %dma_start3A_136 = tpu.memref_slice %arg3[%add3A_134] : memref<671744xi32, #tpu.memory_space<hbm>> -> memref<128xi32, #tpu.memory_space<hbm>>
        tpu.enqueue_dma source(%dma_start3A_136 : memref<128xi32, #tpu.memory_space<hbm>>) target(%arg6 : memref<128xi32, #tpu.memory_space<vmem>>) target_semaphore(%arg15 : memref<!tpu.dma_semaphore, #tpu.memory_space<semaphore_mem>>)
        %mul3A_137 = arith.constant 128 : i32
        %mul3A_138 = arith.muli %mul3A_131, %mul3A_137 : i32
        %add3A_139 = arith.addi %mul3A_4, %mul3A_138 : i32
        %dma_start3A_140 = tpu.memref_slice %arg4[%add3A_139] : memref<335872xi32, #tpu.memory_space<hbm>> -> memref<128xi32, #tpu.memory_space<hbm>>
        %dma_start3A_141 = tpu.memref_slice %arg4[%add3A_139] : memref<335872xi32, #tpu.memory_space<hbm>> -> memref<128xi32, #tpu.memory_space<hbm>>
        tpu.enqueue_dma source(%dma_start3A_141 : memref<128xi32, #tpu.memory_space<hbm>>) target(%arg8 : memref<128xi32, #tpu.memory_space<vmem>>) target_semaphore(%arg15 : memref<!tpu.dma_semaphore, #tpu.memory_space<semaphore_mem>>)
      } else {
      }
      %dma_wait3A_107 = arith.constant 0 : i32
      %dma_wait3A_108 = arith.constant 0 : i32
      %dma_wait3A_109 = tpu.memref_slice %arg2[%dma_wait3A_107, %dma_wait3A_108] : memref<20480x128xf32, #tpu.memory_space<hbm>> -> memref<128x128xf32, #tpu.memory_space<hbm>>
      %dma_wait3A_110 = arith.constant 0 : i32
      %dma_wait3A_111 = arith.constant 0 : i32
      %dma_wait3A_112 = tpu.memref_slice %arg2[%dma_wait3A_110, %dma_wait3A_111] : memref<20480x128xf32, #tpu.memory_space<hbm>> -> memref<128x128xf32, #tpu.memory_space<hbm>>
      tpu.wait_dma2 semaphore(%arg14 : memref<!tpu.dma_semaphore, #tpu.memory_space<semaphore_mem>>) src(%dma_wait3A_112 : memref<128x128xf32, #tpu.memory_space<hbm>>) dst(%arg11 : memref<128x128xf32, #tpu.memory_space<vmem>>)
      %add3A_113 = arith.constant 1 : i32
      %add3A_114 = arith.addi %scan3A_84, %add3A_113 : i32
      %lt3A_115 = arith.constant 81 : i32
      %lt3A_116 = arith.cmpi slt, %add3A_114, %lt3A_115 : i32
      %convert_element_type3A_117 = arith.extui %lt3A_116 : i1 to i32
      %cond3A_118 = arith.constant 0 : i32
      %cond3A_119 = arith.cmpi ne, %convert_element_type3A_117, %cond3A_118 : i32
      scf.if %cond3A_119 {
        %dma_wait3A_128 = arith.constant 0 : i32
        %dma_wait3A_129 = tpu.memref_slice %arg3[%dma_wait3A_128] : memref<671744xi32, #tpu.memory_space<hbm>> -> memref<128xi32, #tpu.memory_space<hbm>>
        %dma_wait3A_130 = arith.constant 0 : i32
        %dma_wait3A_131 = tpu.memref_slice %arg3[%dma_wait3A_130] : memref<671744xi32, #tpu.memory_space<hbm>> -> memref<128xi32, #tpu.memory_space<hbm>>
        tpu.wait_dma2 semaphore(%arg15 : memref<!tpu.dma_semaphore, #tpu.memory_space<semaphore_mem>>) src(%dma_wait3A_131 : memref<128xi32, #tpu.memory_space<hbm>>) dst(%arg6 : memref<128xi32, #tpu.memory_space<vmem>>)
        %dma_wait3A_132 = arith.constant 0 : i32
        %dma_wait3A_133 = tpu.memref_slice %arg4[%dma_wait3A_132] : memref<335872xi32, #tpu.memory_space<hbm>> -> memref<128xi32, #tpu.memory_space<hbm>>
        %dma_wait3A_134 = arith.constant 0 : i32
        %dma_wait3A_135 = tpu.memref_slice %arg4[%dma_wait3A_134] : memref<335872xi32, #tpu.memory_space<hbm>> -> memref<128xi32, #tpu.memory_space<hbm>>
        tpu.wait_dma2 semaphore(%arg15 : memref<!tpu.dma_semaphore, #tpu.memory_space<semaphore_mem>>) src(%dma_wait3A_135 : memref<128xi32, #tpu.memory_space<hbm>>) dst(%arg8 : memref<128xi32, #tpu.memory_space<vmem>>)
        %dma_start3A_136 = arith.constant 0 : i32
        %dma_start3A_137 = arith.constant 0 : i32
        %dma_start3A_138 = tpu.memref_slice %arg2[%dma_start3A_136, %dma_start3A_137] : memref<20480x128xf32, #tpu.memory_space<hbm>> -> memref<20480x128xf32, #tpu.memory_space<hbm>>
        tpu.enqueue_indirect_dma source(%dma_start3A_138 : memref<20480x128xf32, #tpu.memory_space<hbm>>) target(%arg10 : memref<128x128xf32, #tpu.memory_space<vmem>>) offsets(%arg6 : memref<128xi32, #tpu.memory_space<vmem>>) semaphore(%arg13 : memref<!tpu.dma_semaphore, #tpu.memory_space<semaphore_mem>>)
      } else {
      }
      "tpu.region"() ({
        %run_scoped3A = tpu.sem_alloc : memref<!tpu.dma_semaphore, #tpu.memory_space<semaphore_mem>>
        %dma_start3A_128 = arith.constant 0 : i32
        %dma_start3A_129 = arith.constant 0 : i32
        %dma_start3A_130 = tpu.memref_slice %arg12[%dma_start3A_128, %dma_start3A_129] : memref<10240x128xf32, #tpu.memory_space<vmem_shared>> -> memref<10240x128xf32, #tpu.memory_space<vmem_shared>>
        tpu.enqueue_indirect_dma source(%arg11 : memref<128x128xf32, #tpu.memory_space<vmem>>) target(%dma_start3A_130 : memref<10240x128xf32, #tpu.memory_space<vmem_shared>>) offsets(%arg9 : memref<128xi32, #tpu.memory_space<vmem>>) semaphore(%run_scoped3A : memref<!tpu.dma_semaphore, #tpu.memory_space<semaphore_mem>>) {add = true}
        %dma_wait3A_131 = arith.constant 0 : i32
        %dma_wait3A_132 = arith.constant 0 : i32
        %dma_wait3A_133 = tpu.memref_slice %arg12[%dma_wait3A_131, %dma_wait3A_132] : memref<10240x128xf32, #tpu.memory_space<vmem_shared>> -> memref<10240x128xf32, #tpu.memory_space<vmem_shared>>
        tpu.wait_indirect_dma semaphore(%run_scoped3A : memref<!tpu.dma_semaphore, #tpu.memory_space<semaphore_mem>>) src(%arg11 : memref<128x128xf32, #tpu.memory_space<vmem>>) dst(%dma_wait3A_133 : memref<10240x128xf32, #tpu.memory_space<vmem_shared>>)
        tpu.yield
      }) : () -> ()
      %add3A_120 = arith.constant 1 : i32
      %add3A_121 = arith.addi %scan3A_84, %add3A_120 : i32
      %lt3A_122 = arith.constant 81 : i32
      %lt3A_123 = arith.cmpi slt, %add3A_121, %lt3A_122 : i32
      %convert_element_type3A_124 = arith.extui %lt3A_123 : i1 to i32
      %cond3A_125 = arith.constant 0 : i32
      %cond3A_126 = arith.cmpi ne, %convert_element_type3A_124, %cond3A_125 : i32
      scf.if %cond3A_126 {
        %add3A_128 = arith.constant 1 : i32
        %add3A_129 = arith.addi %scan3A_84, %add3A_128 : i32
        %mul3A_130 = arith.constant 2 : i32
        %mul3A_131 = arith.muli %mul3A_130, %add3A_129 : i32
        %add3A_132 = arith.constant 1 : i32
        %add3A_133 = arith.addi %mul3A_131, %add3A_132 : i32
        %mul3A_134 = arith.constant 128 : i32
        %mul3A_135 = arith.muli %add3A_133, %mul3A_134 : i32
        %add3A_136 = arith.addi %add3A, %mul3A_135 : i32
        %dma_start3A_137 = tpu.memref_slice %arg3[%add3A_136] : memref<671744xi32, #tpu.memory_space<hbm>> -> memref<128xi32, #tpu.memory_space<hbm>>
        %dma_start3A_138 = tpu.memref_slice %arg3[%add3A_136] : memref<671744xi32, #tpu.memory_space<hbm>> -> memref<128xi32, #tpu.memory_space<hbm>>
        tpu.enqueue_dma source(%dma_start3A_138 : memref<128xi32, #tpu.memory_space<hbm>>) target(%arg7 : memref<128xi32, #tpu.memory_space<vmem>>) target_semaphore(%arg16 : memref<!tpu.dma_semaphore, #tpu.memory_space<semaphore_mem>>)
        %mul3A_139 = arith.constant 128 : i32
        %mul3A_140 = arith.muli %add3A_133, %mul3A_139 : i32
        %add3A_141 = arith.addi %mul3A_4, %mul3A_140 : i32
        %dma_start3A_142 = tpu.memref_slice %arg4[%add3A_141] : memref<335872xi32, #tpu.memory_space<hbm>> -> memref<128xi32, #tpu.memory_space<hbm>>
        %dma_start3A_143 = tpu.memref_slice %arg4[%add3A_141] : memref<335872xi32, #tpu.memory_space<hbm>> -> memref<128xi32, #tpu.memory_space<hbm>>
        tpu.enqueue_dma source(%dma_start3A_143 : memref<128xi32, #tpu.memory_space<hbm>>) target(%arg9 : memref<128xi32, #tpu.memory_space<vmem>>) target_semaphore(%arg16 : memref<!tpu.dma_semaphore, #tpu.memory_space<semaphore_mem>>)
      } else {
      }
      %scan3A_127 = arith.constant 0 : i32
      scf.yield %scan3A_127 : i32
    }
    %scan3A_62 = arith.constant 81 : i32
    %barrier3A_63 = arith.constant 0 : index
    tpu.barrier barrier_id(%barrier3A_63)
    %mul3A_64 = arith.constant 640 : i32
    %mul3A_65 = arith.muli %arg1, %mul3A_64 : i32
    %add3A_66 = arith.constant 0 : i32
    %add3A_67 = arith.addi %mul3A_65, %add3A_66 : i32
    "tpu.region"() ({
      %run_scoped3A = tpu.sem_alloc : memref<!tpu.dma_semaphore, #tpu.memory_space<semaphore_mem>>
      %dma_start3A_84 = arith.constant 0 : i32
      %dma_start3A_85 = tpu.memref_slice %arg12[%add3A_67, %dma_start3A_84] : memref<10240x128xf32, #tpu.memory_space<vmem_shared>> -> memref<128x128xf32, #tpu.memory_space<vmem_shared>>
      %dma_start3A_86 = arith.constant 0 : i32
      %dma_start3A_87 = tpu.memref_slice %arg12[%add3A_67, %dma_start3A_86] : memref<10240x128xf32, #tpu.memory_space<vmem_shared>> -> memref<128x128xf32, #tpu.memory_space<vmem_shared>>
      tpu.enqueue_dma source(%dma_start3A_87 : memref<128x128xf32, #tpu.memory_space<vmem_shared>>) target(%arg10 : memref<128x128xf32, #tpu.memory_space<vmem>>) target_semaphore(%run_scoped3A : memref<!tpu.dma_semaphore, #tpu.memory_space<semaphore_mem>>)
      %dma_wait3A_88 = arith.constant 0 : i32
      %dma_wait3A_89 = tpu.memref_slice %arg12[%add3A_67, %dma_wait3A_88] : memref<10240x128xf32, #tpu.memory_space<vmem_shared>> -> memref<128x128xf32, #tpu.memory_space<vmem_shared>>
      %dma_wait3A_90 = arith.constant 0 : i32
      %dma_wait3A_91 = tpu.memref_slice %arg12[%add3A_67, %dma_wait3A_90] : memref<10240x128xf32, #tpu.memory_space<vmem_shared>> -> memref<128x128xf32, #tpu.memory_space<vmem_shared>>
      tpu.wait_dma2 semaphore(%run_scoped3A : memref<!tpu.dma_semaphore, #tpu.memory_space<semaphore_mem>>) src(%dma_wait3A_91 : memref<128x128xf32, #tpu.memory_space<vmem_shared>>) dst(%arg10 : memref<128x128xf32, #tpu.memory_space<vmem>>)
      tpu.yield
    }) : () -> ()
    "tpu.region"() ({
      %run_scoped3A = tpu.sem_alloc : memref<!tpu.dma_semaphore, #tpu.memory_space<semaphore_mem>>
      %dma_start3A_84 = arith.constant 0 : i32
      %dma_start3A_85 = tpu.memref_slice %arg5[%arg0, %add3A_67, %dma_start3A_84] : memref<2x10240x128xf32, #tpu.memory_space<hbm>> -> memref<1x128x128xf32, #tpu.memory_space<hbm>>
      %dma_start3A_86 = tpu.memref_squeeze %dma_start3A_85 : memref<1x128x128xf32, #tpu.memory_space<hbm>> -> memref<128x128xf32, #tpu.memory_space<hbm>>
      %dma_start3A_87 = arith.constant 0 : i32
      %dma_start3A_88 = tpu.memref_slice %arg5[%arg0, %add3A_67, %dma_start3A_87] : memref<2x10240x128xf32, #tpu.memory_space<hbm>> -> memref<1x128x128xf32, #tpu.memory_space<hbm>>
      %dma_start3A_89 = tpu.memref_squeeze %dma_start3A_88 : memref<1x128x128xf32, #tpu.memory_space<hbm>> -> memref<128x128xf32, #tpu.memory_space<hbm>>
      tpu.enqueue_dma source(%arg10 : memref<128x128xf32, #tpu.memory_space<vmem>>) target(%dma_start3A_89 : memref<128x128xf32, #tpu.memory_space<hbm>>) target_semaphore(%run_scoped3A : memref<!tpu.dma_semaphore, #tpu.memory_space<semaphore_mem>>)
      %dma_wait3A_90 = arith.constant 0 : i32
      %dma_wait3A_91 = tpu.memref_slice %arg5[%arg0, %add3A_67, %dma_wait3A_90] : memref<2x10240x128xf32, #tpu.memory_space<hbm>> -> memref<1x128x128xf32, #tpu.memory_space<hbm>>
      %dma_wait3A_92 = tpu.memref_squeeze %dma_wait3A_91 : memref<1x128x128xf32, #tpu.memory_space<hbm>> -> memref<128x128xf32, #tpu.memory_space<hbm>>
      %dma_wait3A_93 = arith.constant 0 : i32
      %dma_wait3A_94 = tpu.memref_slice %arg5[%arg0, %add3A_67, %dma_wait3A_93] : memref<2x10240x128xf32, #tpu.memory_space<hbm>> -> memref<1x128x128xf32, #tpu.memory_space<hbm>>
      %dma_wait3A_95 = tpu.memref_squeeze %dma_wait3A_94 : memref<1x128x128xf32, #tpu.memory_space<hbm>> -> memref<128x128xf32, #tpu.memory_space<hbm>>
      tpu.wait_dma2 semaphore(%run_scoped3A : memref<!tpu.dma_semaphore, #tpu.memory_space<semaphore_mem>>) src(%arg10 : memref<128x128xf32, #tpu.memory_space<vmem>>) dst(%dma_wait3A_95 : memref<128x128xf32, #tpu.memory_space<hbm>>)
      tpu.yield
    }) : () -> ()
    %mul3A_68 = arith.constant 640 : i32
    %mul3A_69 = arith.muli %arg1, %mul3A_68 : i32
    %add3A_70 = arith.constant 128 : i32
    %add3A_71 = arith.addi %mul3A_69, %add3A_70 : i32
    "tpu.region"() ({
      %run_scoped3A = tpu.sem_alloc : memref<!tpu.dma_semaphore, #tpu.memory_space<semaphore_mem>>
      %dma_start3A_84 = arith.constant 0 : i32
      %dma_start3A_85 = tpu.memref_slice %arg12[%add3A_71, %dma_start3A_84] : memref<10240x128xf32, #tpu.memory_space<vmem_shared>> -> memref<128x128xf32, #tpu.memory_space<vmem_shared>>
      %dma_start3A_86 = arith.constant 0 : i32
      %dma_start3A_87 = tpu.memref_slice %arg12[%add3A_71, %dma_start3A_86] : memref<10240x128xf32, #tpu.memory_space<vmem_shared>> -> memref<128x128xf32, #tpu.memory_space<vmem_shared>>
      tpu.enqueue_dma source(%dma_start3A_87 : memref<128x128xf32, #tpu.memory_space<vmem_shared>>) target(%arg10 : memref<128x128xf32, #tpu.memory_space<vmem>>) target_semaphore(%run_scoped3A : memref<!tpu.dma_semaphore, #tpu.memory_space<semaphore_mem>>)
      %dma_wait3A_88 = arith.constant 0 : i32
      %dma_wait3A_89 = tpu.memref_slice %arg12[%add3A_71, %dma_wait3A_88] : memref<10240x128xf32, #tpu.memory_space<vmem_shared>> -> memref<128x128xf32, #tpu.memory_space<vmem_shared>>
      %dma_wait3A_90 = arith.constant 0 : i32
      %dma_wait3A_91 = tpu.memref_slice %arg12[%add3A_71, %dma_wait3A_90] : memref<10240x128xf32, #tpu.memory_space<vmem_shared>> -> memref<128x128xf32, #tpu.memory_space<vmem_shared>>
      tpu.wait_dma2 semaphore(%run_scoped3A : memref<!tpu.dma_semaphore, #tpu.memory_space<semaphore_mem>>) src(%dma_wait3A_91 : memref<128x128xf32, #tpu.memory_space<vmem_shared>>) dst(%arg10 : memref<128x128xf32, #tpu.memory_space<vmem>>)
      tpu.yield
    }) : () -> ()
    "tpu.region"() ({
      %run_scoped3A = tpu.sem_alloc : memref<!tpu.dma_semaphore, #tpu.memory_space<semaphore_mem>>
      %dma_start3A_84 = arith.constant 0 : i32
      %dma_start3A_85 = tpu.memref_slice %arg5[%arg0, %add3A_71, %dma_start3A_84] : memref<2x10240x128xf32, #tpu.memory_space<hbm>> -> memref<1x128x128xf32, #tpu.memory_space<hbm>>
      %dma_start3A_86 = tpu.memref_squeeze %dma_start3A_85 : memref<1x128x128xf32, #tpu.memory_space<hbm>> -> memref<128x128xf32, #tpu.memory_space<hbm>>
      %dma_start3A_87 = arith.constant 0 : i32
      %dma_start3A_88 = tpu.memref_slice %arg5[%arg0, %add3A_71, %dma_start3A_87] : memref<2x10240x128xf32, #tpu.memory_space<hbm>> -> memref<1x128x128xf32, #tpu.memory_space<hbm>>
      %dma_start3A_89 = tpu.memref_squeeze %dma_start3A_88 : memref<1x128x128xf32, #tpu.memory_space<hbm>> -> memref<128x128xf32, #tpu.memory_space<hbm>>
      tpu.enqueue_dma source(%arg10 : memref<128x128xf32, #tpu.memory_space<vmem>>) target(%dma_start3A_89 : memref<128x128xf32, #tpu.memory_space<hbm>>) target_semaphore(%run_scoped3A : memref<!tpu.dma_semaphore, #tpu.memory_space<semaphore_mem>>)
      %dma_wait3A_90 = arith.constant 0 : i32
      %dma_wait3A_91 = tpu.memref_slice %arg5[%arg0, %add3A_71, %dma_wait3A_90] : memref<2x10240x128xf32, #tpu.memory_space<hbm>> -> memref<1x128x128xf32, #tpu.memory_space<hbm>>
      %dma_wait3A_92 = tpu.memref_squeeze %dma_wait3A_91 : memref<1x128x128xf32, #tpu.memory_space<hbm>> -> memref<128x128xf32, #tpu.memory_space<hbm>>
      %dma_wait3A_93 = arith.constant 0 : i32
      %dma_wait3A_94 = tpu.memref_slice %arg5[%arg0, %add3A_71, %dma_wait3A_93] : memref<2x10240x128xf32, #tpu.memory_space<hbm>> -> memref<1x128x128xf32, #tpu.memory_space<hbm>>
      %dma_wait3A_95 = tpu.memref_squeeze %dma_wait3A_94 : memref<1x128x128xf32, #tpu.memory_space<hbm>> -> memref<128x128xf32, #tpu.memory_space<hbm>>
      tpu.wait_dma2 semaphore(%run_scoped3A : memref<!tpu.dma_semaphore, #tpu.memory_space<semaphore_mem>>) src(%arg10 : memref<128x128xf32, #tpu.memory_space<vmem>>) dst(%dma_wait3A_95 : memref<128x128xf32, #tpu.memory_space<hbm>>)
      tpu.yield
    }) : () -> ()
    %mul3A_72 = arith.constant 640 : i32
    %mul3A_73 = arith.muli %arg1, %mul3A_72 : i32
    %add3A_74 = arith.constant 256 : i32
    %add3A_75 = arith.addi %mul3A_73, %add3A_74 : i32
    "tpu.region"() ({
      %run_scoped3A = tpu.sem_alloc : memref<!tpu.dma_semaphore, #tpu.memory_space<semaphore_mem>>
      %dma_start3A_84 = arith.constant 0 : i32
      %dma_start3A_85 = tpu.memref_slice %arg12[%add3A_75, %dma_start3A_84] : memref<10240x128xf32, #tpu.memory_space<vmem_shared>> -> memref<128x128xf32, #tpu.memory_space<vmem_shared>>
      %dma_start3A_86 = arith.constant 0 : i32
      %dma_start3A_87 = tpu.memref_slice %arg12[%add3A_75, %dma_start3A_86] : memref<10240x128xf32, #tpu.memory_space<vmem_shared>> -> memref<128x128xf32, #tpu.memory_space<vmem_shared>>
      tpu.enqueue_dma source(%dma_start3A_87 : memref<128x128xf32, #tpu.memory_space<vmem_shared>>) target(%arg10 : memref<128x128xf32, #tpu.memory_space<vmem>>) target_semaphore(%run_scoped3A : memref<!tpu.dma_semaphore, #tpu.memory_space<semaphore_mem>>)
      %dma_wait3A_88 = arith.constant 0 : i32
      %dma_wait3A_89 = tpu.memref_slice %arg12[%add3A_75, %dma_wait3A_88] : memref<10240x128xf32, #tpu.memory_space<vmem_shared>> -> memref<128x128xf32, #tpu.memory_space<vmem_shared>>
      %dma_wait3A_90 = arith.constant 0 : i32
      %dma_wait3A_91 = tpu.memref_slice %arg12[%add3A_75, %dma_wait3A_90] : memref<10240x128xf32, #tpu.memory_space<vmem_shared>> -> memref<128x128xf32, #tpu.memory_space<vmem_shared>>
      tpu.wait_dma2 semaphore(%run_scoped3A : memref<!tpu.dma_semaphore, #tpu.memory_space<semaphore_mem>>) src(%dma_wait3A_91 : memref<128x128xf32, #tpu.memory_space<vmem_shared>>) dst(%arg10 : memref<128x128xf32, #tpu.memory_space<vmem>>)
      tpu.yield
    }) : () -> ()
    "tpu.region"() ({
      %run_scoped3A = tpu.sem_alloc : memref<!tpu.dma_semaphore, #tpu.memory_space<semaphore_mem>>
      %dma_start3A_84 = arith.constant 0 : i32
      %dma_start3A_85 = tpu.memref_slice %arg5[%arg0, %add3A_75, %dma_start3A_84] : memref<2x10240x128xf32, #tpu.memory_space<hbm>> -> memref<1x128x128xf32, #tpu.memory_space<hbm>>
      %dma_start3A_86 = tpu.memref_squeeze %dma_start3A_85 : memref<1x128x128xf32, #tpu.memory_space<hbm>> -> memref<128x128xf32, #tpu.memory_space<hbm>>
      %dma_start3A_87 = arith.constant 0 : i32
      %dma_start3A_88 = tpu.memref_slice %arg5[%arg0, %add3A_75, %dma_start3A_87] : memref<2x10240x128xf32, #tpu.memory_space<hbm>> -> memref<1x128x128xf32, #tpu.memory_space<hbm>>
      %dma_start3A_89 = tpu.memref_squeeze %dma_start3A_88 : memref<1x128x128xf32, #tpu.memory_space<hbm>> -> memref<128x128xf32, #tpu.memory_space<hbm>>
      tpu.enqueue_dma source(%arg10 : memref<128x128xf32, #tpu.memory_space<vmem>>) target(%dma_start3A_89 : memref<128x128xf32, #tpu.memory_space<hbm>>) target_semaphore(%run_scoped3A : memref<!tpu.dma_semaphore, #tpu.memory_space<semaphore_mem>>)
      %dma_wait3A_90 = arith.constant 0 : i32
      %dma_wait3A_91 = tpu.memref_slice %arg5[%arg0, %add3A_75, %dma_wait3A_90] : memref<2x10240x128xf32, #tpu.memory_space<hbm>> -> memref<1x128x128xf32, #tpu.memory_space<hbm>>
      %dma_wait3A_92 = tpu.memref_squeeze %dma_wait3A_91 : memref<1x128x128xf32, #tpu.memory_space<hbm>> -> memref<128x128xf32, #tpu.memory_space<hbm>>
      %dma_wait3A_93 = arith.constant 0 : i32
      %dma_wait3A_94 = tpu.memref_slice %arg5[%arg0, %add3A_75, %dma_wait3A_93] : memref<2x10240x128xf32, #tpu.memory_space<hbm>> -> memref<1x128x128xf32, #tpu.memory_space<hbm>>
      %dma_wait3A_95 = tpu.memref_squeeze %dma_wait3A_94 : memref<1x128x128xf32, #tpu.memory_space<hbm>> -> memref<128x128xf32, #tpu.memory_space<hbm>>
      tpu.wait_dma2 semaphore(%run_scoped3A : memref<!tpu.dma_semaphore, #tpu.memory_space<semaphore_mem>>) src(%arg10 : memref<128x128xf32, #tpu.memory_space<vmem>>) dst(%dma_wait3A_95 : memref<128x128xf32, #tpu.memory_space<hbm>>)
      tpu.yield
    }) : () -> ()
    %mul3A_76 = arith.constant 640 : i32
    %mul3A_77 = arith.muli %arg1, %mul3A_76 : i32
    %add3A_78 = arith.constant 384 : i32
    %add3A_79 = arith.addi %mul3A_77, %add3A_78 : i32
    "tpu.region"() ({
      %run_scoped3A = tpu.sem_alloc : memref<!tpu.dma_semaphore, #tpu.memory_space<semaphore_mem>>
      %dma_start3A_84 = arith.constant 0 : i32
      %dma_start3A_85 = tpu.memref_slice %arg12[%add3A_79, %dma_start3A_84] : memref<10240x128xf32, #tpu.memory_space<vmem_shared>> -> memref<128x128xf32, #tpu.memory_space<vmem_shared>>
      %dma_start3A_86 = arith.constant 0 : i32
      %dma_start3A_87 = tpu.memref_slice %arg12[%add3A_79, %dma_start3A_86] : memref<10240x128xf32, #tpu.memory_space<vmem_shared>> -> memref<128x128xf32, #tpu.memory_space<vmem_shared>>
      tpu.enqueue_dma source(%dma_start3A_87 : memref<128x128xf32, #tpu.memory_space<vmem_shared>>) target(%arg10 : memref<128x128xf32, #tpu.memory_space<vmem>>) target_semaphore(%run_scoped3A : memref<!tpu.dma_semaphore, #tpu.memory_space<semaphore_mem>>)
      %dma_wait3A_88 = arith.constant 0 : i32
      %dma_wait3A_89 = tpu.memref_slice %arg12[%add3A_79, %dma_wait3A_88] : memref<10240x128xf32, #tpu.memory_space<vmem_shared>> -> memref<128x128xf32, #tpu.memory_space<vmem_shared>>
      %dma_wait3A_90 = arith.constant 0 : i32
      %dma_wait3A_91 = tpu.memref_slice %arg12[%add3A_79, %dma_wait3A_90] : memref<10240x128xf32, #tpu.memory_space<vmem_shared>> -> memref<128x128xf32, #tpu.memory_space<vmem_shared>>
      tpu.wait_dma2 semaphore(%run_scoped3A : memref<!tpu.dma_semaphore, #tpu.memory_space<semaphore_mem>>) src(%dma_wait3A_91 : memref<128x128xf32, #tpu.memory_space<vmem_shared>>) dst(%arg10 : memref<128x128xf32, #tpu.memory_space<vmem>>)
      tpu.yield
    }) : () -> ()
    "tpu.region"() ({
      %run_scoped3A = tpu.sem_alloc : memref<!tpu.dma_semaphore, #tpu.memory_space<semaphore_mem>>
      %dma_start3A_84 = arith.constant 0 : i32
      %dma_start3A_85 = tpu.memref_slice %arg5[%arg0, %add3A_79, %dma_start3A_84] : memref<2x10240x128xf32, #tpu.memory_space<hbm>> -> memref<1x128x128xf32, #tpu.memory_space<hbm>>
      %dma_start3A_86 = tpu.memref_squeeze %dma_start3A_85 : memref<1x128x128xf32, #tpu.memory_space<hbm>> -> memref<128x128xf32, #tpu.memory_space<hbm>>
      %dma_start3A_87 = arith.constant 0 : i32
      %dma_start3A_88 = tpu.memref_slice %arg5[%arg0, %add3A_79, %dma_start3A_87] : memref<2x10240x128xf32, #tpu.memory_space<hbm>> -> memref<1x128x128xf32, #tpu.memory_space<hbm>>
      %dma_start3A_89 = tpu.memref_squeeze %dma_start3A_88 : memref<1x128x128xf32, #tpu.memory_space<hbm>> -> memref<128x128xf32, #tpu.memory_space<hbm>>
      tpu.enqueue_dma source(%arg10 : memref<128x128xf32, #tpu.memory_space<vmem>>) target(%dma_start3A_89 : memref<128x128xf32, #tpu.memory_space<hbm>>) target_semaphore(%run_scoped3A : memref<!tpu.dma_semaphore, #tpu.memory_space<semaphore_mem>>)
      %dma_wait3A_90 = arith.constant 0 : i32
      %dma_wait3A_91 = tpu.memref_slice %arg5[%arg0, %add3A_79, %dma_wait3A_90] : memref<2x10240x128xf32, #tpu.memory_space<hbm>> -> memref<1x128x128xf32, #tpu.memory_space<hbm>>
      %dma_wait3A_92 = tpu.memref_squeeze %dma_wait3A_91 : memref<1x128x128xf32, #tpu.memory_space<hbm>> -> memref<128x128xf32, #tpu.memory_space<hbm>>
      %dma_wait3A_93 = arith.constant 0 : i32
      %dma_wait3A_94 = tpu.memref_slice %arg5[%arg0, %add3A_79, %dma_wait3A_93] : memref<2x10240x128xf32, #tpu.memory_space<hbm>> -> memref<1x128x128xf32, #tpu.memory_space<hbm>>
      %dma_wait3A_95 = tpu.memref_squeeze %dma_wait3A_94 : memref<1x128x128xf32, #tpu.memory_space<hbm>> -> memref<128x128xf32, #tpu.memory_space<hbm>>
      tpu.wait_dma2 semaphore(%run_scoped3A : memref<!tpu.dma_semaphore, #tpu.memory_space<semaphore_mem>>) src(%arg10 : memref<128x128xf32, #tpu.memory_space<vmem>>) dst(%dma_wait3A_95 : memref<128x128xf32, #tpu.memory_space<hbm>>)
      tpu.yield
    }) : () -> ()
    %mul3A_80 = arith.constant 640 : i32
    %mul3A_81 = arith.muli %arg1, %mul3A_80 : i32
    %add3A_82 = arith.constant 512 : i32
    %add3A_83 = arith.addi %mul3A_81, %add3A_82 : i32
    "tpu.region"() ({
      %run_scoped3A = tpu.sem_alloc : memref<!tpu.dma_semaphore, #tpu.memory_space<semaphore_mem>>
      %dma_start3A_84 = arith.constant 0 : i32
      %dma_start3A_85 = tpu.memref_slice %arg12[%add3A_83, %dma_start3A_84] : memref<10240x128xf32, #tpu.memory_space<vmem_shared>> -> memref<128x128xf32, #tpu.memory_space<vmem_shared>>
      %dma_start3A_86 = arith.constant 0 : i32
      %dma_start3A_87 = tpu.memref_slice %arg12[%add3A_83, %dma_start3A_86] : memref<10240x128xf32, #tpu.memory_space<vmem_shared>> -> memref<128x128xf32, #tpu.memory_space<vmem_shared>>
      tpu.enqueue_dma source(%dma_start3A_87 : memref<128x128xf32, #tpu.memory_space<vmem_shared>>) target(%arg10 : memref<128x128xf32, #tpu.memory_space<vmem>>) target_semaphore(%run_scoped3A : memref<!tpu.dma_semaphore, #tpu.memory_space<semaphore_mem>>)
      %dma_wait3A_88 = arith.constant 0 : i32
      %dma_wait3A_89 = tpu.memref_slice %arg12[%add3A_83, %dma_wait3A_88] : memref<10240x128xf32, #tpu.memory_space<vmem_shared>> -> memref<128x128xf32, #tpu.memory_space<vmem_shared>>
      %dma_wait3A_90 = arith.constant 0 : i32
      %dma_wait3A_91 = tpu.memref_slice %arg12[%add3A_83, %dma_wait3A_90] : memref<10240x128xf32, #tpu.memory_space<vmem_shared>> -> memref<128x128xf32, #tpu.memory_space<vmem_shared>>
      tpu.wait_dma2 semaphore(%run_scoped3A : memref<!tpu.dma_semaphore, #tpu.memory_space<semaphore_mem>>) src(%dma_wait3A_91 : memref<128x128xf32, #tpu.memory_space<vmem_shared>>) dst(%arg10 : memref<128x128xf32, #tpu.memory_space<vmem>>)
      tpu.yield
    }) : () -> ()
    "tpu.region"() ({
      %run_scoped3A = tpu.sem_alloc : memref<!tpu.dma_semaphore, #tpu.memory_space<semaphore_mem>>
      %dma_start3A_84 = arith.constant 0 : i32
      %dma_start3A_85 = tpu.memref_slice %arg5[%arg0, %add3A_83, %dma_start3A_84] : memref<2x10240x128xf32, #tpu.memory_space<hbm>> -> memref<1x128x128xf32, #tpu.memory_space<hbm>>
      %dma_start3A_86 = tpu.memref_squeeze %dma_start3A_85 : memref<1x128x128xf32, #tpu.memory_space<hbm>> -> memref<128x128xf32, #tpu.memory_space<hbm>>
      %dma_start3A_87 = arith.constant 0 : i32
      %dma_start3A_88 = tpu.memref_slice %arg5[%arg0, %add3A_83, %dma_start3A_87] : memref<2x10240x128xf32, #tpu.memory_space<hbm>> -> memref<1x128x128xf32, #tpu.memory_space<hbm>>
      %dma_start3A_89 = tpu.memref_squeeze %dma_start3A_88 : memref<1x128x128xf32, #tpu.memory_space<hbm>> -> memref<128x128xf32, #tpu.memory_space<hbm>>
      tpu.enqueue_dma source(%arg10 : memref<128x128xf32, #tpu.memory_space<vmem>>) target(%dma_start3A_89 : memref<128x128xf32, #tpu.memory_space<hbm>>) target_semaphore(%run_scoped3A : memref<!tpu.dma_semaphore, #tpu.memory_space<semaphore_mem>>)
      %dma_wait3A_90 = arith.constant 0 : i32
      %dma_wait3A_91 = tpu.memref_slice %arg5[%arg0, %add3A_83, %dma_wait3A_90] : memref<2x10240x128xf32, #tpu.memory_space<hbm>> -> memref<1x128x128xf32, #tpu.memory_space<hbm>>
      %dma_wait3A_92 = tpu.memref_squeeze %dma_wait3A_91 : memref<1x128x128xf32, #tpu.memory_space<hbm>> -> memref<128x128xf32, #tpu.memory_space<hbm>>
      %dma_wait3A_93 = arith.constant 0 : i32
      %dma_wait3A_94 = tpu.memref_slice %arg5[%arg0, %add3A_83, %dma_wait3A_93] : memref<2x10240x128xf32, #tpu.memory_space<hbm>> -> memref<1x128x128xf32, #tpu.memory_space<hbm>>
      %dma_wait3A_95 = tpu.memref_squeeze %dma_wait3A_94 : memref<1x128x128xf32, #tpu.memory_space<hbm>> -> memref<128x128xf32, #tpu.memory_space<hbm>>
      tpu.wait_dma2 semaphore(%run_scoped3A : memref<!tpu.dma_semaphore, #tpu.memory_space<semaphore_mem>>) src(%arg10 : memref<128x128xf32, #tpu.memory_space<vmem>>) dst(%dma_wait3A_95 : memref<128x128xf32, #tpu.memory_space<hbm>>)
      tpu.yield
    }) : () -> ()
    return
  }
}

#map = affine_map<(d0, d1) -> (0)>
#map1 = affine_map<(d0, d1) -> (0, 0)>
module attributes {stable_mosaic.version = 14 : i64} {
  func.func @_deg_body(%arg0: i32, %arg1: i32, %arg2: memref<335872xi32, #tpu.memory_space<hbm>>, %arg3: memref<2x10240xf32, #tpu.memory_space<hbm>>, %arg4: memref<128xi32, #tpu.memory_space<vmem>>, %arg5: memref<128xi32, #tpu.memory_space<vmem>>, %arg6: memref<128xf32, #tpu.memory_space<vmem>>, %arg7: memref<640xf32, #tpu.memory_space<vmem>>, %arg8: memref<10240xf32, #tpu.memory_space<vmem_shared>>, %arg9: memref<!tpu.dma_semaphore, #tpu.memory_space<semaphore_mem>>, %arg10: memref<!tpu.dma_semaphore, #tpu.memory_space<semaphore_mem>>) attributes {dimension_semantics = [#tpu.dimension_semantics<core_parallel>, #tpu.dimension_semantics<subcore_parallel>], iteration_bounds = array<i64: 2, 16>, scalar_prefetch = 0 : i64, scratch_operands = 7 : i64, tpu.core_type = #tpu.core_type<sc_vector_subcore>, window_params = [{transform_indices = #map}, {transform_indices = #map1}]} {
    %scan3A = arith.constant 0 : i32
    %scan3A_0 = arith.constant 0 : i32
    %scan3A_1 = arith.constant 8 : i32
    %scan3A_2 = arith.addi %scan3A_0, %scan3A_1 : i32
    %scan3A_3 = arith.constant 1 : i32
    %scan3A_4 = scf.for %scan3A_33 = %scan3A_0 to %scan3A_2 step %scan3A_3 iter_args(%scan3A_34 = %scan3A) -> (i32)  : i32 {
      %broadcast_in_dim3A = arith.constant 1.000000e+00 : f32
      %broadcast_in_dim3A_35 = vector.broadcast %broadcast_in_dim3A : f32 to vector<16xf32>
      %mul3A_36 = arith.constant 16 : i32
      %mul3A_37 = arith.muli %scan3A_33, %mul3A_36 : i32
      %swap3A = arith.index_cast %mul3A_37 : i32 to index
      %swap3A_38 = tpu.vector_load %arg6[%swap3A] {strides = array<i32>} : memref<128xf32, #tpu.memory_space<vmem>>, vector<16xf32>,
      %swap3A_39 = vector.shape_cast %swap3A_38 : vector<16xf32> to vector<16xf32>
      %swap3A_40 = vector.shape_cast %broadcast_in_dim3A_35 : vector<16xf32> to vector<16xf32>
      tpu.vector_store %arg6[%swap3A], %swap3A_40 {strides = array<i32>} : memref<128xf32, #tpu.memory_space<vmem>>, vector<16xf32>,
      %scan3A_41 = arith.constant 0 : i32
      scf.yield %scan3A_41 : i32
    }
    %scan3A_5 = arith.constant 8 : i32
    %scan3A_6 = arith.constant 0 : i32
    %scan3A_7 = arith.constant 0 : i32
    %scan3A_8 = arith.constant 40 : i32
    %scan3A_9 = arith.addi %scan3A_7, %scan3A_8 : i32
    %scan3A_10 = arith.constant 1 : i32
    %scan3A_11 = scf.for %scan3A_33 = %scan3A_7 to %scan3A_9 step %scan3A_10 iter_args(%scan3A_34 = %scan3A_6) -> (i32)  : i32 {
      %broadcast_in_dim3A = arith.constant 0.000000e+00 : f32
      %broadcast_in_dim3A_35 = vector.broadcast %broadcast_in_dim3A : f32 to vector<16xf32>
      %mul3A_36 = arith.constant 16 : i32
      %mul3A_37 = arith.muli %scan3A_33, %mul3A_36 : i32
      %swap3A = arith.index_cast %mul3A_37 : i32 to index
      %swap3A_38 = tpu.vector_load %arg7[%swap3A] {strides = array<i32>} : memref<640xf32, #tpu.memory_space<vmem>>, vector<16xf32>,
      %swap3A_39 = vector.shape_cast %swap3A_38 : vector<16xf32> to vector<16xf32>
      %swap3A_40 = vector.shape_cast %broadcast_in_dim3A_35 : vector<16xf32> to vector<16xf32>
      tpu.vector_store %arg7[%swap3A], %swap3A_40 {strides = array<i32>} : memref<640xf32, #tpu.memory_space<vmem>>, vector<16xf32>,
      %scan3A_41 = arith.constant 0 : i32
      scf.yield %scan3A_41 : i32
    }
    %scan3A_12 = arith.constant 40 : i32
    %mul3A = arith.constant 640 : i32
    %mul3A_13 = arith.muli %arg1, %mul3A : i32
    "tpu.region"() ({
      %run_scoped3A = tpu.sem_alloc : memref<!tpu.dma_semaphore, #tpu.memory_space<semaphore_mem>>
      %dma_start3A_33 = tpu.memref_slice %arg8[%mul3A_13] : memref<10240xf32, #tpu.memory_space<vmem_shared>> -> memref<640xf32, #tpu.memory_space<vmem_shared>>
      %dma_start3A_34 = tpu.memref_slice %arg8[%mul3A_13] : memref<10240xf32, #tpu.memory_space<vmem_shared>> -> memref<640xf32, #tpu.memory_space<vmem_shared>>
      tpu.enqueue_dma source(%arg7 : memref<640xf32, #tpu.memory_space<vmem>>) target(%dma_start3A_34 : memref<640xf32, #tpu.memory_space<vmem_shared>>) target_semaphore(%run_scoped3A : memref<!tpu.dma_semaphore, #tpu.memory_space<semaphore_mem>>)
      %dma_wait3A = tpu.memref_slice %arg8[%mul3A_13] : memref<10240xf32, #tpu.memory_space<vmem_shared>> -> memref<640xf32, #tpu.memory_space<vmem_shared>>
      %dma_wait3A_35 = tpu.memref_slice %arg8[%mul3A_13] : memref<10240xf32, #tpu.memory_space<vmem_shared>> -> memref<640xf32, #tpu.memory_space<vmem_shared>>
      tpu.wait_dma2 semaphore(%run_scoped3A : memref<!tpu.dma_semaphore, #tpu.memory_space<semaphore_mem>>) src(%arg7 : memref<640xf32, #tpu.memory_space<vmem>>) dst(%dma_wait3A_35 : memref<640xf32, #tpu.memory_space<vmem_shared>>)
      tpu.yield
    }) : () -> ()
    %mul3A_14 = arith.constant 167936 : i32
    %mul3A_15 = arith.muli %arg0, %mul3A_14 : i32
    %mul3A_16 = arith.constant 10496 : i32
    %mul3A_17 = arith.muli %arg1, %mul3A_16 : i32
    %add3A = arith.addi %mul3A_15, %mul3A_17 : i32
    %add3A_18 = arith.constant 0 : i32
    %add3A_19 = arith.addi %add3A, %add3A_18 : i32
    %dma_start3A = tpu.memref_slice %arg2[%add3A_19] : memref<335872xi32, #tpu.memory_space<hbm>> -> memref<128xi32, #tpu.memory_space<hbm>>
    %dma_start3A_20 = tpu.memref_slice %arg2[%add3A_19] : memref<335872xi32, #tpu.memory_space<hbm>> -> memref<128xi32, #tpu.memory_space<hbm>>
    tpu.enqueue_dma source(%dma_start3A_20 : memref<128xi32, #tpu.memory_space<hbm>>) target(%arg4 : memref<128xi32, #tpu.memory_space<vmem>>) target_semaphore(%arg9 : memref<!tpu.dma_semaphore, #tpu.memory_space<semaphore_mem>>)
    %barrier3A = arith.constant 0 : index
    tpu.barrier barrier_id(%barrier3A)
    %scan3A_21 = arith.constant 0 : i32
    %scan3A_22 = arith.constant 0 : i32
    %scan3A_23 = arith.constant 41 : i32
    %scan3A_24 = arith.addi %scan3A_22, %scan3A_23 : i32
    %scan3A_25 = arith.constant 1 : i32
    %scan3A_26 = scf.for %scan3A_33 = %scan3A_22 to %scan3A_24 step %scan3A_25 iter_args(%scan3A_34 = %scan3A_21) -> (i32)  : i32 {
      %dma_wait3A = arith.constant 0 : i32
      %dma_wait3A_35 = tpu.memref_slice %arg2[%dma_wait3A] : memref<335872xi32, #tpu.memory_space<hbm>> -> memref<128xi32, #tpu.memory_space<hbm>>
      %dma_wait3A_36 = arith.constant 0 : i32
      %dma_wait3A_37 = tpu.memref_slice %arg2[%dma_wait3A_36] : memref<335872xi32, #tpu.memory_space<hbm>> -> memref<128xi32, #tpu.memory_space<hbm>>
      tpu.wait_dma2 semaphore(%arg9 : memref<!tpu.dma_semaphore, #tpu.memory_space<semaphore_mem>>) src(%dma_wait3A_37 : memref<128xi32, #tpu.memory_space<hbm>>) dst(%arg4 : memref<128xi32, #tpu.memory_space<vmem>>)
      %mul3A_38 = arith.constant 2 : i32
      %mul3A_39 = arith.muli %mul3A_38, %scan3A_33 : i32
      %add3A_40 = arith.constant 1 : i32
      %add3A_41 = arith.addi %mul3A_39, %add3A_40 : i32
      %mul3A_42 = arith.constant 128 : i32
      %mul3A_43 = arith.muli %add3A_41, %mul3A_42 : i32
      %add3A_44 = arith.addi %add3A, %mul3A_43 : i32
      %dma_start3A_45 = tpu.memref_slice %arg2[%add3A_44] : memref<335872xi32, #tpu.memory_space<hbm>> -> memref<128xi32, #tpu.memory_space<hbm>>
      %dma_start3A_46 = tpu.memref_slice %arg2[%add3A_44] : memref<335872xi32, #tpu.memory_space<hbm>> -> memref<128xi32, #tpu.memory_space<hbm>>
      tpu.enqueue_dma source(%dma_start3A_46 : memref<128xi32, #tpu.memory_space<hbm>>) target(%arg5 : memref<128xi32, #tpu.memory_space<vmem>>) target_semaphore(%arg10 : memref<!tpu.dma_semaphore, #tpu.memory_space<semaphore_mem>>)
      "tpu.region"() ({
        %run_scoped3A = tpu.sem_alloc : memref<!tpu.dma_semaphore, #tpu.memory_space<semaphore_mem>>
        %dma_start3A_56 = arith.constant 0 : i32
        %dma_start3A_57 = tpu.memref_slice %arg8[%dma_start3A_56] : memref<10240xf32, #tpu.memory_space<vmem_shared>> -> memref<10240xf32, #tpu.memory_space<vmem_shared>>
        tpu.enqueue_indirect_dma source(%arg6 : memref<128xf32, #tpu.memory_space<vmem>>) target(%dma_start3A_57 : memref<10240xf32, #tpu.memory_space<vmem_shared>>) offsets(%arg4 : memref<128xi32, #tpu.memory_space<vmem>>) semaphore(%run_scoped3A : memref<!tpu.dma_semaphore, #tpu.memory_space<semaphore_mem>>) {add = true}
        %dma_wait3A_58 = arith.constant 0 : i32
        %dma_wait3A_59 = tpu.memref_slice %arg8[%dma_wait3A_58] : memref<10240xf32, #tpu.memory_space<vmem_shared>> -> memref<10240xf32, #tpu.memory_space<vmem_shared>>
        tpu.wait_indirect_dma semaphore(%run_scoped3A : memref<!tpu.dma_semaphore, #tpu.memory_space<semaphore_mem>>) src(%arg6 : memref<128xf32, #tpu.memory_space<vmem>>) dst(%dma_wait3A_59 : memref<10240xf32, #tpu.memory_space<vmem_shared>>)
        tpu.yield
      }) : () -> ()
      %dma_wait3A_47 = arith.constant 0 : i32
      %dma_wait3A_48 = tpu.memref_slice %arg2[%dma_wait3A_47] : memref<335872xi32, #tpu.memory_space<hbm>> -> memref<128xi32, #tpu.memory_space<hbm>>
      %dma_wait3A_49 = arith.constant 0 : i32
      %dma_wait3A_50 = tpu.memref_slice %arg2[%dma_wait3A_49] : memref<335872xi32, #tpu.memory_space<hbm>> -> memref<128xi32, #tpu.memory_space<hbm>>
      tpu.wait_dma2 semaphore(%arg10 : memref<!tpu.dma_semaphore, #tpu.memory_space<semaphore_mem>>) src(%dma_wait3A_50 : memref<128xi32, #tpu.memory_space<hbm>>) dst(%arg5 : memref<128xi32, #tpu.memory_space<vmem>>)
      %add3A_51 = arith.constant 1 : i32
      %add3A_52 = arith.addi %scan3A_33, %add3A_51 : i32
      %lt3A = arith.constant 41 : i32
      %lt3A_53 = arith.cmpi slt, %add3A_52, %lt3A : i32
      %convert_element_type3A = arith.extui %lt3A_53 : i1 to i32
      %cond3A = arith.constant 0 : i32
      %cond3A_54 = arith.cmpi ne, %convert_element_type3A, %cond3A : i32
      scf.if %cond3A_54 {
        %add3A_56 = arith.constant 1 : i32
        %add3A_57 = arith.addi %scan3A_33, %add3A_56 : i32
        %mul3A_58 = arith.constant 2 : i32
        %mul3A_59 = arith.muli %mul3A_58, %add3A_57 : i32
        %mul3A_60 = arith.constant 128 : i32
        %mul3A_61 = arith.muli %mul3A_59, %mul3A_60 : i32
        %add3A_62 = arith.addi %add3A, %mul3A_61 : i32
        %dma_start3A_63 = tpu.memref_slice %arg2[%add3A_62] : memref<335872xi32, #tpu.memory_space<hbm>> -> memref<128xi32, #tpu.memory_space<hbm>>
        %dma_start3A_64 = tpu.memref_slice %arg2[%add3A_62] : memref<335872xi32, #tpu.memory_space<hbm>> -> memref<128xi32, #tpu.memory_space<hbm>>
        tpu.enqueue_dma source(%dma_start3A_64 : memref<128xi32, #tpu.memory_space<hbm>>) target(%arg4 : memref<128xi32, #tpu.memory_space<vmem>>) target_semaphore(%arg9 : memref<!tpu.dma_semaphore, #tpu.memory_space<semaphore_mem>>)
      } else {
      }
      "tpu.region"() ({
        %run_scoped3A = tpu.sem_alloc : memref<!tpu.dma_semaphore, #tpu.memory_space<semaphore_mem>>
        %dma_start3A_56 = arith.constant 0 : i32
        %dma_start3A_57 = tpu.memref_slice %arg8[%dma_start3A_56] : memref<10240xf32, #tpu.memory_space<vmem_shared>> -> memref<10240xf32, #tpu.memory_space<vmem_shared>>
        tpu.enqueue_indirect_dma source(%arg6 : memref<128xf32, #tpu.memory_space<vmem>>) target(%dma_start3A_57 : memref<10240xf32, #tpu.memory_space<vmem_shared>>) offsets(%arg5 : memref<128xi32, #tpu.memory_space<vmem>>) semaphore(%run_scoped3A : memref<!tpu.dma_semaphore, #tpu.memory_space<semaphore_mem>>) {add = true}
        %dma_wait3A_58 = arith.constant 0 : i32
        %dma_wait3A_59 = tpu.memref_slice %arg8[%dma_wait3A_58] : memref<10240xf32, #tpu.memory_space<vmem_shared>> -> memref<10240xf32, #tpu.memory_space<vmem_shared>>
        tpu.wait_indirect_dma semaphore(%run_scoped3A : memref<!tpu.dma_semaphore, #tpu.memory_space<semaphore_mem>>) src(%arg6 : memref<128xf32, #tpu.memory_space<vmem>>) dst(%dma_wait3A_59 : memref<10240xf32, #tpu.memory_space<vmem_shared>>)
        tpu.yield
      }) : () -> ()
      %scan3A_55 = arith.constant 0 : i32
      scf.yield %scan3A_55 : i32
    }
    %scan3A_27 = arith.constant 41 : i32
    %barrier3A_28 = arith.constant 0 : index
    tpu.barrier barrier_id(%barrier3A_28)
    %mul3A_29 = arith.constant 640 : i32
    %mul3A_30 = arith.muli %arg1, %mul3A_29 : i32
    "tpu.region"() ({
      %run_scoped3A = tpu.sem_alloc : memref<!tpu.dma_semaphore, #tpu.memory_space<semaphore_mem>>
      %dma_start3A_33 = tpu.memref_slice %arg8[%mul3A_30] : memref<10240xf32, #tpu.memory_space<vmem_shared>> -> memref<640xf32, #tpu.memory_space<vmem_shared>>
      %dma_start3A_34 = tpu.memref_slice %arg8[%mul3A_30] : memref<10240xf32, #tpu.memory_space<vmem_shared>> -> memref<640xf32, #tpu.memory_space<vmem_shared>>
      tpu.enqueue_dma source(%dma_start3A_34 : memref<640xf32, #tpu.memory_space<vmem_shared>>) target(%arg7 : memref<640xf32, #tpu.memory_space<vmem>>) target_semaphore(%run_scoped3A : memref<!tpu.dma_semaphore, #tpu.memory_space<semaphore_mem>>)
      %dma_wait3A = tpu.memref_slice %arg8[%mul3A_30] : memref<10240xf32, #tpu.memory_space<vmem_shared>> -> memref<640xf32, #tpu.memory_space<vmem_shared>>
      %dma_wait3A_35 = tpu.memref_slice %arg8[%mul3A_30] : memref<10240xf32, #tpu.memory_space<vmem_shared>> -> memref<640xf32, #tpu.memory_space<vmem_shared>>
      tpu.wait_dma2 semaphore(%run_scoped3A : memref<!tpu.dma_semaphore, #tpu.memory_space<semaphore_mem>>) src(%dma_wait3A_35 : memref<640xf32, #tpu.memory_space<vmem_shared>>) dst(%arg7 : memref<640xf32, #tpu.memory_space<vmem>>)
      tpu.yield
    }) : () -> ()
    %mul3A_31 = arith.constant 640 : i32
    %mul3A_32 = arith.muli %arg1, %mul3A_31 : i32
    "tpu.region"() ({
      %run_scoped3A = tpu.sem_alloc : memref<!tpu.dma_semaphore, #tpu.memory_space<semaphore_mem>>
      %dma_start3A_33 = tpu.memref_slice %arg3[%arg0, %mul3A_32] : memref<2x10240xf32, #tpu.memory_space<hbm>> -> memref<1x640xf32, #tpu.memory_space<hbm>>
      %dma_start3A_34 = tpu.memref_squeeze %dma_start3A_33 : memref<1x640xf32, #tpu.memory_space<hbm>> -> memref<640xf32, #tpu.memory_space<hbm>>
      %dma_start3A_35 = tpu.memref_slice %arg3[%arg0, %mul3A_32] : memref<2x10240xf32, #tpu.memory_space<hbm>> -> memref<1x640xf32, #tpu.memory_space<hbm>>
      %dma_start3A_36 = tpu.memref_squeeze %dma_start3A_35 : memref<1x640xf32, #tpu.memory_space<hbm>> -> memref<640xf32, #tpu.memory_space<hbm>>
      tpu.enqueue_dma source(%arg7 : memref<640xf32, #tpu.memory_space<vmem>>) target(%dma_start3A_36 : memref<640xf32, #tpu.memory_space<hbm>>) target_semaphore(%run_scoped3A : memref<!tpu.dma_semaphore, #tpu.memory_space<semaphore_mem>>)
      %dma_wait3A = tpu.memref_slice %arg3[%arg0, %mul3A_32] : memref<2x10240xf32, #tpu.memory_space<hbm>> -> memref<1x640xf32, #tpu.memory_space<hbm>>
      %dma_wait3A_37 = tpu.memref_squeeze %dma_wait3A : memref<1x640xf32, #tpu.memory_space<hbm>> -> memref<640xf32, #tpu.memory_space<hbm>>
      %dma_wait3A_38 = tpu.memref_slice %arg3[%arg0, %mul3A_32] : memref<2x10240xf32, #tpu.memory_space<hbm>> -> memref<1x640xf32, #tpu.memory_space<hbm>>
      %dma_wait3A_39 = tpu.memref_squeeze %dma_wait3A_38 : memref<1x640xf32, #tpu.memory_space<hbm>> -> memref<640xf32, #tpu.memory_space<hbm>>
      tpu.wait_dma2 semaphore(%run_scoped3A : memref<!tpu.dma_semaphore, #tpu.memory_space<semaphore_mem>>) src(%arg7 : memref<640xf32, #tpu.memory_space<vmem>>) dst(%dma_wait3A_39 : memref<640xf32, #tpu.memory_space<hbm>>)
      tpu.yield
    }) : () -> ()
    return
  }
}

#map = affine_map<(d0, d1) -> (0, 0)>
#map1 = affine_map<(d0, d1) -> (0)>
#map2 = affine_map<(d0, d1) -> (0, 0, 0)>
module attributes {stable_mosaic.version = 14 : i64} {
  func.func @edge_kernel(%arg0: i32, %arg1: i32, %arg2: memref<10240x128xf32, #tpu.memory_space<hbm>>, %arg3: memref<671744xi32, #tpu.memory_space<hbm>>, %arg4: memref<335872xi32, #tpu.memory_space<hbm>>, %arg5: memref<2x10240x128xf32, #tpu.memory_space<hbm>>, %arg6: memref<128xi32, #tpu.memory_space<vmem>>, %arg7: memref<128xi32, #tpu.memory_space<vmem>>, %arg8: memref<128xi32, #tpu.memory_space<vmem>>, %arg9: memref<128xi32, #tpu.memory_space<vmem>>, %arg10: memref<128x128xf32, #tpu.memory_space<vmem>>, %arg11: memref<128x128xf32, #tpu.memory_space<vmem>>, %arg12: memref<10240x128xf32, #tpu.memory_space<vmem_shared>>, %arg13: memref<!tpu.dma_semaphore, #tpu.memory_space<semaphore_mem>>, %arg14: memref<!tpu.dma_semaphore, #tpu.memory_space<semaphore_mem>>, %arg15: memref<!tpu.dma_semaphore, #tpu.memory_space<semaphore_mem>>, %arg16: memref<!tpu.dma_semaphore, #tpu.memory_space<semaphore_mem>>) attributes {dimension_semantics = [#tpu.dimension_semantics<core_parallel>, #tpu.dimension_semantics<subcore_parallel>], iteration_bounds = array<i64: 2, 16>, scalar_prefetch = 0 : i64, scratch_operands = 11 : i64, tpu.core_type = #tpu.core_type<sc_vector_subcore>, window_params = [{transform_indices = #map}, {transform_indices = #map1}, {transform_indices = #map1}, {transform_indices = #map2}]} {
    %mul3A = arith.constant 167936 : i32
    %mul3A_0 = arith.muli %arg0, %mul3A : i32
    %mul3A_1 = arith.constant 10496 : i32
    %mul3A_2 = arith.muli %arg1, %mul3A_1 : i32
    %add3A = arith.addi %mul3A_0, %mul3A_2 : i32
    %scan3A = arith.constant 0 : i32
    %scan3A_3 = arith.constant 0 : i32
    %scan3A_4 = arith.constant 128 : i32
    %scan3A_5 = arith.addi %scan3A_3, %scan3A_4 : i32
    %scan3A_6 = arith.constant 1 : i32
    %scan3A_7 = scf.for %scan3A_82 = %scan3A_3 to %scan3A_5 step %scan3A_6 iter_args(%scan3A_83 = %scan3A) -> (i32)  : i32 {
      %broadcast_in_dim3A = arith.constant 0.000000e+00 : f32
      %broadcast_in_dim3A_84 = vector.broadcast %broadcast_in_dim3A : f32 to vector<16xf32>
      %swap3A = arith.index_cast %scan3A_82 : i32 to index
      %swap3A_85 = arith.constant 0 : index
      %swap3A_86 = tpu.vector_load %arg10[%swap3A, %swap3A_85] {strides = array<i32>} : memref<128x128xf32, #tpu.memory_space<vmem>>, vector<1x16xf32>,
      %swap3A_87 = vector.shape_cast %swap3A_86 : vector<1x16xf32> to vector<16xf32>
      %swap3A_88 = vector.shape_cast %broadcast_in_dim3A_84 : vector<16xf32> to vector<1x16xf32>
      tpu.vector_store %arg10[%swap3A, %swap3A_85], %swap3A_88 {strides = array<i32>} : memref<128x128xf32, #tpu.memory_space<vmem>>, vector<1x16xf32>,
      %broadcast_in_dim3A_89 = arith.constant 0.000000e+00 : f32
      %broadcast_in_dim3A_90 = vector.broadcast %broadcast_in_dim3A_89 : f32 to vector<16xf32>
      %swap3A_91 = arith.index_cast %scan3A_82 : i32 to index
      %swap3A_92 = arith.constant 16 : index
      %swap3A_93 = tpu.vector_load %arg10[%swap3A_91, %swap3A_92] {strides = array<i32>} : memref<128x128xf32, #tpu.memory_space<vmem>>, vector<1x16xf32>,
      %swap3A_94 = vector.shape_cast %swap3A_93 : vector<1x16xf32> to vector<16xf32>
      %swap3A_95 = vector.shape_cast %broadcast_in_dim3A_90 : vector<16xf32> to vector<1x16xf32>
      tpu.vector_store %arg10[%swap3A_91, %swap3A_92], %swap3A_95 {strides = array<i32>} : memref<128x128xf32, #tpu.memory_space<vmem>>, vector<1x16xf32>,
      %broadcast_in_dim3A_96 = arith.constant 0.000000e+00 : f32
      %broadcast_in_dim3A_97 = vector.broadcast %broadcast_in_dim3A_96 : f32 to vector<16xf32>
      %swap3A_98 = arith.index_cast %scan3A_82 : i32 to index
      %swap3A_99 = arith.constant 32 : index
      %swap3A_100 = tpu.vector_load %arg10[%swap3A_98, %swap3A_99] {strides = array<i32>} : memref<128x128xf32, #tpu.memory_space<vmem>>, vector<1x16xf32>,
      %swap3A_101 = vector.shape_cast %swap3A_100 : vector<1x16xf32> to vector<16xf32>
      %swap3A_102 = vector.shape_cast %broadcast_in_dim3A_97 : vector<16xf32> to vector<1x16xf32>
      tpu.vector_store %arg10[%swap3A_98, %swap3A_99], %swap3A_102 {strides = array<i32>} : memref<128x128xf32, #tpu.memory_space<vmem>>, vector<1x16xf32>,
      %broadcast_in_dim3A_103 = arith.constant 0.000000e+00 : f32
      %broadcast_in_dim3A_104 = vector.broadcast %broadcast_in_dim3A_103 : f32 to vector<16xf32>
      %swap3A_105 = arith.index_cast %scan3A_82 : i32 to index
      %swap3A_106 = arith.constant 48 : index
      %swap3A_107 = tpu.vector_load %arg10[%swap3A_105, %swap3A_106] {strides = array<i32>} : memref<128x128xf32, #tpu.memory_space<vmem>>, vector<1x16xf32>,
      %swap3A_108 = vector.shape_cast %swap3A_107 : vector<1x16xf32> to vector<16xf32>
      %swap3A_109 = vector.shape_cast %broadcast_in_dim3A_104 : vector<16xf32> to vector<1x16xf32>
      tpu.vector_store %arg10[%swap3A_105, %swap3A_106], %swap3A_109 {strides = array<i32>} : memref<128x128xf32, #tpu.memory_space<vmem>>, vector<1x16xf32>,
      %broadcast_in_dim3A_110 = arith.constant 0.000000e+00 : f32
      %broadcast_in_dim3A_111 = vector.broadcast %broadcast_in_dim3A_110 : f32 to vector<16xf32>
      %swap3A_112 = arith.index_cast %scan3A_82 : i32 to index
      %swap3A_113 = arith.constant 64 : index
      %swap3A_114 = tpu.vector_load %arg10[%swap3A_112, %swap3A_113] {strides = array<i32>} : memref<128x128xf32, #tpu.memory_space<vmem>>, vector<1x16xf32>,
      %swap3A_115 = vector.shape_cast %swap3A_114 : vector<1x16xf32> to vector<16xf32>
      %swap3A_116 = vector.shape_cast %broadcast_in_dim3A_111 : vector<16xf32> to vector<1x16xf32>
      tpu.vector_store %arg10[%swap3A_112, %swap3A_113], %swap3A_116 {strides = array<i32>} : memref<128x128xf32, #tpu.memory_space<vmem>>, vector<1x16xf32>,
      %broadcast_in_dim3A_117 = arith.constant 0.000000e+00 : f32
      %broadcast_in_dim3A_118 = vector.broadcast %broadcast_in_dim3A_117 : f32 to vector<16xf32>
      %swap3A_119 = arith.index_cast %scan3A_82 : i32 to index
      %swap3A_120 = arith.constant 80 : index
      %swap3A_121 = tpu.vector_load %arg10[%swap3A_119, %swap3A_120] {strides = array<i32>} : memref<128x128xf32, #tpu.memory_space<vmem>>, vector<1x16xf32>,
      %swap3A_122 = vector.shape_cast %swap3A_121 : vector<1x16xf32> to vector<16xf32>
      %swap3A_123 = vector.shape_cast %broadcast_in_dim3A_118 : vector<16xf32> to vector<1x16xf32>
      tpu.vector_store %arg10[%swap3A_119, %swap3A_120], %swap3A_123 {strides = array<i32>} : memref<128x128xf32, #tpu.memory_space<vmem>>, vector<1x16xf32>,
      %broadcast_in_dim3A_124 = arith.constant 0.000000e+00 : f32
      %broadcast_in_dim3A_125 = vector.broadcast %broadcast_in_dim3A_124 : f32 to vector<16xf32>
      %swap3A_126 = arith.index_cast %scan3A_82 : i32 to index
      %swap3A_127 = arith.constant 96 : index
      %swap3A_128 = tpu.vector_load %arg10[%swap3A_126, %swap3A_127] {strides = array<i32>} : memref<128x128xf32, #tpu.memory_space<vmem>>, vector<1x16xf32>,
      %swap3A_129 = vector.shape_cast %swap3A_128 : vector<1x16xf32> to vector<16xf32>
      %swap3A_130 = vector.shape_cast %broadcast_in_dim3A_125 : vector<16xf32> to vector<1x16xf32>
      tpu.vector_store %arg10[%swap3A_126, %swap3A_127], %swap3A_130 {strides = array<i32>} : memref<128x128xf32, #tpu.memory_space<vmem>>, vector<1x16xf32>,
      %broadcast_in_dim3A_131 = arith.constant 0.000000e+00 : f32
      %broadcast_in_dim3A_132 = vector.broadcast %broadcast_in_dim3A_131 : f32 to vector<16xf32>
      %swap3A_133 = arith.index_cast %scan3A_82 : i32 to index
      %swap3A_134 = arith.constant 112 : index
      %swap3A_135 = tpu.vector_load %arg10[%swap3A_133, %swap3A_134] {strides = array<i32>} : memref<128x128xf32, #tpu.memory_space<vmem>>, vector<1x16xf32>,
      %swap3A_136 = vector.shape_cast %swap3A_135 : vector<1x16xf32> to vector<16xf32>
      %swap3A_137 = vector.shape_cast %broadcast_in_dim3A_132 : vector<16xf32> to vector<1x16xf32>
      tpu.vector_store %arg10[%swap3A_133, %swap3A_134], %swap3A_137 {strides = array<i32>} : memref<128x128xf32, #tpu.memory_space<vmem>>, vector<1x16xf32>,
      %scan3A_138 = arith.constant 0 : i32
      scf.yield %scan3A_138 : i32
    }
    %scan3A_8 = arith.constant 128 : i32
    %mul3A_9 = arith.constant 640 : i32
    %mul3A_10 = arith.muli %arg1, %mul3A_9 : i32
    %add3A_11 = arith.constant 0 : i32
    %add3A_12 = arith.addi %mul3A_10, %add3A_11 : i32
    "tpu.region"() ({
      %run_scoped3A = tpu.sem_alloc : memref<!tpu.dma_semaphore, #tpu.memory_space<semaphore_mem>>
      %dma_start3A_82 = arith.constant 0 : i32
      %dma_start3A_83 = tpu.memref_slice %arg12[%add3A_12, %dma_start3A_82] : memref<10240x128xf32, #tpu.memory_space<vmem_shared>> -> memref<128x128xf32, #tpu.memory_space<vmem_shared>>
      %dma_start3A_84 = arith.constant 0 : i32
      %dma_start3A_85 = tpu.memref_slice %arg12[%add3A_12, %dma_start3A_84] : memref<10240x128xf32, #tpu.memory_space<vmem_shared>> -> memref<128x128xf32, #tpu.memory_space<vmem_shared>>
      tpu.enqueue_dma source(%arg10 : memref<128x128xf32, #tpu.memory_space<vmem>>) target(%dma_start3A_85 : memref<128x128xf32, #tpu.memory_space<vmem_shared>>) target_semaphore(%run_scoped3A : memref<!tpu.dma_semaphore, #tpu.memory_space<semaphore_mem>>)
      %dma_wait3A_86 = arith.constant 0 : i32
      %dma_wait3A_87 = tpu.memref_slice %arg12[%add3A_12, %dma_wait3A_86] : memref<10240x128xf32, #tpu.memory_space<vmem_shared>> -> memref<128x128xf32, #tpu.memory_space<vmem_shared>>
      %dma_wait3A_88 = arith.constant 0 : i32
      %dma_wait3A_89 = tpu.memref_slice %arg12[%add3A_12, %dma_wait3A_88] : memref<10240x128xf32, #tpu.memory_space<vmem_shared>> -> memref<128x128xf32, #tpu.memory_space<vmem_shared>>
      tpu.wait_dma2 semaphore(%run_scoped3A : memref<!tpu.dma_semaphore, #tpu.memory_space<semaphore_mem>>) src(%arg10 : memref<128x128xf32, #tpu.memory_space<vmem>>) dst(%dma_wait3A_89 : memref<128x128xf32, #tpu.memory_space<vmem_shared>>)
      tpu.yield
    }) : () -> ()
    %mul3A_13 = arith.constant 640 : i32
    %mul3A_14 = arith.muli %arg1, %mul3A_13 : i32
    %add3A_15 = arith.constant 128 : i32
    %add3A_16 = arith.addi %mul3A_14, %add3A_15 : i32
    "tpu.region"() ({
      %run_scoped3A = tpu.sem_alloc : memref<!tpu.dma_semaphore, #tpu.memory_space<semaphore_mem>>
      %dma_start3A_82 = arith.constant 0 : i32
      %dma_start3A_83 = tpu.memref_slice %arg12[%add3A_16, %dma_start3A_82] : memref<10240x128xf32, #tpu.memory_space<vmem_shared>> -> memref<128x128xf32, #tpu.memory_space<vmem_shared>>
      %dma_start3A_84 = arith.constant 0 : i32
      %dma_start3A_85 = tpu.memref_slice %arg12[%add3A_16, %dma_start3A_84] : memref<10240x128xf32, #tpu.memory_space<vmem_shared>> -> memref<128x128xf32, #tpu.memory_space<vmem_shared>>
      tpu.enqueue_dma source(%arg10 : memref<128x128xf32, #tpu.memory_space<vmem>>) target(%dma_start3A_85 : memref<128x128xf32, #tpu.memory_space<vmem_shared>>) target_semaphore(%run_scoped3A : memref<!tpu.dma_semaphore, #tpu.memory_space<semaphore_mem>>)
      %dma_wait3A_86 = arith.constant 0 : i32
      %dma_wait3A_87 = tpu.memref_slice %arg12[%add3A_16, %dma_wait3A_86] : memref<10240x128xf32, #tpu.memory_space<vmem_shared>> -> memref<128x128xf32, #tpu.memory_space<vmem_shared>>
      %dma_wait3A_88 = arith.constant 0 : i32
      %dma_wait3A_89 = tpu.memref_slice %arg12[%add3A_16, %dma_wait3A_88] : memref<10240x128xf32, #tpu.memory_space<vmem_shared>> -> memref<128x128xf32, #tpu.memory_space<vmem_shared>>
      tpu.wait_dma2 semaphore(%run_scoped3A : memref<!tpu.dma_semaphore, #tpu.memory_space<semaphore_mem>>) src(%arg10 : memref<128x128xf32, #tpu.memory_space<vmem>>) dst(%dma_wait3A_89 : memref<128x128xf32, #tpu.memory_space<vmem_shared>>)
      tpu.yield
    }) : () -> ()
    %mul3A_17 = arith.constant 640 : i32
    %mul3A_18 = arith.muli %arg1, %mul3A_17 : i32
    %add3A_19 = arith.constant 256 : i32
    %add3A_20 = arith.addi %mul3A_18, %add3A_19 : i32
    "tpu.region"() ({
      %run_scoped3A = tpu.sem_alloc : memref<!tpu.dma_semaphore, #tpu.memory_space<semaphore_mem>>
      %dma_start3A_82 = arith.constant 0 : i32
      %dma_start3A_83 = tpu.memref_slice %arg12[%add3A_20, %dma_start3A_82] : memref<10240x128xf32, #tpu.memory_space<vmem_shared>> -> memref<128x128xf32, #tpu.memory_space<vmem_shared>>
      %dma_start3A_84 = arith.constant 0 : i32
      %dma_start3A_85 = tpu.memref_slice %arg12[%add3A_20, %dma_start3A_84] : memref<10240x128xf32, #tpu.memory_space<vmem_shared>> -> memref<128x128xf32, #tpu.memory_space<vmem_shared>>
      tpu.enqueue_dma source(%arg10 : memref<128x128xf32, #tpu.memory_space<vmem>>) target(%dma_start3A_85 : memref<128x128xf32, #tpu.memory_space<vmem_shared>>) target_semaphore(%run_scoped3A : memref<!tpu.dma_semaphore, #tpu.memory_space<semaphore_mem>>)
      %dma_wait3A_86 = arith.constant 0 : i32
      %dma_wait3A_87 = tpu.memref_slice %arg12[%add3A_20, %dma_wait3A_86] : memref<10240x128xf32, #tpu.memory_space<vmem_shared>> -> memref<128x128xf32, #tpu.memory_space<vmem_shared>>
      %dma_wait3A_88 = arith.constant 0 : i32
      %dma_wait3A_89 = tpu.memref_slice %arg12[%add3A_20, %dma_wait3A_88] : memref<10240x128xf32, #tpu.memory_space<vmem_shared>> -> memref<128x128xf32, #tpu.memory_space<vmem_shared>>
      tpu.wait_dma2 semaphore(%run_scoped3A : memref<!tpu.dma_semaphore, #tpu.memory_space<semaphore_mem>>) src(%arg10 : memref<128x128xf32, #tpu.memory_space<vmem>>) dst(%dma_wait3A_89 : memref<128x128xf32, #tpu.memory_space<vmem_shared>>)
      tpu.yield
    }) : () -> ()
    %mul3A_21 = arith.constant 640 : i32
    %mul3A_22 = arith.muli %arg1, %mul3A_21 : i32
    %add3A_23 = arith.constant 384 : i32
    %add3A_24 = arith.addi %mul3A_22, %add3A_23 : i32
    "tpu.region"() ({
      %run_scoped3A = tpu.sem_alloc : memref<!tpu.dma_semaphore, #tpu.memory_space<semaphore_mem>>
      %dma_start3A_82 = arith.constant 0 : i32
      %dma_start3A_83 = tpu.memref_slice %arg12[%add3A_24, %dma_start3A_82] : memref<10240x128xf32, #tpu.memory_space<vmem_shared>> -> memref<128x128xf32, #tpu.memory_space<vmem_shared>>
      %dma_start3A_84 = arith.constant 0 : i32
      %dma_start3A_85 = tpu.memref_slice %arg12[%add3A_24, %dma_start3A_84] : memref<10240x128xf32, #tpu.memory_space<vmem_shared>> -> memref<128x128xf32, #tpu.memory_space<vmem_shared>>
      tpu.enqueue_dma source(%arg10 : memref<128x128xf32, #tpu.memory_space<vmem>>) target(%dma_start3A_85 : memref<128x128xf32, #tpu.memory_space<vmem_shared>>) target_semaphore(%run_scoped3A : memref<!tpu.dma_semaphore, #tpu.memory_space<semaphore_mem>>)
      %dma_wait3A_86 = arith.constant 0 : i32
      %dma_wait3A_87 = tpu.memref_slice %arg12[%add3A_24, %dma_wait3A_86] : memref<10240x128xf32, #tpu.memory_space<vmem_shared>> -> memref<128x128xf32, #tpu.memory_space<vmem_shared>>
      %dma_wait3A_88 = arith.constant 0 : i32
      %dma_wait3A_89 = tpu.memref_slice %arg12[%add3A_24, %dma_wait3A_88] : memref<10240x128xf32, #tpu.memory_space<vmem_shared>> -> memref<128x128xf32, #tpu.memory_space<vmem_shared>>
      tpu.wait_dma2 semaphore(%run_scoped3A : memref<!tpu.dma_semaphore, #tpu.memory_space<semaphore_mem>>) src(%arg10 : memref<128x128xf32, #tpu.memory_space<vmem>>) dst(%dma_wait3A_89 : memref<128x128xf32, #tpu.memory_space<vmem_shared>>)
      tpu.yield
    }) : () -> ()
    %mul3A_25 = arith.constant 640 : i32
    %mul3A_26 = arith.muli %arg1, %mul3A_25 : i32
    %add3A_27 = arith.constant 512 : i32
    %add3A_28 = arith.addi %mul3A_26, %add3A_27 : i32
    "tpu.region"() ({
      %run_scoped3A = tpu.sem_alloc : memref<!tpu.dma_semaphore, #tpu.memory_space<semaphore_mem>>
      %dma_start3A_82 = arith.constant 0 : i32
      %dma_start3A_83 = tpu.memref_slice %arg12[%add3A_28, %dma_start3A_82] : memref<10240x128xf32, #tpu.memory_space<vmem_shared>> -> memref<128x128xf32, #tpu.memory_space<vmem_shared>>
      %dma_start3A_84 = arith.constant 0 : i32
      %dma_start3A_85 = tpu.memref_slice %arg12[%add3A_28, %dma_start3A_84] : memref<10240x128xf32, #tpu.memory_space<vmem_shared>> -> memref<128x128xf32, #tpu.memory_space<vmem_shared>>
      tpu.enqueue_dma source(%arg10 : memref<128x128xf32, #tpu.memory_space<vmem>>) target(%dma_start3A_85 : memref<128x128xf32, #tpu.memory_space<vmem_shared>>) target_semaphore(%run_scoped3A : memref<!tpu.dma_semaphore, #tpu.memory_space<semaphore_mem>>)
      %dma_wait3A_86 = arith.constant 0 : i32
      %dma_wait3A_87 = tpu.memref_slice %arg12[%add3A_28, %dma_wait3A_86] : memref<10240x128xf32, #tpu.memory_space<vmem_shared>> -> memref<128x128xf32, #tpu.memory_space<vmem_shared>>
      %dma_wait3A_88 = arith.constant 0 : i32
      %dma_wait3A_89 = tpu.memref_slice %arg12[%add3A_28, %dma_wait3A_88] : memref<10240x128xf32, #tpu.memory_space<vmem_shared>> -> memref<128x128xf32, #tpu.memory_space<vmem_shared>>
      tpu.wait_dma2 semaphore(%run_scoped3A : memref<!tpu.dma_semaphore, #tpu.memory_space<semaphore_mem>>) src(%arg10 : memref<128x128xf32, #tpu.memory_space<vmem>>) dst(%dma_wait3A_89 : memref<128x128xf32, #tpu.memory_space<vmem_shared>>)
      tpu.yield
    }) : () -> ()
    %add3A_29 = arith.constant 0 : i32
    %add3A_30 = arith.addi %add3A, %add3A_29 : i32
    %dma_start3A = tpu.memref_slice %arg3[%add3A_30] : memref<671744xi32, #tpu.memory_space<hbm>> -> memref<128xi32, #tpu.memory_space<hbm>>
    %dma_start3A_31 = tpu.memref_slice %arg3[%add3A_30] : memref<671744xi32, #tpu.memory_space<hbm>> -> memref<128xi32, #tpu.memory_space<hbm>>
    tpu.enqueue_dma source(%dma_start3A_31 : memref<128xi32, #tpu.memory_space<hbm>>) target(%arg6 : memref<128xi32, #tpu.memory_space<vmem>>) target_semaphore(%arg15 : memref<!tpu.dma_semaphore, #tpu.memory_space<semaphore_mem>>)
    %add3A_32 = arith.constant 0 : i32
    %add3A_33 = arith.addi %add3A, %add3A_32 : i32
    %dma_start3A_34 = tpu.memref_slice %arg4[%add3A_33] : memref<335872xi32, #tpu.memory_space<hbm>> -> memref<128xi32, #tpu.memory_space<hbm>>
    %dma_start3A_35 = tpu.memref_slice %arg4[%add3A_33] : memref<335872xi32, #tpu.memory_space<hbm>> -> memref<128xi32, #tpu.memory_space<hbm>>
    tpu.enqueue_dma source(%dma_start3A_35 : memref<128xi32, #tpu.memory_space<hbm>>) target(%arg8 : memref<128xi32, #tpu.memory_space<vmem>>) target_semaphore(%arg15 : memref<!tpu.dma_semaphore, #tpu.memory_space<semaphore_mem>>)
    %dma_wait3A = arith.constant 0 : i32
    %dma_wait3A_36 = tpu.memref_slice %arg3[%dma_wait3A] : memref<671744xi32, #tpu.memory_space<hbm>> -> memref<128xi32, #tpu.memory_space<hbm>>
    %dma_wait3A_37 = arith.constant 0 : i32
    %dma_wait3A_38 = tpu.memref_slice %arg3[%dma_wait3A_37] : memref<671744xi32, #tpu.memory_space<hbm>> -> memref<128xi32, #tpu.memory_space<hbm>>
    tpu.wait_dma2 semaphore(%arg15 : memref<!tpu.dma_semaphore, #tpu.memory_space<semaphore_mem>>) src(%dma_wait3A_38 : memref<128xi32, #tpu.memory_space<hbm>>) dst(%arg6 : memref<128xi32, #tpu.memory_space<vmem>>)
    %dma_wait3A_39 = arith.constant 0 : i32
    %dma_wait3A_40 = tpu.memref_slice %arg4[%dma_wait3A_39] : memref<335872xi32, #tpu.memory_space<hbm>> -> memref<128xi32, #tpu.memory_space<hbm>>
    %dma_wait3A_41 = arith.constant 0 : i32
    %dma_wait3A_42 = tpu.memref_slice %arg4[%dma_wait3A_41] : memref<335872xi32, #tpu.memory_space<hbm>> -> memref<128xi32, #tpu.memory_space<hbm>>
    tpu.wait_dma2 semaphore(%arg15 : memref<!tpu.dma_semaphore, #tpu.memory_space<semaphore_mem>>) src(%dma_wait3A_42 : memref<128xi32, #tpu.memory_space<hbm>>) dst(%arg8 : memref<128xi32, #tpu.memory_space<vmem>>)
    %dma_start3A_43 = arith.constant 0 : i32
    %dma_start3A_44 = arith.constant 0 : i32
    %dma_start3A_45 = tpu.memref_slice %arg2[%dma_start3A_43, %dma_start3A_44] : memref<10240x128xf32, #tpu.memory_space<hbm>> -> memref<10240x128xf32, #tpu.memory_space<hbm>>
    tpu.enqueue_indirect_dma source(%dma_start3A_45 : memref<10240x128xf32, #tpu.memory_space<hbm>>) target(%arg10 : memref<128x128xf32, #tpu.memory_space<vmem>>) offsets(%arg6 : memref<128xi32, #tpu.memory_space<vmem>>) semaphore(%arg13 : memref<!tpu.dma_semaphore, #tpu.memory_space<semaphore_mem>>)
    %add3A_46 = arith.constant 128 : i32
    %add3A_47 = arith.addi %add3A, %add3A_46 : i32
    %dma_start3A_48 = tpu.memref_slice %arg3[%add3A_47] : memref<671744xi32, #tpu.memory_space<hbm>> -> memref<128xi32, #tpu.memory_space<hbm>>
    %dma_start3A_49 = tpu.memref_slice %arg3[%add3A_47] : memref<671744xi32, #tpu.memory_space<hbm>> -> memref<128xi32, #tpu.memory_space<hbm>>
    tpu.enqueue_dma source(%dma_start3A_49 : memref<128xi32, #tpu.memory_space<hbm>>) target(%arg7 : memref<128xi32, #tpu.memory_space<vmem>>) target_semaphore(%arg16 : memref<!tpu.dma_semaphore, #tpu.memory_space<semaphore_mem>>)
    %add3A_50 = arith.constant 128 : i32
    %add3A_51 = arith.addi %add3A, %add3A_50 : i32
    %dma_start3A_52 = tpu.memref_slice %arg4[%add3A_51] : memref<335872xi32, #tpu.memory_space<hbm>> -> memref<128xi32, #tpu.memory_space<hbm>>
    %dma_start3A_53 = tpu.memref_slice %arg4[%add3A_51] : memref<335872xi32, #tpu.memory_space<hbm>> -> memref<128xi32, #tpu.memory_space<hbm>>
    tpu.enqueue_dma source(%dma_start3A_53 : memref<128xi32, #tpu.memory_space<hbm>>) target(%arg9 : memref<128xi32, #tpu.memory_space<vmem>>) target_semaphore(%arg16 : memref<!tpu.dma_semaphore, #tpu.memory_space<semaphore_mem>>)
    %barrier3A = arith.constant 0 : index
    tpu.barrier barrier_id(%barrier3A)
    %scan3A_54 = arith.constant 0 : i32
    %scan3A_55 = arith.constant 0 : i32
    %scan3A_56 = arith.constant 41 : i32
    %scan3A_57 = arith.addi %scan3A_55, %scan3A_56 : i32
    %scan3A_58 = arith.constant 1 : i32
    %scan3A_59 = scf.for %scan3A_82 = %scan3A_55 to %scan3A_57 step %scan3A_58 iter_args(%scan3A_83 = %scan3A_54) -> (i32)  : i32 {
      %dma_wait3A_84 = arith.constant 0 : i32
      %dma_wait3A_85 = arith.constant 0 : i32
      %dma_wait3A_86 = tpu.memref_slice %arg2[%dma_wait3A_84, %dma_wait3A_85] : memref<10240x128xf32, #tpu.memory_space<hbm>> -> memref<128x128xf32, #tpu.memory_space<hbm>>
      %dma_wait3A_87 = arith.constant 0 : i32
      %dma_wait3A_88 = arith.constant 0 : i32
      %dma_wait3A_89 = tpu.memref_slice %arg2[%dma_wait3A_87, %dma_wait3A_88] : memref<10240x128xf32, #tpu.memory_space<hbm>> -> memref<128x128xf32, #tpu.memory_space<hbm>>
      tpu.wait_dma2 semaphore(%arg13 : memref<!tpu.dma_semaphore, #tpu.memory_space<semaphore_mem>>) src(%dma_wait3A_89 : memref<128x128xf32, #tpu.memory_space<hbm>>) dst(%arg10 : memref<128x128xf32, #tpu.memory_space<vmem>>)
      %dma_wait3A_90 = arith.constant 0 : i32
      %dma_wait3A_91 = tpu.memref_slice %arg3[%dma_wait3A_90] : memref<671744xi32, #tpu.memory_space<hbm>> -> memref<128xi32, #tpu.memory_space<hbm>>
      %dma_wait3A_92 = arith.constant 0 : i32
      %dma_wait3A_93 = tpu.memref_slice %arg3[%dma_wait3A_92] : memref<671744xi32, #tpu.memory_space<hbm>> -> memref<128xi32, #tpu.memory_space<hbm>>
      tpu.wait_dma2 semaphore(%arg16 : memref<!tpu.dma_semaphore, #tpu.memory_space<semaphore_mem>>) src(%dma_wait3A_93 : memref<128xi32, #tpu.memory_space<hbm>>) dst(%arg7 : memref<128xi32, #tpu.memory_space<vmem>>)
      %dma_wait3A_94 = arith.constant 0 : i32
      %dma_wait3A_95 = tpu.memref_slice %arg4[%dma_wait3A_94] : memref<335872xi32, #tpu.memory_space<hbm>> -> memref<128xi32, #tpu.memory_space<hbm>>
      %dma_wait3A_96 = arith.constant 0 : i32
      %dma_wait3A_97 = tpu.memref_slice %arg4[%dma_wait3A_96] : memref<335872xi32, #tpu.memory_space<hbm>> -> memref<128xi32, #tpu.memory_space<hbm>>
      tpu.wait_dma2 semaphore(%arg16 : memref<!tpu.dma_semaphore, #tpu.memory_space<semaphore_mem>>) src(%dma_wait3A_97 : memref<128xi32, #tpu.memory_space<hbm>>) dst(%arg9 : memref<128xi32, #tpu.memory_space<vmem>>)
      %dma_start3A_98 = arith.constant 0 : i32
      %dma_start3A_99 = arith.constant 0 : i32
      %dma_start3A_100 = tpu.memref_slice %arg2[%dma_start3A_98, %dma_start3A_99] : memref<10240x128xf32, #tpu.memory_space<hbm>> -> memref<10240x128xf32, #tpu.memory_space<hbm>>
      tpu.enqueue_indirect_dma source(%dma_start3A_100 : memref<10240x128xf32, #tpu.memory_space<hbm>>) target(%arg11 : memref<128x128xf32, #tpu.memory_space<vmem>>) offsets(%arg7 : memref<128xi32, #tpu.memory_space<vmem>>) semaphore(%arg14 : memref<!tpu.dma_semaphore, #tpu.memory_space<semaphore_mem>>)
      "tpu.region"() ({
        %run_scoped3A = tpu.sem_alloc : memref<!tpu.dma_semaphore, #tpu.memory_space<semaphore_mem>>
        %dma_start3A_126 = arith.constant 0 : i32
        %dma_start3A_127 = arith.constant 0 : i32
        %dma_start3A_128 = tpu.memref_slice %arg12[%dma_start3A_126, %dma_start3A_127] : memref<10240x128xf32, #tpu.memory_space<vmem_shared>> -> memref<10240x128xf32, #tpu.memory_space<vmem_shared>>
        tpu.enqueue_indirect_dma source(%arg10 : memref<128x128xf32, #tpu.memory_space<vmem>>) target(%dma_start3A_128 : memref<10240x128xf32, #tpu.memory_space<vmem_shared>>) offsets(%arg8 : memref<128xi32, #tpu.memory_space<vmem>>) semaphore(%run_scoped3A : memref<!tpu.dma_semaphore, #tpu.memory_space<semaphore_mem>>) {add = true}
        %dma_wait3A_129 = arith.constant 0 : i32
        %dma_wait3A_130 = arith.constant 0 : i32
        %dma_wait3A_131 = tpu.memref_slice %arg12[%dma_wait3A_129, %dma_wait3A_130] : memref<10240x128xf32, #tpu.memory_space<vmem_shared>> -> memref<10240x128xf32, #tpu.memory_space<vmem_shared>>
        tpu.wait_indirect_dma semaphore(%run_scoped3A : memref<!tpu.dma_semaphore, #tpu.memory_space<semaphore_mem>>) src(%arg10 : memref<128x128xf32, #tpu.memory_space<vmem>>) dst(%dma_wait3A_131 : memref<10240x128xf32, #tpu.memory_space<vmem_shared>>)
        tpu.yield
      }) : () -> ()
      %add3A_101 = arith.constant 1 : i32
      %add3A_102 = arith.addi %scan3A_82, %add3A_101 : i32
      %lt3A = arith.constant 41 : i32
      %lt3A_103 = arith.cmpi slt, %add3A_102, %lt3A : i32
      %convert_element_type3A = arith.extui %lt3A_103 : i1 to i32
      %cond3A = arith.constant 0 : i32
      %cond3A_104 = arith.cmpi ne, %convert_element_type3A, %cond3A : i32
      scf.if %cond3A_104 {
        %add3A_126 = arith.constant 1 : i32
        %add3A_127 = arith.addi %scan3A_82, %add3A_126 : i32
        %mul3A_128 = arith.constant 2 : i32
        %mul3A_129 = arith.muli %mul3A_128, %add3A_127 : i32
        %mul3A_130 = arith.constant 128 : i32
        %mul3A_131 = arith.muli %mul3A_129, %mul3A_130 : i32
        %add3A_132 = arith.addi %add3A, %mul3A_131 : i32
        %dma_start3A_133 = tpu.memref_slice %arg3[%add3A_132] : memref<671744xi32, #tpu.memory_space<hbm>> -> memref<128xi32, #tpu.memory_space<hbm>>
        %dma_start3A_134 = tpu.memref_slice %arg3[%add3A_132] : memref<671744xi32, #tpu.memory_space<hbm>> -> memref<128xi32, #tpu.memory_space<hbm>>
        tpu.enqueue_dma source(%dma_start3A_134 : memref<128xi32, #tpu.memory_space<hbm>>) target(%arg6 : memref<128xi32, #tpu.memory_space<vmem>>) target_semaphore(%arg15 : memref<!tpu.dma_semaphore, #tpu.memory_space<semaphore_mem>>)
        %mul3A_135 = arith.constant 128 : i32
        %mul3A_136 = arith.muli %mul3A_129, %mul3A_135 : i32
        %add3A_137 = arith.addi %add3A, %mul3A_136 : i32
        %dma_start3A_138 = tpu.memref_slice %arg4[%add3A_137] : memref<335872xi32, #tpu.memory_space<hbm>> -> memref<128xi32, #tpu.memory_space<hbm>>
        %dma_start3A_139 = tpu.memref_slice %arg4[%add3A_137] : memref<335872xi32, #tpu.memory_space<hbm>> -> memref<128xi32, #tpu.memory_space<hbm>>
        tpu.enqueue_dma source(%dma_start3A_139 : memref<128xi32, #tpu.memory_space<hbm>>) target(%arg8 : memref<128xi32, #tpu.memory_space<vmem>>) target_semaphore(%arg15 : memref<!tpu.dma_semaphore, #tpu.memory_space<semaphore_mem>>)
      } else {
      }
      %dma_wait3A_105 = arith.constant 0 : i32
      %dma_wait3A_106 = arith.constant 0 : i32
      %dma_wait3A_107 = tpu.memref_slice %arg2[%dma_wait3A_105, %dma_wait3A_106] : memref<10240x128xf32, #tpu.memory_space<hbm>> -> memref<128x128xf32, #tpu.memory_space<hbm>>
      %dma_wait3A_108 = arith.constant 0 : i32
      %dma_wait3A_109 = arith.constant 0 : i32
      %dma_wait3A_110 = tpu.memref_slice %arg2[%dma_wait3A_108, %dma_wait3A_109] : memref<10240x128xf32, #tpu.memory_space<hbm>> -> memref<128x128xf32, #tpu.memory_space<hbm>>
      tpu.wait_dma2 semaphore(%arg14 : memref<!tpu.dma_semaphore, #tpu.memory_space<semaphore_mem>>) src(%dma_wait3A_110 : memref<128x128xf32, #tpu.memory_space<hbm>>) dst(%arg11 : memref<128x128xf32, #tpu.memory_space<vmem>>)
      %add3A_111 = arith.constant 1 : i32
      %add3A_112 = arith.addi %scan3A_82, %add3A_111 : i32
      %lt3A_113 = arith.constant 41 : i32
      %lt3A_114 = arith.cmpi slt, %add3A_112, %lt3A_113 : i32
      %convert_element_type3A_115 = arith.extui %lt3A_114 : i1 to i32
      %cond3A_116 = arith.constant 0 : i32
      %cond3A_117 = arith.cmpi ne, %convert_element_type3A_115, %cond3A_116 : i32
      scf.if %cond3A_117 {
        %dma_wait3A_126 = arith.constant 0 : i32
        %dma_wait3A_127 = tpu.memref_slice %arg3[%dma_wait3A_126] : memref<671744xi32, #tpu.memory_space<hbm>> -> memref<128xi32, #tpu.memory_space<hbm>>
        %dma_wait3A_128 = arith.constant 0 : i32
        %dma_wait3A_129 = tpu.memref_slice %arg3[%dma_wait3A_128] : memref<671744xi32, #tpu.memory_space<hbm>> -> memref<128xi32, #tpu.memory_space<hbm>>
        tpu.wait_dma2 semaphore(%arg15 : memref<!tpu.dma_semaphore, #tpu.memory_space<semaphore_mem>>) src(%dma_wait3A_129 : memref<128xi32, #tpu.memory_space<hbm>>) dst(%arg6 : memref<128xi32, #tpu.memory_space<vmem>>)
        %dma_wait3A_130 = arith.constant 0 : i32
        %dma_wait3A_131 = tpu.memref_slice %arg4[%dma_wait3A_130] : memref<335872xi32, #tpu.memory_space<hbm>> -> memref<128xi32, #tpu.memory_space<hbm>>
        %dma_wait3A_132 = arith.constant 0 : i32
        %dma_wait3A_133 = tpu.memref_slice %arg4[%dma_wait3A_132] : memref<335872xi32, #tpu.memory_space<hbm>> -> memref<128xi32, #tpu.memory_space<hbm>>
        tpu.wait_dma2 semaphore(%arg15 : memref<!tpu.dma_semaphore, #tpu.memory_space<semaphore_mem>>) src(%dma_wait3A_133 : memref<128xi32, #tpu.memory_space<hbm>>) dst(%arg8 : memref<128xi32, #tpu.memory_space<vmem>>)
        %dma_start3A_134 = arith.constant 0 : i32
        %dma_start3A_135 = arith.constant 0 : i32
        %dma_start3A_136 = tpu.memref_slice %arg2[%dma_start3A_134, %dma_start3A_135] : memref<10240x128xf32, #tpu.memory_space<hbm>> -> memref<10240x128xf32, #tpu.memory_space<hbm>>
        tpu.enqueue_indirect_dma source(%dma_start3A_136 : memref<10240x128xf32, #tpu.memory_space<hbm>>) target(%arg10 : memref<128x128xf32, #tpu.memory_space<vmem>>) offsets(%arg6 : memref<128xi32, #tpu.memory_space<vmem>>) semaphore(%arg13 : memref<!tpu.dma_semaphore, #tpu.memory_space<semaphore_mem>>)
      } else {
      }
      "tpu.region"() ({
        %run_scoped3A = tpu.sem_alloc : memref<!tpu.dma_semaphore, #tpu.memory_space<semaphore_mem>>
        %dma_start3A_126 = arith.constant 0 : i32
        %dma_start3A_127 = arith.constant 0 : i32
        %dma_start3A_128 = tpu.memref_slice %arg12[%dma_start3A_126, %dma_start3A_127] : memref<10240x128xf32, #tpu.memory_space<vmem_shared>> -> memref<10240x128xf32, #tpu.memory_space<vmem_shared>>
        tpu.enqueue_indirect_dma source(%arg11 : memref<128x128xf32, #tpu.memory_space<vmem>>) target(%dma_start3A_128 : memref<10240x128xf32, #tpu.memory_space<vmem_shared>>) offsets(%arg9 : memref<128xi32, #tpu.memory_space<vmem>>) semaphore(%run_scoped3A : memref<!tpu.dma_semaphore, #tpu.memory_space<semaphore_mem>>) {add = true}
        %dma_wait3A_129 = arith.constant 0 : i32
        %dma_wait3A_130 = arith.constant 0 : i32
        %dma_wait3A_131 = tpu.memref_slice %arg12[%dma_wait3A_129, %dma_wait3A_130] : memref<10240x128xf32, #tpu.memory_space<vmem_shared>> -> memref<10240x128xf32, #tpu.memory_space<vmem_shared>>
        tpu.wait_indirect_dma semaphore(%run_scoped3A : memref<!tpu.dma_semaphore, #tpu.memory_space<semaphore_mem>>) src(%arg11 : memref<128x128xf32, #tpu.memory_space<vmem>>) dst(%dma_wait3A_131 : memref<10240x128xf32, #tpu.memory_space<vmem_shared>>)
        tpu.yield
      }) : () -> ()
      %add3A_118 = arith.constant 1 : i32
      %add3A_119 = arith.addi %scan3A_82, %add3A_118 : i32
      %lt3A_120 = arith.constant 41 : i32
      %lt3A_121 = arith.cmpi slt, %add3A_119, %lt3A_120 : i32
      %convert_element_type3A_122 = arith.extui %lt3A_121 : i1 to i32
      %cond3A_123 = arith.constant 0 : i32
      %cond3A_124 = arith.cmpi ne, %convert_element_type3A_122, %cond3A_123 : i32
      scf.if %cond3A_124 {
        %add3A_126 = arith.constant 1 : i32
        %add3A_127 = arith.addi %scan3A_82, %add3A_126 : i32
        %mul3A_128 = arith.constant 2 : i32
        %mul3A_129 = arith.muli %mul3A_128, %add3A_127 : i32
        %add3A_130 = arith.constant 1 : i32
        %add3A_131 = arith.addi %mul3A_129, %add3A_130 : i32
        %mul3A_132 = arith.constant 128 : i32
        %mul3A_133 = arith.muli %add3A_131, %mul3A_132 : i32
        %add3A_134 = arith.addi %add3A, %mul3A_133 : i32
        %dma_start3A_135 = tpu.memref_slice %arg3[%add3A_134] : memref<671744xi32, #tpu.memory_space<hbm>> -> memref<128xi32, #tpu.memory_space<hbm>>
        %dma_start3A_136 = tpu.memref_slice %arg3[%add3A_134] : memref<671744xi32, #tpu.memory_space<hbm>> -> memref<128xi32, #tpu.memory_space<hbm>>
        tpu.enqueue_dma source(%dma_start3A_136 : memref<128xi32, #tpu.memory_space<hbm>>) target(%arg7 : memref<128xi32, #tpu.memory_space<vmem>>) target_semaphore(%arg16 : memref<!tpu.dma_semaphore, #tpu.memory_space<semaphore_mem>>)
        %mul3A_137 = arith.constant 128 : i32
        %mul3A_138 = arith.muli %add3A_131, %mul3A_137 : i32
        %add3A_139 = arith.addi %add3A, %mul3A_138 : i32
        %dma_start3A_140 = tpu.memref_slice %arg4[%add3A_139] : memref<335872xi32, #tpu.memory_space<hbm>> -> memref<128xi32, #tpu.memory_space<hbm>>
        %dma_start3A_141 = tpu.memref_slice %arg4[%add3A_139] : memref<335872xi32, #tpu.memory_space<hbm>> -> memref<128xi32, #tpu.memory_space<hbm>>
        tpu.enqueue_dma source(%dma_start3A_141 : memref<128xi32, #tpu.memory_space<hbm>>) target(%arg9 : memref<128xi32, #tpu.memory_space<vmem>>) target_semaphore(%arg16 : memref<!tpu.dma_semaphore, #tpu.memory_space<semaphore_mem>>)
      } else {
      }
      %scan3A_125 = arith.constant 0 : i32
      scf.yield %scan3A_125 : i32
    }
    %scan3A_60 = arith.constant 41 : i32
    %barrier3A_61 = arith.constant 0 : index
    tpu.barrier barrier_id(%barrier3A_61)
    %mul3A_62 = arith.constant 640 : i32
    %mul3A_63 = arith.muli %arg1, %mul3A_62 : i32
    %add3A_64 = arith.constant 0 : i32
    %add3A_65 = arith.addi %mul3A_63, %add3A_64 : i32
    "tpu.region"() ({
      %run_scoped3A = tpu.sem_alloc : memref<!tpu.dma_semaphore, #tpu.memory_space<semaphore_mem>>
      %dma_start3A_82 = arith.constant 0 : i32
      %dma_start3A_83 = tpu.memref_slice %arg12[%add3A_65, %dma_start3A_82] : memref<10240x128xf32, #tpu.memory_space<vmem_shared>> -> memref<128x128xf32, #tpu.memory_space<vmem_shared>>
      %dma_start3A_84 = arith.constant 0 : i32
      %dma_start3A_85 = tpu.memref_slice %arg12[%add3A_65, %dma_start3A_84] : memref<10240x128xf32, #tpu.memory_space<vmem_shared>> -> memref<128x128xf32, #tpu.memory_space<vmem_shared>>
      tpu.enqueue_dma source(%dma_start3A_85 : memref<128x128xf32, #tpu.memory_space<vmem_shared>>) target(%arg10 : memref<128x128xf32, #tpu.memory_space<vmem>>) target_semaphore(%run_scoped3A : memref<!tpu.dma_semaphore, #tpu.memory_space<semaphore_mem>>)
      %dma_wait3A_86 = arith.constant 0 : i32
      %dma_wait3A_87 = tpu.memref_slice %arg12[%add3A_65, %dma_wait3A_86] : memref<10240x128xf32, #tpu.memory_space<vmem_shared>> -> memref<128x128xf32, #tpu.memory_space<vmem_shared>>
      %dma_wait3A_88 = arith.constant 0 : i32
      %dma_wait3A_89 = tpu.memref_slice %arg12[%add3A_65, %dma_wait3A_88] : memref<10240x128xf32, #tpu.memory_space<vmem_shared>> -> memref<128x128xf32, #tpu.memory_space<vmem_shared>>
      tpu.wait_dma2 semaphore(%run_scoped3A : memref<!tpu.dma_semaphore, #tpu.memory_space<semaphore_mem>>) src(%dma_wait3A_89 : memref<128x128xf32, #tpu.memory_space<vmem_shared>>) dst(%arg10 : memref<128x128xf32, #tpu.memory_space<vmem>>)
      tpu.yield
    }) : () -> ()
    "tpu.region"() ({
      %run_scoped3A = tpu.sem_alloc : memref<!tpu.dma_semaphore, #tpu.memory_space<semaphore_mem>>
      %dma_start3A_82 = arith.constant 0 : i32
      %dma_start3A_83 = tpu.memref_slice %arg5[%arg0, %add3A_65, %dma_start3A_82] : memref<2x10240x128xf32, #tpu.memory_space<hbm>> -> memref<1x128x128xf32, #tpu.memory_space<hbm>>
      %dma_start3A_84 = tpu.memref_squeeze %dma_start3A_83 : memref<1x128x128xf32, #tpu.memory_space<hbm>> -> memref<128x128xf32, #tpu.memory_space<hbm>>
      %dma_start3A_85 = arith.constant 0 : i32
      %dma_start3A_86 = tpu.memref_slice %arg5[%arg0, %add3A_65, %dma_start3A_85] : memref<2x10240x128xf32, #tpu.memory_space<hbm>> -> memref<1x128x128xf32, #tpu.memory_space<hbm>>
      %dma_start3A_87 = tpu.memref_squeeze %dma_start3A_86 : memref<1x128x128xf32, #tpu.memory_space<hbm>> -> memref<128x128xf32, #tpu.memory_space<hbm>>
      tpu.enqueue_dma source(%arg10 : memref<128x128xf32, #tpu.memory_space<vmem>>) target(%dma_start3A_87 : memref<128x128xf32, #tpu.memory_space<hbm>>) target_semaphore(%run_scoped3A : memref<!tpu.dma_semaphore, #tpu.memory_space<semaphore_mem>>)
      %dma_wait3A_88 = arith.constant 0 : i32
      %dma_wait3A_89 = tpu.memref_slice %arg5[%arg0, %add3A_65, %dma_wait3A_88] : memref<2x10240x128xf32, #tpu.memory_space<hbm>> -> memref<1x128x128xf32, #tpu.memory_space<hbm>>
      %dma_wait3A_90 = tpu.memref_squeeze %dma_wait3A_89 : memref<1x128x128xf32, #tpu.memory_space<hbm>> -> memref<128x128xf32, #tpu.memory_space<hbm>>
      %dma_wait3A_91 = arith.constant 0 : i32
      %dma_wait3A_92 = tpu.memref_slice %arg5[%arg0, %add3A_65, %dma_wait3A_91] : memref<2x10240x128xf32, #tpu.memory_space<hbm>> -> memref<1x128x128xf32, #tpu.memory_space<hbm>>
      %dma_wait3A_93 = tpu.memref_squeeze %dma_wait3A_92 : memref<1x128x128xf32, #tpu.memory_space<hbm>> -> memref<128x128xf32, #tpu.memory_space<hbm>>
      tpu.wait_dma2 semaphore(%run_scoped3A : memref<!tpu.dma_semaphore, #tpu.memory_space<semaphore_mem>>) src(%arg10 : memref<128x128xf32, #tpu.memory_space<vmem>>) dst(%dma_wait3A_93 : memref<128x128xf32, #tpu.memory_space<hbm>>)
      tpu.yield
    }) : () -> ()
    %mul3A_66 = arith.constant 640 : i32
    %mul3A_67 = arith.muli %arg1, %mul3A_66 : i32
    %add3A_68 = arith.constant 128 : i32
    %add3A_69 = arith.addi %mul3A_67, %add3A_68 : i32
    "tpu.region"() ({
      %run_scoped3A = tpu.sem_alloc : memref<!tpu.dma_semaphore, #tpu.memory_space<semaphore_mem>>
      %dma_start3A_82 = arith.constant 0 : i32
      %dma_start3A_83 = tpu.memref_slice %arg12[%add3A_69, %dma_start3A_82] : memref<10240x128xf32, #tpu.memory_space<vmem_shared>> -> memref<128x128xf32, #tpu.memory_space<vmem_shared>>
      %dma_start3A_84 = arith.constant 0 : i32
      %dma_start3A_85 = tpu.memref_slice %arg12[%add3A_69, %dma_start3A_84] : memref<10240x128xf32, #tpu.memory_space<vmem_shared>> -> memref<128x128xf32, #tpu.memory_space<vmem_shared>>
      tpu.enqueue_dma source(%dma_start3A_85 : memref<128x128xf32, #tpu.memory_space<vmem_shared>>) target(%arg10 : memref<128x128xf32, #tpu.memory_space<vmem>>) target_semaphore(%run_scoped3A : memref<!tpu.dma_semaphore, #tpu.memory_space<semaphore_mem>>)
      %dma_wait3A_86 = arith.constant 0 : i32
      %dma_wait3A_87 = tpu.memref_slice %arg12[%add3A_69, %dma_wait3A_86] : memref<10240x128xf32, #tpu.memory_space<vmem_shared>> -> memref<128x128xf32, #tpu.memory_space<vmem_shared>>
      %dma_wait3A_88 = arith.constant 0 : i32
      %dma_wait3A_89 = tpu.memref_slice %arg12[%add3A_69, %dma_wait3A_88] : memref<10240x128xf32, #tpu.memory_space<vmem_shared>> -> memref<128x128xf32, #tpu.memory_space<vmem_shared>>
      tpu.wait_dma2 semaphore(%run_scoped3A : memref<!tpu.dma_semaphore, #tpu.memory_space<semaphore_mem>>) src(%dma_wait3A_89 : memref<128x128xf32, #tpu.memory_space<vmem_shared>>) dst(%arg10 : memref<128x128xf32, #tpu.memory_space<vmem>>)
      tpu.yield
    }) : () -> ()
    "tpu.region"() ({
      %run_scoped3A = tpu.sem_alloc : memref<!tpu.dma_semaphore, #tpu.memory_space<semaphore_mem>>
      %dma_start3A_82 = arith.constant 0 : i32
      %dma_start3A_83 = tpu.memref_slice %arg5[%arg0, %add3A_69, %dma_start3A_82] : memref<2x10240x128xf32, #tpu.memory_space<hbm>> -> memref<1x128x128xf32, #tpu.memory_space<hbm>>
      %dma_start3A_84 = tpu.memref_squeeze %dma_start3A_83 : memref<1x128x128xf32, #tpu.memory_space<hbm>> -> memref<128x128xf32, #tpu.memory_space<hbm>>
      %dma_start3A_85 = arith.constant 0 : i32
      %dma_start3A_86 = tpu.memref_slice %arg5[%arg0, %add3A_69, %dma_start3A_85] : memref<2x10240x128xf32, #tpu.memory_space<hbm>> -> memref<1x128x128xf32, #tpu.memory_space<hbm>>
      %dma_start3A_87 = tpu.memref_squeeze %dma_start3A_86 : memref<1x128x128xf32, #tpu.memory_space<hbm>> -> memref<128x128xf32, #tpu.memory_space<hbm>>
      tpu.enqueue_dma source(%arg10 : memref<128x128xf32, #tpu.memory_space<vmem>>) target(%dma_start3A_87 : memref<128x128xf32, #tpu.memory_space<hbm>>) target_semaphore(%run_scoped3A : memref<!tpu.dma_semaphore, #tpu.memory_space<semaphore_mem>>)
      %dma_wait3A_88 = arith.constant 0 : i32
      %dma_wait3A_89 = tpu.memref_slice %arg5[%arg0, %add3A_69, %dma_wait3A_88] : memref<2x10240x128xf32, #tpu.memory_space<hbm>> -> memref<1x128x128xf32, #tpu.memory_space<hbm>>
      %dma_wait3A_90 = tpu.memref_squeeze %dma_wait3A_89 : memref<1x128x128xf32, #tpu.memory_space<hbm>> -> memref<128x128xf32, #tpu.memory_space<hbm>>
      %dma_wait3A_91 = arith.constant 0 : i32
      %dma_wait3A_92 = tpu.memref_slice %arg5[%arg0, %add3A_69, %dma_wait3A_91] : memref<2x10240x128xf32, #tpu.memory_space<hbm>> -> memref<1x128x128xf32, #tpu.memory_space<hbm>>
      %dma_wait3A_93 = tpu.memref_squeeze %dma_wait3A_92 : memref<1x128x128xf32, #tpu.memory_space<hbm>> -> memref<128x128xf32, #tpu.memory_space<hbm>>
      tpu.wait_dma2 semaphore(%run_scoped3A : memref<!tpu.dma_semaphore, #tpu.memory_space<semaphore_mem>>) src(%arg10 : memref<128x128xf32, #tpu.memory_space<vmem>>) dst(%dma_wait3A_93 : memref<128x128xf32, #tpu.memory_space<hbm>>)
      tpu.yield
    }) : () -> ()
    %mul3A_70 = arith.constant 640 : i32
    %mul3A_71 = arith.muli %arg1, %mul3A_70 : i32
    %add3A_72 = arith.constant 256 : i32
    %add3A_73 = arith.addi %mul3A_71, %add3A_72 : i32
    "tpu.region"() ({
      %run_scoped3A = tpu.sem_alloc : memref<!tpu.dma_semaphore, #tpu.memory_space<semaphore_mem>>
      %dma_start3A_82 = arith.constant 0 : i32
      %dma_start3A_83 = tpu.memref_slice %arg12[%add3A_73, %dma_start3A_82] : memref<10240x128xf32, #tpu.memory_space<vmem_shared>> -> memref<128x128xf32, #tpu.memory_space<vmem_shared>>
      %dma_start3A_84 = arith.constant 0 : i32
      %dma_start3A_85 = tpu.memref_slice %arg12[%add3A_73, %dma_start3A_84] : memref<10240x128xf32, #tpu.memory_space<vmem_shared>> -> memref<128x128xf32, #tpu.memory_space<vmem_shared>>
      tpu.enqueue_dma source(%dma_start3A_85 : memref<128x128xf32, #tpu.memory_space<vmem_shared>>) target(%arg10 : memref<128x128xf32, #tpu.memory_space<vmem>>) target_semaphore(%run_scoped3A : memref<!tpu.dma_semaphore, #tpu.memory_space<semaphore_mem>>)
      %dma_wait3A_86 = arith.constant 0 : i32
      %dma_wait3A_87 = tpu.memref_slice %arg12[%add3A_73, %dma_wait3A_86] : memref<10240x128xf32, #tpu.memory_space<vmem_shared>> -> memref<128x128xf32, #tpu.memory_space<vmem_shared>>
      %dma_wait3A_88 = arith.constant 0 : i32
      %dma_wait3A_89 = tpu.memref_slice %arg12[%add3A_73, %dma_wait3A_88] : memref<10240x128xf32, #tpu.memory_space<vmem_shared>> -> memref<128x128xf32, #tpu.memory_space<vmem_shared>>
      tpu.wait_dma2 semaphore(%run_scoped3A : memref<!tpu.dma_semaphore, #tpu.memory_space<semaphore_mem>>) src(%dma_wait3A_89 : memref<128x128xf32, #tpu.memory_space<vmem_shared>>) dst(%arg10 : memref<128x128xf32, #tpu.memory_space<vmem>>)
      tpu.yield
    }) : () -> ()
    "tpu.region"() ({
      %run_scoped3A = tpu.sem_alloc : memref<!tpu.dma_semaphore, #tpu.memory_space<semaphore_mem>>
      %dma_start3A_82 = arith.constant 0 : i32
      %dma_start3A_83 = tpu.memref_slice %arg5[%arg0, %add3A_73, %dma_start3A_82] : memref<2x10240x128xf32, #tpu.memory_space<hbm>> -> memref<1x128x128xf32, #tpu.memory_space<hbm>>
      %dma_start3A_84 = tpu.memref_squeeze %dma_start3A_83 : memref<1x128x128xf32, #tpu.memory_space<hbm>> -> memref<128x128xf32, #tpu.memory_space<hbm>>
      %dma_start3A_85 = arith.constant 0 : i32
      %dma_start3A_86 = tpu.memref_slice %arg5[%arg0, %add3A_73, %dma_start3A_85] : memref<2x10240x128xf32, #tpu.memory_space<hbm>> -> memref<1x128x128xf32, #tpu.memory_space<hbm>>
      %dma_start3A_87 = tpu.memref_squeeze %dma_start3A_86 : memref<1x128x128xf32, #tpu.memory_space<hbm>> -> memref<128x128xf32, #tpu.memory_space<hbm>>
      tpu.enqueue_dma source(%arg10 : memref<128x128xf32, #tpu.memory_space<vmem>>) target(%dma_start3A_87 : memref<128x128xf32, #tpu.memory_space<hbm>>) target_semaphore(%run_scoped3A : memref<!tpu.dma_semaphore, #tpu.memory_space<semaphore_mem>>)
      %dma_wait3A_88 = arith.constant 0 : i32
      %dma_wait3A_89 = tpu.memref_slice %arg5[%arg0, %add3A_73, %dma_wait3A_88] : memref<2x10240x128xf32, #tpu.memory_space<hbm>> -> memref<1x128x128xf32, #tpu.memory_space<hbm>>
      %dma_wait3A_90 = tpu.memref_squeeze %dma_wait3A_89 : memref<1x128x128xf32, #tpu.memory_space<hbm>> -> memref<128x128xf32, #tpu.memory_space<hbm>>
      %dma_wait3A_91 = arith.constant 0 : i32
      %dma_wait3A_92 = tpu.memref_slice %arg5[%arg0, %add3A_73, %dma_wait3A_91] : memref<2x10240x128xf32, #tpu.memory_space<hbm>> -> memref<1x128x128xf32, #tpu.memory_space<hbm>>
      %dma_wait3A_93 = tpu.memref_squeeze %dma_wait3A_92 : memref<1x128x128xf32, #tpu.memory_space<hbm>> -> memref<128x128xf32, #tpu.memory_space<hbm>>
      tpu.wait_dma2 semaphore(%run_scoped3A : memref<!tpu.dma_semaphore, #tpu.memory_space<semaphore_mem>>) src(%arg10 : memref<128x128xf32, #tpu.memory_space<vmem>>) dst(%dma_wait3A_93 : memref<128x128xf32, #tpu.memory_space<hbm>>)
      tpu.yield
    }) : () -> ()
    %mul3A_74 = arith.constant 640 : i32
    %mul3A_75 = arith.muli %arg1, %mul3A_74 : i32
    %add3A_76 = arith.constant 384 : i32
    %add3A_77 = arith.addi %mul3A_75, %add3A_76 : i32
    "tpu.region"() ({
      %run_scoped3A = tpu.sem_alloc : memref<!tpu.dma_semaphore, #tpu.memory_space<semaphore_mem>>
      %dma_start3A_82 = arith.constant 0 : i32
      %dma_start3A_83 = tpu.memref_slice %arg12[%add3A_77, %dma_start3A_82] : memref<10240x128xf32, #tpu.memory_space<vmem_shared>> -> memref<128x128xf32, #tpu.memory_space<vmem_shared>>
      %dma_start3A_84 = arith.constant 0 : i32
      %dma_start3A_85 = tpu.memref_slice %arg12[%add3A_77, %dma_start3A_84] : memref<10240x128xf32, #tpu.memory_space<vmem_shared>> -> memref<128x128xf32, #tpu.memory_space<vmem_shared>>
      tpu.enqueue_dma source(%dma_start3A_85 : memref<128x128xf32, #tpu.memory_space<vmem_shared>>) target(%arg10 : memref<128x128xf32, #tpu.memory_space<vmem>>) target_semaphore(%run_scoped3A : memref<!tpu.dma_semaphore, #tpu.memory_space<semaphore_mem>>)
      %dma_wait3A_86 = arith.constant 0 : i32
      %dma_wait3A_87 = tpu.memref_slice %arg12[%add3A_77, %dma_wait3A_86] : memref<10240x128xf32, #tpu.memory_space<vmem_shared>> -> memref<128x128xf32, #tpu.memory_space<vmem_shared>>
      %dma_wait3A_88 = arith.constant 0 : i32
      %dma_wait3A_89 = tpu.memref_slice %arg12[%add3A_77, %dma_wait3A_88] : memref<10240x128xf32, #tpu.memory_space<vmem_shared>> -> memref<128x128xf32, #tpu.memory_space<vmem_shared>>
      tpu.wait_dma2 semaphore(%run_scoped3A : memref<!tpu.dma_semaphore, #tpu.memory_space<semaphore_mem>>) src(%dma_wait3A_89 : memref<128x128xf32, #tpu.memory_space<vmem_shared>>) dst(%arg10 : memref<128x128xf32, #tpu.memory_space<vmem>>)
      tpu.yield
    }) : () -> ()
    "tpu.region"() ({
      %run_scoped3A = tpu.sem_alloc : memref<!tpu.dma_semaphore, #tpu.memory_space<semaphore_mem>>
      %dma_start3A_82 = arith.constant 0 : i32
      %dma_start3A_83 = tpu.memref_slice %arg5[%arg0, %add3A_77, %dma_start3A_82] : memref<2x10240x128xf32, #tpu.memory_space<hbm>> -> memref<1x128x128xf32, #tpu.memory_space<hbm>>
      %dma_start3A_84 = tpu.memref_squeeze %dma_start3A_83 : memref<1x128x128xf32, #tpu.memory_space<hbm>> -> memref<128x128xf32, #tpu.memory_space<hbm>>
      %dma_start3A_85 = arith.constant 0 : i32
      %dma_start3A_86 = tpu.memref_slice %arg5[%arg0, %add3A_77, %dma_start3A_85] : memref<2x10240x128xf32, #tpu.memory_space<hbm>> -> memref<1x128x128xf32, #tpu.memory_space<hbm>>
      %dma_start3A_87 = tpu.memref_squeeze %dma_start3A_86 : memref<1x128x128xf32, #tpu.memory_space<hbm>> -> memref<128x128xf32, #tpu.memory_space<hbm>>
      tpu.enqueue_dma source(%arg10 : memref<128x128xf32, #tpu.memory_space<vmem>>) target(%dma_start3A_87 : memref<128x128xf32, #tpu.memory_space<hbm>>) target_semaphore(%run_scoped3A : memref<!tpu.dma_semaphore, #tpu.memory_space<semaphore_mem>>)
      %dma_wait3A_88 = arith.constant 0 : i32
      %dma_wait3A_89 = tpu.memref_slice %arg5[%arg0, %add3A_77, %dma_wait3A_88] : memref<2x10240x128xf32, #tpu.memory_space<hbm>> -> memref<1x128x128xf32, #tpu.memory_space<hbm>>
      %dma_wait3A_90 = tpu.memref_squeeze %dma_wait3A_89 : memref<1x128x128xf32, #tpu.memory_space<hbm>> -> memref<128x128xf32, #tpu.memory_space<hbm>>
      %dma_wait3A_91 = arith.constant 0 : i32
      %dma_wait3A_92 = tpu.memref_slice %arg5[%arg0, %add3A_77, %dma_wait3A_91] : memref<2x10240x128xf32, #tpu.memory_space<hbm>> -> memref<1x128x128xf32, #tpu.memory_space<hbm>>
      %dma_wait3A_93 = tpu.memref_squeeze %dma_wait3A_92 : memref<1x128x128xf32, #tpu.memory_space<hbm>> -> memref<128x128xf32, #tpu.memory_space<hbm>>
      tpu.wait_dma2 semaphore(%run_scoped3A : memref<!tpu.dma_semaphore, #tpu.memory_space<semaphore_mem>>) src(%arg10 : memref<128x128xf32, #tpu.memory_space<vmem>>) dst(%dma_wait3A_93 : memref<128x128xf32, #tpu.memory_space<hbm>>)
      tpu.yield
    }) : () -> ()
    %mul3A_78 = arith.constant 640 : i32
    %mul3A_79 = arith.muli %arg1, %mul3A_78 : i32
    %add3A_80 = arith.constant 512 : i32
    %add3A_81 = arith.addi %mul3A_79, %add3A_80 : i32
    "tpu.region"() ({
      %run_scoped3A = tpu.sem_alloc : memref<!tpu.dma_semaphore, #tpu.memory_space<semaphore_mem>>
      %dma_start3A_82 = arith.constant 0 : i32
      %dma_start3A_83 = tpu.memref_slice %arg12[%add3A_81, %dma_start3A_82] : memref<10240x128xf32, #tpu.memory_space<vmem_shared>> -> memref<128x128xf32, #tpu.memory_space<vmem_shared>>
      %dma_start3A_84 = arith.constant 0 : i32
      %dma_start3A_85 = tpu.memref_slice %arg12[%add3A_81, %dma_start3A_84] : memref<10240x128xf32, #tpu.memory_space<vmem_shared>> -> memref<128x128xf32, #tpu.memory_space<vmem_shared>>
      tpu.enqueue_dma source(%dma_start3A_85 : memref<128x128xf32, #tpu.memory_space<vmem_shared>>) target(%arg10 : memref<128x128xf32, #tpu.memory_space<vmem>>) target_semaphore(%run_scoped3A : memref<!tpu.dma_semaphore, #tpu.memory_space<semaphore_mem>>)
      %dma_wait3A_86 = arith.constant 0 : i32
      %dma_wait3A_87 = tpu.memref_slice %arg12[%add3A_81, %dma_wait3A_86] : memref<10240x128xf32, #tpu.memory_space<vmem_shared>> -> memref<128x128xf32, #tpu.memory_space<vmem_shared>>
      %dma_wait3A_88 = arith.constant 0 : i32
      %dma_wait3A_89 = tpu.memref_slice %arg12[%add3A_81, %dma_wait3A_88] : memref<10240x128xf32, #tpu.memory_space<vmem_shared>> -> memref<128x128xf32, #tpu.memory_space<vmem_shared>>
      tpu.wait_dma2 semaphore(%run_scoped3A : memref<!tpu.dma_semaphore, #tpu.memory_space<semaphore_mem>>) src(%dma_wait3A_89 : memref<128x128xf32, #tpu.memory_space<vmem_shared>>) dst(%arg10 : memref<128x128xf32, #tpu.memory_space<vmem>>)
      tpu.yield
    }) : () -> ()
    "tpu.region"() ({
      %run_scoped3A = tpu.sem_alloc : memref<!tpu.dma_semaphore, #tpu.memory_space<semaphore_mem>>
      %dma_start3A_82 = arith.constant 0 : i32
      %dma_start3A_83 = tpu.memref_slice %arg5[%arg0, %add3A_81, %dma_start3A_82] : memref<2x10240x128xf32, #tpu.memory_space<hbm>> -> memref<1x128x128xf32, #tpu.memory_space<hbm>>
      %dma_start3A_84 = tpu.memref_squeeze %dma_start3A_83 : memref<1x128x128xf32, #tpu.memory_space<hbm>> -> memref<128x128xf32, #tpu.memory_space<hbm>>
      %dma_start3A_85 = arith.constant 0 : i32
      %dma_start3A_86 = tpu.memref_slice %arg5[%arg0, %add3A_81, %dma_start3A_85] : memref<2x10240x128xf32, #tpu.memory_space<hbm>> -> memref<1x128x128xf32, #tpu.memory_space<hbm>>
      %dma_start3A_87 = tpu.memref_squeeze %dma_start3A_86 : memref<1x128x128xf32, #tpu.memory_space<hbm>> -> memref<128x128xf32, #tpu.memory_space<hbm>>
      tpu.enqueue_dma source(%arg10 : memref<128x128xf32, #tpu.memory_space<vmem>>) target(%dma_start3A_87 : memref<128x128xf32, #tpu.memory_space<hbm>>) target_semaphore(%run_scoped3A : memref<!tpu.dma_semaphore, #tpu.memory_space<semaphore_mem>>)
      %dma_wait3A_88 = arith.constant 0 : i32
      %dma_wait3A_89 = tpu.memref_slice %arg5[%arg0, %add3A_81, %dma_wait3A_88] : memref<2x10240x128xf32, #tpu.memory_space<hbm>> -> memref<1x128x128xf32, #tpu.memory_space<hbm>>
      %dma_wait3A_90 = tpu.memref_squeeze %dma_wait3A_89 : memref<1x128x128xf32, #tpu.memory_space<hbm>> -> memref<128x128xf32, #tpu.memory_space<hbm>>
      %dma_wait3A_91 = arith.constant 0 : i32
      %dma_wait3A_92 = tpu.memref_slice %arg5[%arg0, %add3A_81, %dma_wait3A_91] : memref<2x10240x128xf32, #tpu.memory_space<hbm>> -> memref<1x128x128xf32, #tpu.memory_space<hbm>>
      %dma_wait3A_93 = tpu.memref_squeeze %dma_wait3A_92 : memref<1x128x128xf32, #tpu.memory_space<hbm>> -> memref<128x128xf32, #tpu.memory_space<hbm>>
      tpu.wait_dma2 semaphore(%run_scoped3A : memref<!tpu.dma_semaphore, #tpu.memory_space<semaphore_mem>>) src(%arg10 : memref<128x128xf32, #tpu.memory_space<vmem>>) dst(%dma_wait3A_93 : memref<128x128xf32, #tpu.memory_space<hbm>>)
      tpu.yield
    }) : () -> ()
    return
  }
}

module attributes {stable_mosaic.version = 14 : i64} {
  func.func @_tc_c_body(%arg0: memref<2x10240x128xf32, #tpu.memory_space<vmem>>, %arg1: memref<10240x1xf32, #tpu.memory_space<vmem>>, %arg2: memref<256xf32, #tpu.memory_space<vmem>>, %arg3: memref<128x256xf32, #tpu.memory_space<vmem>>, %arg4: memref<10240x128xf32, #tpu.memory_space<vmem>>) attributes {dimension_semantics = [], scalar_prefetch = 0 : i64, scratch_operands = 0 : i64, tpu.core_type = #tpu.core_type<tc>} {
    %get3A = arith.constant 0 : index
    %get3A_0 = arith.constant 0 : index
    %get3A_1 = vector.load %arg1[%get3A, %get3A_0] : memref<10240x1xf32, #tpu.memory_space<vmem>>, vector<10240x1xf32>
    %get3A_2 = arith.constant 0 : index
    %get3A_3 = arith.constant 0 : index
    %get3A_4 = arith.constant 0 : index
    %get3A_5 = vector.load %arg0[%get3A_2, %get3A_3, %get3A_4] : memref<2x10240x128xf32, #tpu.memory_space<vmem>>, vector<1x10240x128xf32>
    %get3A_6 = vector.shape_cast %get3A_5 : vector<1x10240x128xf32> to vector<10240x128xf32>
    %get3A_7 = arith.constant 1 : index
    %get3A_8 = arith.constant 0 : index
    %get3A_9 = arith.constant 0 : index
    %get3A_10 = vector.load %arg0[%get3A_7, %get3A_8, %get3A_9] : memref<2x10240x128xf32, #tpu.memory_space<vmem>>, vector<1x10240x128xf32>
    %get3A_11 = vector.shape_cast %get3A_10 : vector<1x10240x128xf32> to vector<10240x128xf32>
    %concatenate3A = tpu.concatenate %get3A_6, %get3A_11 in 1 : vector<10240x128xf32>, vector<10240x128xf32> -> vector<10240x256xf32>
    %mul3A = vector.broadcast %get3A_1 : vector<10240x1xf32> to vector<10240x256xf32>
    %mul3A_12 = arith.mulf %concatenate3A, %mul3A : vector<10240x256xf32>
    %get3A_13 = arith.constant 0 : index
    %get3A_14 = vector.load %arg2[%get3A_13] : memref<256xf32, #tpu.memory_space<vmem>>, vector<256xf32>
    %broadcast_in_dim3A = vector.shape_cast %get3A_14 : vector<256xf32> to vector<1x256xf32>
    %add3A = vector.broadcast %broadcast_in_dim3A : vector<1x256xf32> to vector<10240x256xf32>
    %add3A_15 = arith.addf %mul3A_12, %add3A : vector<10240x256xf32>
    %max3A = arith.constant 0.000000e+00 : f32
    %max3A_16 = vector.broadcast %max3A : f32 to vector<10240x256xf32>
    %max3A_17 = arith.maximumf %add3A_15, %max3A_16 : vector<10240x256xf32>
    %get3A_18 = arith.constant 0 : index
    %get3A_19 = arith.constant 0 : index
    %get3A_20 = vector.load %arg3[%get3A_18, %get3A_19] : memref<128x256xf32, #tpu.memory_space<vmem>>, vector<128x256xf32>
    %transpose3A = tpu.transpose %get3A_20, [1, 0] : vector<128x256xf32> -> vector<256x128xf32>
    %dot_general3A = arith.constant dense<0.000000e+00> : vector<10240x128xf32>
    %dot_general3A_21 = tpu.matmul %max3A_17, %transpose3A, %dot_general3A {dimension_numbers = #tpu.dot_dimension_numbers<[1], [0], [0], [1], [0, 0, 1, 1], [], []>, transpose_lhs_hint = false} : vector<10240x256xf32>, vector<256x128xf32>, vector<10240x128xf32> -> vector<10240x128xf32>
    %mul3A_22 = vector.broadcast %get3A_1 : vector<10240x1xf32> to vector<10240x128xf32>
    %mul3A_23 = arith.mulf %dot_general3A_21, %mul3A_22 : vector<10240x128xf32>
    %swap3A = arith.constant 0 : index
    %swap3A_24 = arith.constant 0 : index
    %swap3A_25 = vector.load %arg4[%swap3A, %swap3A_24] : memref<10240x128xf32, #tpu.memory_space<vmem>>, vector<10240x128xf32>
    tpu.vector_store %arg4[%swap3A, %swap3A_24], %mul3A_23 {strides = array<i32>} : memref<10240x128xf32, #tpu.memory_space<vmem>>, vector<10240x128xf32>,
    return
  }
}

module attributes {stable_mosaic.version = 14 : i64} {
  func.func @_tc_e_body(%arg0: memref<2x10240x128xf32, #tpu.memory_space<vmem>>, %arg1: memref<10240x1xf32, #tpu.memory_space<vmem>>, %arg2: memref<128xf32, #tpu.memory_space<vmem>>, %arg3: memref<10000x128xf32, #tpu.memory_space<vmem>>) attributes {dimension_semantics = [], scalar_prefetch = 0 : i64, scratch_operands = 0 : i64, tpu.core_type = #tpu.core_type<tc>} {
    %get3A = arith.constant 0 : index
    %get3A_0 = arith.constant 0 : index
    %get3A_1 = arith.constant 0 : index
    %get3A_2 = vector.load %arg0[%get3A, %get3A_0, %get3A_1] : memref<2x10240x128xf32, #tpu.memory_space<vmem>>, vector<1x10240x128xf32>
    %get3A_3 = vector.shape_cast %get3A_2 : vector<1x10240x128xf32> to vector<10240x128xf32>
    %get3A_4 = arith.constant 1 : index
    %get3A_5 = arith.constant 0 : index
    %get3A_6 = arith.constant 0 : index
    %get3A_7 = vector.load %arg0[%get3A_4, %get3A_5, %get3A_6] : memref<2x10240x128xf32, #tpu.memory_space<vmem>>, vector<1x10240x128xf32>
    %get3A_8 = vector.shape_cast %get3A_7 : vector<1x10240x128xf32> to vector<10240x128xf32>
    %add3A = arith.addf %get3A_3, %get3A_8 : vector<10240x128xf32>
    %get3A_9 = arith.constant 0 : index
    %get3A_10 = arith.constant 0 : index
    %get3A_11 = vector.load %arg1[%get3A_9, %get3A_10] : memref<10240x1xf32, #tpu.memory_space<vmem>>, vector<10240x1xf32>
    %mul3A = vector.broadcast %get3A_11 : vector<10240x1xf32> to vector<10240x128xf32>
    %mul3A_12 = arith.mulf %add3A, %mul3A : vector<10240x128xf32>
    %get3A_13 = arith.constant 0 : index
    %get3A_14 = vector.load %arg2[%get3A_13] : memref<128xf32, #tpu.memory_space<vmem>>, vector<128xf32>
    %broadcast_in_dim3A = vector.shape_cast %get3A_14 : vector<128xf32> to vector<1x128xf32>
    %add3A_15 = vector.broadcast %broadcast_in_dim3A : vector<1x128xf32> to vector<10240x128xf32>
    %add3A_16 = arith.addf %mul3A_12, %add3A_15 : vector<10240x128xf32>
    %slice3A = vector.extract_strided_slice %add3A_16 {offsets = [0, 0], sizes = [10000, 128], strides = [1, 1]} : vector<10240x128xf32> to vector<10000x128xf32>
    %swap3A = arith.constant 0 : index
    %swap3A_17 = arith.constant 0 : index
    %swap3A_18 = vector.load %arg3[%swap3A, %swap3A_17] : memref<10000x128xf32, #tpu.memory_space<vmem>>, vector<10000x128xf32>
    tpu.vector_store %arg3[%swap3A, %swap3A_17], %slice3A {strides = array<i32>} : memref<10000x128xf32, #tpu.memory_space<vmem>>, vector<10000x128xf32>,
    return
  }
}

module attributes {stable_mosaic.version = 14 : i64} {
  func.func @_tc_a_body(%arg0: memref<10240x128xf32, #tpu.memory_space<vmem>>, %arg1: memref<128x128xf32, #tpu.memory_space<vmem>>, %arg2: memref<256x128xf32, #tpu.memory_space<vmem>>, %arg3: memref<2x10240xf32, #tpu.memory_space<vmem>>, %arg4: memref<20480x128xf32, #tpu.memory_space<vmem>>, %arg5: memref<10240x1xf32, #tpu.memory_space<vmem>>) attributes {dimension_semantics = [], scalar_prefetch = 0 : i64, scratch_operands = 0 : i64, tpu.core_type = #tpu.core_type<tc>} {
    %get3A = arith.constant 0 : index
    %get3A_0 = arith.constant 0 : index
    %get3A_1 = vector.load %arg3[%get3A, %get3A_0] : memref<2x10240xf32, #tpu.memory_space<vmem>>, vector<1x10240xf32>
    %get3A_2 = vector.shape_cast %get3A_1 : vector<1x10240xf32> to vector<10240xf32>
    %get3A_3 = arith.constant 1 : index
    %get3A_4 = arith.constant 0 : index
    %get3A_5 = vector.load %arg3[%get3A_3, %get3A_4] : memref<2x10240xf32, #tpu.memory_space<vmem>>, vector<1x10240xf32>
    %get3A_6 = vector.shape_cast %get3A_5 : vector<1x10240xf32> to vector<10240xf32>
    %add3A = arith.addf %get3A_2, %get3A_6 : vector<10240xf32>
    %max3A = arith.constant 9.99999996E-13 : f32
    %max3A_7 = vector.broadcast %max3A : f32 to vector<10240xf32>
    %max3A_8 = arith.maximumf %add3A, %max3A_7 : vector<10240xf32>
    %rsqrt3A = math.rsqrt %max3A_8 : vector<10240xf32>
    %get3A_9 = arith.constant 0 : index
    %get3A_10 = arith.constant 0 : index
    %get3A_11 = vector.load %arg0[%get3A_9, %get3A_10] : memref<10240x128xf32, #tpu.memory_space<vmem>>, vector<10240x128xf32>
    %get3A_12 = arith.constant 0 : index
    %get3A_13 = arith.constant 0 : index
    %get3A_14 = vector.load %arg1[%get3A_12, %get3A_13] : memref<128x128xf32, #tpu.memory_space<vmem>>, vector<128x128xf32>
    %transpose3A = tpu.transpose %get3A_14, [1, 0] : vector<128x128xf32> -> vector<128x128xf32>
    %dot_general3A = arith.constant dense<0.000000e+00> : vector<10240x128xf32>
    %dot_general3A_15 = tpu.matmul %get3A_11, %transpose3A, %dot_general3A {dimension_numbers = #tpu.dot_dimension_numbers<[1], [0], [0], [1], [0, 0, 1, 1], [], []>, transpose_lhs_hint = false} : vector<10240x128xf32>, vector<128x128xf32>, vector<10240x128xf32> -> vector<10240x128xf32>
    %get3A_16 = arith.constant 0 : index
    %get3A_17 = arith.constant 0 : index
    %get3A_18 = vector.load %arg2[%get3A_16, %get3A_17] : memref<256x128xf32, #tpu.memory_space<vmem>>, vector<256x128xf32>
    %transpose3A_19 = tpu.transpose %get3A_18, [1, 0] : vector<256x128xf32> -> vector<128x256xf32>
    %dot_general3A_20 = arith.constant dense<0.000000e+00> : vector<10240x256xf32>
    %dot_general3A_21 = tpu.matmul %dot_general3A_15, %transpose3A_19, %dot_general3A_20 {dimension_numbers = #tpu.dot_dimension_numbers<[1], [0], [0], [1], [0, 0, 1, 1], [], []>, transpose_lhs_hint = false} : vector<10240x128xf32>, vector<128x256xf32>, vector<10240x256xf32> -> vector<10240x256xf32>
    %broadcast_in_dim3A = vector.shape_cast %rsqrt3A : vector<10240xf32> to vector<10240x1xf32>
    %mul3A = vector.broadcast %broadcast_in_dim3A : vector<10240x1xf32> to vector<10240x256xf32>
    %mul3A_22 = arith.mulf %dot_general3A_21, %mul3A : vector<10240x256xf32>
    %slice3A = vector.extract_strided_slice %mul3A_22 {offsets = [0, 0], sizes = [10240, 128], strides = [1, 1]} : vector<10240x256xf32> to vector<10240x128xf32>
    %swap3A = arith.constant 0 : index
    %swap3A_23 = arith.constant 0 : index
    %swap3A_24 = vector.load %arg4[%swap3A, %swap3A_23] : memref<20480x128xf32, #tpu.memory_space<vmem>>, vector<10240x128xf32>
    tpu.vector_store %arg4[%swap3A, %swap3A_23], %slice3A {strides = array<i32>} : memref<20480x128xf32, #tpu.memory_space<vmem>>, vector<10240x128xf32>,
    %slice3A_25 = vector.extract_strided_slice %mul3A_22 {offsets = [0, 128], sizes = [10240, 128], strides = [1, 1]} : vector<10240x256xf32> to vector<10240x128xf32>
    %swap3A_26 = arith.constant 10240 : index
    %swap3A_27 = arith.constant 0 : index
    %swap3A_28 = vector.load %arg4[%swap3A_26, %swap3A_27] : memref<20480x128xf32, #tpu.memory_space<vmem>>, vector<10240x128xf32>
    tpu.vector_store %arg4[%swap3A_26, %swap3A_27], %slice3A_25 {strides = array<i32>} : memref<20480x128xf32, #tpu.memory_space<vmem>>, vector<10240x128xf32>,
    %broadcast_in_dim3A_29 = vector.shape_cast %rsqrt3A : vector<10240xf32> to vector<10240x1xf32>
    %swap3A_30 = arith.constant 0 : index
    %swap3A_31 = arith.constant 0 : index
    %swap3A_32 = vector.load %arg5[%swap3A_30, %swap3A_31] : memref<10240x1xf32, #tpu.memory_space<vmem>>, vector<10240x1xf32>
    tpu.vector_store %arg5[%swap3A_30, %swap3A_31], %broadcast_in_dim3A_29 {strides = array<i32>} : memref<10240x1xf32, #tpu.memory_space<vmem>>, vector<10240x1xf32>,
    return
  }
}

</mosaic_0001>

<sc_bundles>
// kernel: kernel.11.cloned.1.call-start
scs
__scs_entry_jumppad:
0x0: {  	(pc) =	sbr.rel $0x88, $3  }
0x1: {  	(tag) =	ssettag $0x0;
	lr =	simm.s32 $0x1  }
0x2: {  	[smem:$0x3F9A] =	sst lr;
	_ =	strace $0xD0000000  }
0x3: {  	_ = 	snop  }
0x4: {  	_ = 	snop  }
0x5: {  	_ = 	snop  }
0x6: {  	_ = 	snop  }
0x7: {  	_ = 	snop  }
__scs_overlays_trampoline_lowered:
0x8: {  	[smem:$0x3FA9] =	sst s0  }
0x9: {  	[smem:$0x3FAA] =	sst s1  }
0xa: {  	[smem:$0x3FAB] =	sst s2  }
0xb: {  	[smem:$0x3FAC] =	sst s3  }
0xc: {  	[smem:$0x3FAD] =	sst s4  }
0xd: {  	[smem:$0x3FAE] =	sst s5  }
0xe: {  	[smem:$0x3FAF] =	sst s6  }
0xf: {  	[smem:$0x3FB0] =	sst s7  }
0x10: {  	[smem:$0x3FB1] =	sst s8  }
0x11: {  	[smem:$0x3FB2] =	sst s9;
	s0 =	simm.s32 @!p0 $0x0  }
0x12: {  	s1 =	sld [smem:$0x3F98];
	s0 =	simm.s32 @p0 $0x1  }
0x13: {  	[smem:$0x3FB3] =	sst s0;
	s0 =	simm.s32 @!p1 $0x0  }
0x14: {  	s2 =	sld [smem:$0x3F97];
	s0 =	simm.s32 @p1 $0x1  }
0x15: {  	[smem:$0x3FB4] =	sst s0;
	s0 =	simm.s32 @!p2 $0x0  }
0x16: {  	s3 =	sld [smem:$0x3FDB];
	s0 =	simm.s32 @p2 $0x1  }
0x17: {  	s4 =	simm.s32 $0x1BF5;
	[smem:$0x3FB6] =	sst s0  }
0x18: {  	s0 =	sld [smem:$0x3F99];
	_ =	swait.ge [sflag:s4], $0x0  }
0x19: {  	s7 =	sld [smem:$0x3F9A]  }
0x1a: {  	s8 =	sadd.s32 $0xFFFFE003, lr  }
0x1b: {  	s9 =	sadd.s32 $0xFFFFFEF7, lr;
	s5 =	simm.s32 $0xFFFFFFFF;
	p2 =	slt.u32 s8, $0xFFFFF086  }
0x1c: {  	p1 =	slt.u32 s9, $0xF7A;
	s5 =	simm.s32 @!p2 $0x0  }
0x1d: {  	s5 =	simm.s32 @p1 $0x1;
	p0 =	seq.s32 s7, s2  }
0x1e: {  	s7 =	smul.u32 @!p0 $0xF7A, s2;
	p2 =	seq.s32 @!p0 s5, $0x0  }
0x1f: {  	s9 =	smul.u32 $0xF7A, s1;
	s8 =	simm.s32 @!p0 $0x1BF5;
	p2 =	por !p2, p0  }
0x20: {  	[sflag:s8] =	ssyncset.s32 @!p0 $0xFFFFF086;
	s6 =	sadd.s32 @!p0 s3, s7;
	s7 =	simm.s32 @!p0 $0x108  }
0x21: {  	s3 =	sadd.s32 s3, s9;
	s6 =	sadd.s32 @!p0 $0x88, s6;
	s7 =	simm.s32 @p2 $0x1082  }
0x22: {  	[simem:s7], [sflag:s8] =	dma.local @!p0 [hbm:s6], $0xF7A  }
0x23: {  	s9 =	sor.u32 $0xD0000000, s2;
	s6 =	simm.s32 $0x108;
	_ =	swait.ge @!p0 [sflag:s8], $0x0  }
0x24: {  	s3 =	sadd.s32 $0x88, s3;
	s6 =	simm.s32 @!p1 $0x1082;
	[sflag:s4] =	ssyncset.s32 $0xFFFFF086  }
0x25: {  	[simem:s6], [sflag:s4] =	dma.local [hbm:s3], $0xF7A  }
0x26: {  	[smem:$0x3F9A] =	sst s1;
	(tag) =	ssettag s2;
	_ =	strace s9  }
0x27: {  	s1 =	sld [smem:$0x3FAA]  }
0x28: {  	s2 =	sld [smem:$0x3FAB]  }
0x29: {  	s4 =	sld [smem:$0x3FAD]  }
0x2a: {  	p0 =	seq.s32 s5, $0x0;
	s5 =	sld [smem:$0x3FAE]  }
0x2b: {  	s6 =	sld [smem:$0x3FAF]  }
0x2c: {  	s7 =	sld [smem:$0x3FB0]  }
0x2d: {  	s3 =	simm.s32 $0x108;
	s8 =	sld [smem:$0x3FB1]  }
0x2e: {  	s3 =	simm.s32 @!p0 $0x1082;
	s9 =	sld [smem:$0x3FB2]  }
0x2f: {  	lr =	sadd.s32 s0, s3;
	s0 =	sld [smem:$0x3FA9]  }
0x30: {  	s3 =	sld [smem:$0x3FAC]  }
0x31: {  	[smem:$0x3FB5] =	sst s10  }
0x32: {  	s10 =	sld [smem:$0x3FB3];
	_ =	sdelay $0x3  }
0x33: {  	p0 =	seq.s32 s10, $0x1;
	s10 =	sld [smem:$0x3FB5];
	_ =	sdelay $0x3  }
0x34: {  	[smem:$0x3FB5] =	sst s10  }
0x35: {  	s10 =	sld [smem:$0x3FB4];
	_ =	sdelay $0x3  }
0x36: {  	p1 =	seq.s32 s10, $0x1;
	s10 =	sld [smem:$0x3FB5];
	_ =	sdelay $0x3  }
0x37: {  	[smem:$0x3FB5] =	sst s10  }
0x38: {  	s10 =	sld [smem:$0x3FB6]  }
0x39: {  	_ = 	snop;
	(pc) =	sbr.ind lr, $3  }
0x3a: {  	_ = 	snop  }
0x3b: {  	_ = 	snop  }
0x3c: {  	p2 =	seq.s32 s10, $0x1;
	s10 =	sld [smem:$0x3FB5]  }
0x3d: {  	_ =	shalt  }
0x3e: {  	_ =	shalt  }
0x3f: {  	_ =	shalt  }
0x40: {  	_ =	shalt  }
0x41: {  	_ =	shalt  }
0x42: {  	_ =	shalt  }
0x43: {  	_ =	shalt  }
0x44: {  	_ =	shalt  }
0x45: {  	_ =	shalt  }
0x46: {  	_ =	shalt  }
0x47: {  	_ =	shalt  }
0x48: {  	_ =	shalt  }
0x49: {  	_ =	shalt  }
0x4a: {  	_ =	shalt  }
0x4b: {  	_ =	shalt  }
0x4c: {  	_ =	shalt  }
0x4d: {  	_ =	shalt  }
0x4e: {  	_ =	shalt  }
0x4f: {  	_ =	shalt  }
0x50: {  	_ =	shalt  }
0x51: {  	_ =	shalt  }
0x52: {  	_ =	shalt  }
0x53: {  	_ =	shalt  }
0x54: {  	_ =	shalt  }
0x55: {  	_ =	shalt  }
0x56: {  	_ =	shalt  }
0x57: {  	_ =	shalt  }
0x58: {  	_ =	shalt  }
0x59: {  	_ =	shalt  }
0x5a: {  	_ =	shalt  }
0x5b: {  	_ =	shalt  }
0x5c: {  	_ =	shalt  }
0x5d: {  	_ =	shalt  }
0x5e: {  	_ =	shalt  }
0x5f: {  	_ =	shalt  }
0x60: {  	_ =	shalt  }
0x61: {  	_ =	shalt  }
0x62: {  	_ =	shalt  }
0x63: {  	_ =	shalt  }
0x64: {  	_ =	shalt  }
0x65: {  	_ =	shalt  }
0x66: {  	_ =	shalt  }
0x67: {  	_ =	shalt  }
0x68: {  	_ =	shalt  }
0x69: {  	_ =	shalt  }
0x6a: {  	_ =	shalt  }
0x6b: {  	_ =	shalt  }
0x6c: {  	_ =	shalt  }
0x6d: {  	_ =	shalt  }
0x6e: {  	_ =	shalt  }
0x6f: {  	_ =	shalt  }
0x70: {  	_ =	shalt  }
0x71: {  	_ =	shalt  }
0x72: {  	_ =	shalt  }
0x73: {  	_ =	shalt  }
0x74: {  	_ =	shalt  }
0x75: {  	_ =	shalt  }
0x76: {  	_ =	shalt  }
0x77: {  	_ =	shalt  }
0x78: {  	_ =	shalt  }
0x79: {  	_ =	shalt  }
0x7a: {  	_ =	shalt  }
0x7b: {  	_ =	shalt  }
0x7c: {  	_ =	shalt  }
0x7d: {  	_ =	shalt  }
0x7e: {  	_ =	shalt  }
0x7f: {  	_ =	shalt  }
0x80: {  	_ =	shalt  }
0x81: {  	_ =	shalt  }
0x82: {  	_ =	shalt  }
0x83: {  	_ =	shalt  }
0x84: {  	_ =	shalt  }
0x85: {  	_ =	shalt  }
0x86: {  	_ =	shalt  }
0x87: {  	_ =	shalt  }
.Lfunc_end0:
.L_simem_size_0:
called_computation.1_lowered:
.L_overlay_start_0:
0x88: {  	s2 =	sld [smem:$0x3FD9]  }
0x89: {  	s3 =	sld [smem:$0x3FFE];
	_ =	sdelay $0x1  }
0x8a: {  	s1 =	srdreg.scid  }
0x8b: {  	s0 =	sand.u32 $0x1, s1  }
0x8c: {  	s17 =	sshll.u32 s0, $0xA;
	s2 =	sadd.s32 s3, s2  }
0x8d: {  	s2 =	sadd.s32 s2, s17  }
0x8e: {  	[smem:$0x3FC1] =	sst s2  }
0x8f: {  	_ = 	snop  }
0x90: {  	s2 =	sld [smem:$0x3FD0];
	(tm) =	ssettm $0x1  }
0x91: {  	s18 =	sld [smem:$0x3FFB];
	_ =	sdelay $0x3  }
0x92: {  	_ =	strace s18  }
0x93: {  	s3 =	sld [smem:$0x3FFC];
	_ =	sdelay $0x3  }
0x94: {  	_ =	strace s3  }
0x95: {  	s3 =	sld [smem:$0x3FFD];
	_ =	sdelay $0x3  }
0x96: {  	_ =	strace s3  }
0x97: {  	_ =	strace $0x8FFFFFFF  }
0x98: {  	s19 =	sld [smem:$0x3FDB];
	_ =	sdelay $0x1  }
0x99: {  	s4 =	simm.s32 $_scs_section_size  }
0x9a: {  	s5 =	simm.s32 $_size__tile_overlayer_lowered;
	s6 =	simm.s32 $_tile_overlayer_lowered  }
0x9b: {  	s22 =	simm.s32 $0x1BFF;
	s21 =	sshll.u32 s6, $0x1;
	s3 =	sadd.s32 s4, s19  }
0x9c: {  	s7 =	simm.s32 $0x0;
	s20 =	sshll.u32 s5, $0x1;
	s5 =	sadd.s32 s21, s3  }
0x9d: {  	[timem:s7], [sflag:s22] =	dma.local [hbm:s5], s20  }
0x9e: {  	_ =	swait.ge [sflag:s22], s20  }
0x9f: {  	s4 =	ssub.s32 $0x0, s20;
	[sflag:s22] =	ssyncset.done $0x0  }
0xa0: {  	[sflag:s22] =	ssyncadd.s32 s4;
	_ =	sdelay $0x1  }
0xa1: {  	s23 =	simm.s32 $0x1B8B  }
0xa2: {  	_ =	swait.ge [sflag:s23], $0x1  }
0xa3: {  	[sflag:s23] =	ssyncset.done $0x0  }
0xa4: {  	s25 =	simm.s32 $0x1B8E;
	s24 =	sld [smem:$0x3FFE];
	[sflag:s23] =	ssyncadd.s32 $0xFFFFFFFF  }
0xa5: {  	s26 =	simm.s32 $execute0_lowered;
	[smem:$0x3FD2] =	sst s25  }
0xa6: {  	s5 =	sshll.u32 s26, $0x1;
	_ =	strace $0x80000049;
	[dreg:$0x1] =	wrdreg $0xFFFFFFFF  }
0xa7: {  	s28 =	simm.s32 $_size_execute0_lowered;
	s3 =	sadd.s32 s3, s5;
	[dreg:$0x0] =	wrdreg $0x0  }
0xa8: {  	s5 =	sshll.u32 s28, $0x1;
	[dreg:$0x2] =	wrdreg s3  }
0xa9: {  	[dreg:$0x3] =	wrdreg s5  }
0xaa: {  	[dreg:$0x4] =	wrdreg $0xC0  }
0xab: {  	_ =	task [dreg:s7], $0x5FFFF  }
0xac: {  	[dreg:$0x1] =	wrdreg $0xFFFFFFFF  }
0xad: {  	[dreg:$0x0] =	wrdreg $0x60  }
0xae: {  	[dreg:$0x2] =	wrdreg s24  }
0xaf: {  	[dreg:$0x3] =	wrdreg s2  }
0xb0: {  	[dreg:$0x4] =	wrdreg $0x82000  }
0xb1: {  	[dreg:$0x5] =	wrdreg $0x9  }
0xb2: {  	_ =	task.clear_ibuf [dreg:s7], $0x6FFFF;
	_ =	strace $0x90000049  }
0xb3: {  	s29 =	simm.s32 $0x9;
	_ =	strace $0x8000004B  }
0xb4: {  	_ =	swait.ge [sflag:s29], $0x1  }
0xb5: {  	[sflag:s29] =	ssyncadd.s32 $0xFFFFFFFF  }
0xb6: {  	_ =	strace $0x9000004B  }
0xb7: {  	_ =	sfence  }
0xb8: {  	s30 =	sld [smem:$0x0];
	_ =	sdelay $0x2  }
0xb9: {  	s31 =	sshll.u32 s1, $0xD;
	s1 =	sshrl.u32 s1, $0x2  }
0xba: {  	s3 =	sand.u32 $0x4000, s31;
	s1 =	sadd.s32 s1, s30  }
0xbb: {  	s0 =	sor.u32 s3, s0;
	s1 =	sshll.u32 s1, $0x11  }
0xbc: {  	s0 =	sor.u32 s1, s0  }
0xbd: {  	s0 =	sadd.s32 $0x8F2B, s0  }
0xbe: {  	[sflag:s0] =	ssyncadd.remote.s32 $0x1  }
0xbf: {  	_ =	sfence.sel $0xFFFF  }
0xc0: {  	[dreg:$0x0] =	wrdreg $0xFFFFFFFF;
	(pc) =	sbr.abs _section_cstart, $3  }
0xc1: {  	[dreg:$0x1] =	wrdreg $0xFFFFFFFF  }
0xc2: {  	_ =	task.clear_ibuf [dreg:s7], $0x2FFFF;
	_ =	strace $0x9FFFFFFF  }
0xc3: {  	(tm) =	ssettm $0x7FFFFFFF  }
tec
execute0_lowered:
.L_overlay_start_1:
0x0: {  	(tag) =	ssettag $0x1  }
0x1: {  	s0 =	rddreg [dreg:$0x0]  }
0x2: {  	s1 =	rddreg [dreg:$0x1]  }
0x3: {  	s2 =	rddreg [dreg:$0x2];
	s3 =	simm.s32 $0x0;
	s4 =	srdreg.scid  }
0x4: {  	s21 =	stileid.u32;
	s28 =	simm.s32 $0x3;
	s29 =	simm.s32 $0x80  }
0x5: {  	s30 =	simm.s32 $0x180;
	s31 =	simm.s32 $0x1;
	s7 =	smul.u32 $0x50000, s21  }
0x6: {  	[smem:$0x7FF] =	sst s3;
	s4 =	sand.u32 $0x1, s4;
	s12 =	smul.u32 $0x5100, s21  }
0x7: {  	s5 =	sadd.s32 $0xC600, s0;
	s11 =	sadd.s32 $0x2200, s0;
	s13 =	smul.u32 $0x14000, s21  }
0x8: {  	s0 =	sadd.s32 $0x5C600, s0;
	s6 =	smul.u32 $0x52000, s4;
	s8 =	ssub.s32 $0x2, s4  }
0x9: {  	_ =	strace $0x8000004A;
	s4 =	smul.u32 $0x140000, s4;
	s9 =	sshrl.u32 s8, $0x1  }
0xa: {  	s7 =	sshrl.u32 s7, $0x2;
	s16 =	sadd.s32 $0x4000, s13;
	s17 =	sadd.s32 $0x8000, s13  }
0xb: {  	s18 =	sadd.s32 $0xC000, s13;
	s19 =	sadd.s32 $0x10000, s13;
	s14 =	ssub.s32 s8, s9  }
0xc: {  	s15 =	sadd.s32 s12, s6;
	s6 =	sadd.s32 s7, s2;
	s7 =	sadd.s32 s16, s2  }
0xd: {  	s8 =	sadd.s32 s17, s2;
	s9 =	sadd.s32 s18, s2;
	s10 =	sadd.s32 s19, s2  }
0xe: {  	s12 =	sshrl.u32 s12, $0x3;
	s13 =	sadd.s32 s13, s4;
	s16 =	sadd.s32 s4, s16  }
0xf: {  	s26 =	sadd.s32 s4, s17;
	s20 =	sshrl.u32 s15, $0x3;
	s12 =	sadd.s32 s11, s12  }
0x10: {  	s13 =	sshrl.u32 s13, $0x3;
	s20 =	sadd.s32 s1, s20;
	[dreg:$0x5] =	wrdreg s12  }
0x11: {  	s25 =	sshrl.u32 s16, $0x3;
	s12 =	sadd.s32 $0x10, s12;
	[dreg:$0x4] =	wrdreg s20  }
0x12: {  	s17 =	sshrl.u32 s26, $0x3;
	s24 =	sadd.s32 s0, s13;
	[dreg:$0x7] =	wrdreg s12  }
0x13: {  	s13 =	sadd.s32 s0, s25;
	s22 =	sadd.s32 s0, s17;
	[dreg:$0x8] =	wrdreg s24  }
0x14: {  	s25 =	sadd.s32 $0x180, s15;
	s20 =	sadd.s32 $0x10, s20;
	[dreg:$0x9] =	wrdreg s13  }
0x15: {  	[dreg:$0xa] =	wrdreg s22;
	s24 =	smul.u32 $0xA20, s21;
	s26 =	sshrl.u32 s25, $0x3  }
0x16: {  	s25 =	simm.s32 $0x5;
	s13 =	simm.s32 $0x2;
	[dreg:$0x6] =	wrdreg s20  }
0x17: {  	s20 =	sadd.s32 s4, s18;
	s4 =	sadd.s32 s4, s19;
	s22 =	sadd.s32 s26, s1  }
0x18: {  	s26 =	simm.s32 $0x100;
	s23 =	sshrl.u32 s20, $0x3;
	s4 =	sshrl.u32 s4, $0x3  }
0x19: {  	s20 =	smax.u32 s14, $0x1;
	s21 =	sadd.s32 s24, s11;
	s24 =	simm.s32 $0x200  }
0x1a: {  	s14 =	simm.s32 $0x0;
	s18 =	sadd.s32 s0, s23;
	s19 =	sadd.s32 s0, s4  }
0x1b: {  	v0 =	vimm.f32 $0.0e+00;
	s23 =	sadd.s32 $0x100, s15;
	s0 =	simm.s32 $0x4;
	s4 =	simm.s32 $0x4200  }
.LBB2_1:
0x1c: {  	s11 =	simm.s32 $0x0;
	s15 =	simm.s32 $0x200  }
.LBB2_2:
0x1d: {  	p0 =	sne.s32 s15, $0xFE00;
	[tilespmem:s11+$0x270] =	vst v0  }
0x1e: {  	[tilespmem:s11+$0x200] =	vst v0  }
0x1f: {  	[tilespmem:s11+$0x210] =	vst v0  }
.Ltmp0:
0x20: {  	[tilespmem:s11+$0x220] =	vst v0;
	(pc) =	sbr.rel @p0 .LBB2_2-.Ltmp0, $4  }
0x21: {  	[tilespmem:s11+$0x230] =	vst v0  }
0x22: {  	[tilespmem:s11+$0x240] =	vst v0  }
0x23: {  	[tilespmem:s11+$0x250] =	vst v0  }
0x24: {  	[tilespmem:s11+$0x260] =	vst v0;
	s11 =	sshra.s32 s15, $0x2;
	s15 =	sadd.s32 $0x200, s15  }
0x25: {  	[tilespmem:s11+$0x270] =	vst v0  }
0x26: {  	[tilespmem:s11+$0x200] =	vst v0  }
0x27: {  	[tilespmem:s11+$0x210] =	vst v0  }
0x28: {  	[tilespmem:s11+$0x220] =	vst v0  }
0x29: {  	[tilespmem:s11+$0x230] =	vst v0  }
0x2a: {  	[tilespmem:s11+$0x240] =	vst v0  }
0x2b: {  	[tilespmem:s11+$0x250] =	vst v0  }
0x2c: {  	[tilespmem:s11+$0x260] =	vst v0  }
0x2d: {  	[spmem:s6] =	stream.linear.scatter [tilespmem:s24], [sflag:$0x5], $0x4000, $0x38;
	[tilespmem:$0x1C200] =	vst v63  }
0x2e: {  	_ =	swait.ge [sflag:s25], $0x4000  }
0x2f: {  	[sflag:s25] =	ssyncset.done $0x0  }
0x30: {  	[sflag:s25] =	ssyncadd.s32 $0xFFFFC000  }
0x31: {  	[spmem:s7] =	stream.linear.scatter [tilespmem:s24], [sflag:$0x5], $0x4000, $0x38;
	[tilespmem:$0x1C200] =	vst v63  }
0x32: {  	_ =	swait.ge [sflag:s25], $0x4000  }
0x33: {  	[sflag:s25] =	ssyncset.done $0x0  }
0x34: {  	[sflag:s25] =	ssyncadd.s32 $0xFFFFC000  }
0x35: {  	[spmem:s8] =	stream.linear.scatter [tilespmem:s24], [sflag:$0x5], $0x4000, $0x38;
	[tilespmem:$0x1C200] =	vst v63  }
0x36: {  	_ =	swait.ge [sflag:s25], $0x4000  }
0x37: {  	[sflag:s25] =	ssyncset.done $0x0  }
0x38: {  	[sflag:s25] =	ssyncadd.s32 $0xFFFFC000  }
0x39: {  	[spmem:s9] =	stream.linear.scatter [tilespmem:s24], [sflag:$0x5], $0x4000, $0x38;
	[tilespmem:$0x1C200] =	vst v63  }
0x3a: {  	_ =	swait.ge [sflag:s25], $0x4000  }
0x3b: {  	[sflag:s25] =	ssyncset.done $0x0  }
0x3c: {  	[sflag:s25] =	ssyncadd.s32 $0xFFFFC000  }
0x3d: {  	[spmem:s10] =	stream.linear.scatter [tilespmem:s24], [sflag:$0x5], $0x4000, $0x38;
	[tilespmem:$0x1C200] =	vst v63  }
0x3e: {  	_ =	swait.ge [sflag:s25], $0x4000  }
0x3f: {  	[sflag:s25] =	ssyncset.done $0x0  }
0x40: {  	s11 =	simm.s32 $0x0;
	s12 =	rddreg [dreg:$0x4];
	[sflag:s25] =	ssyncadd.s32 $0xFFFFC000  }
0x41: {  	[tilespmem:s11], [sflag:$0x3] =	stream.linear.gather [hbm4b:s12+s11], $0x80, $0x38;
	[tilespmem:$0x1C200] =	vst v63  }
0x42: {  	s15 =	rddreg [dreg:$0x5]  }
0x43: {  	[tilespmem:s26], [sflag:$0x3] =	stream.linear.gather [hbm4b:s15+s11], $0x80, $0x38;
	[tilespmem:$0x1C200] =	vst v63  }
0x44: {  	_ =	swait.ge [sflag:s28], $0x80  }
0x45: {  	[sflag:s28] =	ssyncset.done $0x0  }
0x46: {  	[sflag:s28] =	ssyncadd.s32 $0xFFFFFF80  }
0x47: {  	_ =	swait.ge [sflag:s28], $0x80  }
0x48: {  	[sflag:s28] =	ssyncset.done $0x0  }
0x49: {  	[sflag:s28] =	ssyncadd.s32 $0xFFFFFF80  }
0x4a: {  	[tilespmem:s24], [sflag:$0x1] =	stream.indirect.gather [hbm4b:s5+s29], $0x80, s11, s29, $0xb8;
	[tilespmem:$0x1C200] =	vst v63  }
0x4b: {  	s16 =	rddreg [dreg:$0x6]  }
0x4c: {  	[tilespmem:s29], [sflag:$0x4] =	stream.linear.gather [hbm4b:s16+s11], $0x80, $0x38;
	[tilespmem:$0x1C200] =	vst v63  }
0x4d: {  	s17 =	rddreg [dreg:$0x7]  }
0x4e: {  	[tilespmem:s30], [sflag:$0x4] =	stream.linear.gather [hbm4b:s17+s11], $0x80, $0x38;
	[tilespmem:$0x1C200] =	vst v63  }
0x4f: {  	[bflag:$0x0] =	sbarrier.arrive $0xFFFF  }
0x50: {  	_ =	swait.ge [sflag:s31], $0x4000  }
0x51: {  	[sflag:s31] =	ssyncset.done $0x0  }
0x52: {  	[sflag:s31] =	ssyncadd.s32 $0xFFFFC000  }
0x53: {  	_ =	swait.ge [sflag:s0], $0x80  }
0x54: {  	[sflag:s0] =	ssyncset.done $0x0  }
0x55: {  	[sflag:s0] =	ssyncadd.s32 $0xFFFFFF80  }
0x56: {  	_ =	swait.ge [sflag:s0], $0x80  }
0x57: {  	[sflag:s0] =	ssyncset.done $0x0  }
0x58: {  	[sflag:s0] =	ssyncadd.s32 $0xFFFFFF80  }
0x59: {  	[tilespmem:s4], [sflag:$0x2] =	stream.indirect.gather [hbm4b:s5+s29], $0x80, s29, s29, $0xb8;
	[tilespmem:$0x1C200] =	vst v63  }
0x5a: {  	_ = 	snop  }
0x5b: {  	[spmem:s2] =	stream.indirect.scatter.add.f32 [tilespmem:s24], [sflag:$0x5], $0x80, s26, s29, $0xb8;
	[tilespmem:$0x1C200] =	vst v63  }
0x5c: {  	_ =	swait.ge [sflag:s25], $0x4000  }
0x5d: {  	s12 =	sshrl.u32 s23, $0x3;
	[sflag:s25] =	ssyncset.done $0x0  }
0x5e: {  	s16 =	sadd.s32 $0x0, s21;
	s11 =	sadd.s32 s1, s12;
	[sflag:s25] =	ssyncadd.s32 $0xFFFFC000  }
0x5f: {  	[tilespmem:s3], [sflag:$0x3] =	stream.linear.gather [hbm4b:s11+s3], $0x80, $0x38;
	[tilespmem:$0x1C200] =	vst v63  }
0x60: {  	s15 =	sadd.s32 $0x20, s16  }
0x61: {  	[tilespmem:s26], [sflag:$0x3] =	stream.linear.gather [hbm4b:s15+s3], $0x80, $0x38;
	[tilespmem:$0x1C200] =	vst v63  }
0x62: {  	_ =	swait.ge [sflag:s13], $0x4000  }
0x63: {  	[sflag:s13] =	ssyncset.done $0x0  }
0x64: {  	[sflag:s13] =	ssyncadd.s32 $0xFFFFC000  }
0x65: {  	_ =	swait.ge [sflag:s28], $0x80  }
0x66: {  	[sflag:s28] =	ssyncset.done $0x0  }
0x67: {  	[sflag:s28] =	ssyncadd.s32 $0xFFFFFF80  }
0x68: {  	_ =	swait.ge [sflag:s28], $0x80  }
0x69: {  	[sflag:s28] =	ssyncset.done $0x0  }
0x6a: {  	[sflag:s28] =	ssyncadd.s32 $0xFFFFFF80  }
0x6b: {  	[tilespmem:s24], [sflag:$0x1] =	stream.indirect.gather [hbm4b:s5+s29], $0x80, s3, s29, $0xb8;
	[tilespmem:$0x1C200] =	vst v63  }
0x6c: {  	_ = 	snop  }
0x6d: {  	[spmem:s2] =	stream.indirect.scatter.add.f32 [tilespmem:s4], [sflag:$0x5], $0x80, s30, s29, $0xb8;
	[tilespmem:$0x1C200] =	vst v63  }
0x6e: {  	_ =	swait.ge [sflag:s25], $0x4000  }
0x6f: {  	s16 =	sadd.s32 $0x30, s16;
	s17 =	sadd.s32 $0x0, s22;
	[sflag:s25] =	ssyncset.done $0x0  }
0x70: {  	s11 =	sadd.s32 $0x100, s23;
	s15 =	simm.s32 $0x20;
	[sflag:s25] =	ssyncadd.s32 $0xFFFFC000  }
0x71: {  	[tilespmem:s29], [sflag:$0x4] =	stream.linear.gather [hbm4b:s17+s3], $0x80, $0x38;
	[tilespmem:$0x1C200] =	vst v63  }
.LBB2_4:
0x72: {  	[tilespmem:s30], [sflag:$0x4] =	stream.linear.gather [hbm4b:s16+s3], $0x80, $0x38;
	[tilespmem:$0x1C200] =	vst v63  }
0x73: {  	s16 =	smov.u32 s15  }
0x74: {  	p0 =	sne.s32 s15, $0x9E0;
	s15 =	sadd.s32 $0x20, s15;
	_ =	swait.ge [sflag:s31], $0x4000  }
0x75: {  	[sflag:s31] =	ssyncset.done $0x0  }
0x76: {  	[sflag:s31] =	ssyncadd.s32 $0xFFFFC000  }
0x77: {  	_ =	swait.ge [sflag:s0], $0x80  }
0x78: {  	[sflag:s0] =	ssyncset.done $0x0  }
0x79: {  	[sflag:s0] =	ssyncadd.s32 $0xFFFFFF80  }
0x7a: {  	_ =	swait.ge [sflag:s0], $0x80  }
0x7b: {  	[sflag:s0] =	ssyncset.done $0x0  }
0x7c: {  	[sflag:s0] =	ssyncadd.s32 $0xFFFFFF80  }
0x7d: {  	[tilespmem:s4], [sflag:$0x2] =	stream.indirect.gather [hbm4b:s5+s29], $0x80, s29, s29, $0xb8;
	[tilespmem:$0x1C200] =	vst v63  }
0x7e: {  	_ = 	snop  }
0x7f: {  	[spmem:s2] =	stream.indirect.scatter.add.f32 [tilespmem:s24], [sflag:$0x5], $0x80, s26, s29, $0xb8;
	[tilespmem:$0x1C200] =	vst v63  }
0x80: {  	_ =	swait.ge [sflag:s25], $0x4000  }
0x81: {  	s12 =	sshrl.u32 s11, $0x3;
	[sflag:s25] =	ssyncset.done $0x0  }
0x82: {  	s12 =	sadd.s32 s1, s12;
	s17 =	sadd.s32 s16, s21;
	[sflag:s25] =	ssyncadd.s32 $0xFFFFC000  }
0x83: {  	[tilespmem:s3], [sflag:$0x3] =	stream.linear.gather [hbm4b:s12+s3], $0x80, $0x38;
	[tilespmem:$0x1C200] =	vst v63  }
0x84: {  	s12 =	sadd.s32 $0x20, s17  }
0x85: {  	[tilespmem:s26], [sflag:$0x3] =	stream.linear.gather [hbm4b:s12+s3], $0x80, $0x38;
	[tilespmem:$0x1C200] =	vst v63  }
0x86: {  	_ =	swait.ge [sflag:s13], $0x4000  }
0x87: {  	[sflag:s13] =	ssyncset.done $0x0  }
0x88: {  	[sflag:s13] =	ssyncadd.s32 $0xFFFFC000  }
0x89: {  	_ =	swait.ge [sflag:s28], $0x80  }
0x8a: {  	[sflag:s28] =	ssyncset.done $0x0  }
0x8b: {  	[sflag:s28] =	ssyncadd.s32 $0xFFFFFF80  }
0x8c: {  	_ =	swait.ge [sflag:s28], $0x80  }
0x8d: {  	[sflag:s28] =	ssyncset.done $0x0  }
0x8e: {  	[sflag:s28] =	ssyncadd.s32 $0xFFFFFF80  }
0x8f: {  	[tilespmem:s24], [sflag:$0x1] =	stream.indirect.gather [hbm4b:s5+s29], $0x80, s3, s29, $0xb8;
	[tilespmem:$0x1C200] =	vst v63  }
0x90: {  	_ = 	snop  }
0x91: {  	[spmem:s2] =	stream.indirect.scatter.add.f32 [tilespmem:s4], [sflag:$0x5], $0x80, s30, s29, $0xb8;
	[tilespmem:$0x1C200] =	vst v63  }
.Ltmp1:
0x92: {  	_ =	swait.ge [sflag:s25], $0x4000;
	(pc) =	sbr.rel @p0 .LBB2_4-.Ltmp1, $4  }
0x93: {  	[sflag:s25] =	ssyncset.done $0x0  }
0x94: {  	s12 =	sadd.s32 s16, s22;
	[sflag:s25] =	ssyncadd.s32 $0xFFFFC000  }
0x95: {  	[tilespmem:s29], [sflag:$0x4] =	stream.linear.gather [hbm4b:s12+s3], $0x80, $0x38;
	[tilespmem:$0x1C200] =	vst v63  }
0x96: {  	s11 =	sadd.s32 $0x100, s11;
	s16 =	sadd.s32 $0x30, s17  }
0x97: {  	[tilespmem:s30], [sflag:$0x4] =	stream.linear.gather [hbm4b:s16+s3], $0x80, $0x38;
	[tilespmem:$0x1C200] =	vst v63  }
0x98: {  	_ =	swait.ge [sflag:s31], $0x4000  }
0x99: {  	[sflag:s31] =	ssyncset.done $0x0  }
0x9a: {  	[sflag:s31] =	ssyncadd.s32 $0xFFFFC000  }
0x9b: {  	_ =	swait.ge [sflag:s0], $0x80  }
0x9c: {  	[sflag:s0] =	ssyncset.done $0x0  }
0x9d: {  	[sflag:s0] =	ssyncadd.s32 $0xFFFFFF80  }
0x9e: {  	_ =	swait.ge [sflag:s0], $0x80  }
0x9f: {  	[sflag:s0] =	ssyncset.done $0x0  }
0xa0: {  	[sflag:s0] =	ssyncadd.s32 $0xFFFFFF80  }
0xa1: {  	[tilespmem:s4], [sflag:$0x2] =	stream.indirect.gather [hbm4b:s5+s29], $0x80, s29, s29, $0xb8;
	[tilespmem:$0x1C200] =	vst v63  }
0xa2: {  	_ = 	snop  }
0xa3: {  	[spmem:s2] =	stream.indirect.scatter.add.f32 [tilespmem:s24], [sflag:$0x5], $0x80, s26, s29, $0xb8;
	[tilespmem:$0x1C200] =	vst v63  }
0xa4: {  	_ =	swait.ge [sflag:s25], $0x4000  }
0xa5: {  	[sflag:s25] =	ssyncset.done $0x0  }
0xa6: {  	[sflag:s25] =	ssyncadd.s32 $0xFFFFC000  }
0xa7: {  	_ =	swait.ge [sflag:s13], $0x4000  }
0xa8: {  	[sflag:s13] =	ssyncset.done $0x0  }
0xa9: {  	[sflag:s13] =	ssyncadd.s32 $0xFFFFC000  }
0xaa: {  	[spmem:s2] =	stream.indirect.scatter.add.f32 [tilespmem:s4], [sflag:$0x5], $0x80, s30, s29, $0xb8;
	[tilespmem:$0x1C200] =	vst v63  }
0xab: {  	_ =	swait.ge [sflag:s25], $0x4000  }
0xac: {  	[sflag:s25] =	ssyncset.done $0x0  }
0xad: {  	[sflag:s25] =	ssyncadd.s32 $0xFFFFC000  }
0xae: {  	[bflag:$0x0] =	sbarrier.arrive $0xFFFF  }
0xaf: {  	[tilespmem:s24], [sflag:$0x5] =	stream.linear.gather [spmem:s6], $0x4000, $0x38;
	[tilespmem:$0x1C200] =	vst v63  }
0xb0: {  	_ =	swait.ge [sflag:s25], $0x4000  }
0xb1: {  	[sflag:s25] =	ssyncset.done $0x0  }
0xb2: {  	s11 =	rddreg [dreg:$0x8];
	[sflag:s25] =	ssyncadd.s32 $0xFFFFC000  }
0xb3: {  	[hbm4b:s11+s3] =	stream.linear.scatter [tilespmem:s24], [sflag:$0x5], $0x4000, $0x38;
	[tilespmem:$0x1C200] =	vst v63  }
0xb4: {  	_ =	swait.ge [sflag:s25], $0x4000  }
0xb5: {  	[sflag:s25] =	ssyncset.done $0x0  }
0xb6: {  	[sflag:s25] =	ssyncadd.s32 $0xFFFFC000  }
0xb7: {  	[tilespmem:s24], [sflag:$0x5] =	stream.linear.gather [spmem:s7], $0x4000, $0x38;
	[tilespmem:$0x1C200] =	vst v63  }
0xb8: {  	_ =	swait.ge [sflag:s25], $0x4000  }
0xb9: {  	[sflag:s25] =	ssyncset.done $0x0  }
0xba: {  	s16 =	rddreg [dreg:$0x9];
	[sflag:s25] =	ssyncadd.s32 $0xFFFFC000  }
0xbb: {  	[hbm4b:s16+s3] =	stream.linear.scatter [tilespmem:s24], [sflag:$0x5], $0x4000, $0x38;
	[tilespmem:$0x1C200] =	vst v63  }
0xbc: {  	_ =	swait.ge [sflag:s25], $0x4000  }
0xbd: {  	[sflag:s25] =	ssyncset.done $0x0  }
0xbe: {  	[sflag:s25] =	ssyncadd.s32 $0xFFFFC000  }
0xbf: {  	[tilespmem:s24], [sflag:$0x5] =	stream.linear.gather [spmem:s8], $0x4000, $0x38;
	[tilespmem:$0x1C200] =	vst v63  }
0xc0: {  	_ =	swait.ge [sflag:s25], $0x4000  }
0xc1: {  	[sflag:s25] =	ssyncset.done $0x0  }
0xc2: {  	s17 =	rddreg [dreg:$0xa];
	[sflag:s25] =	ssyncadd.s32 $0xFFFFC000  }
0xc3: {  	[hbm4b:s17+s3] =	stream.linear.scatter [tilespmem:s24], [sflag:$0x5], $0x4000, $0x38;
	[tilespmem:$0x1C200] =	vst v63  }
0xc4: {  	_ =	swait.ge [sflag:s25], $0x4000  }
0xc5: {  	[sflag:s25] =	ssyncset.done $0x0  }
0xc6: {  	[sflag:s25] =	ssyncadd.s32 $0xFFFFC000  }
0xc7: {  	[tilespmem:s24], [sflag:$0x5] =	stream.linear.gather [spmem:s9], $0x4000, $0x38;
	[tilespmem:$0x1C200] =	vst v63  }
0xc8: {  	_ =	swait.ge [sflag:s25], $0x4000  }
0xc9: {  	[sflag:s25] =	ssyncset.done $0x0  }
0xca: {  	[sflag:s25] =	ssyncadd.s32 $0xFFFFC000  }
0xcb: {  	[hbm4b:s18+s3] =	stream.linear.scatter [tilespmem:s24], [sflag:$0x5], $0x4000, $0x38;
	[tilespmem:$0x1C200] =	vst v63  }
0xcc: {  	_ =	swait.ge [sflag:s25], $0x4000  }
0xcd: {  	[sflag:s25] =	ssyncset.done $0x0  }
0xce: {  	[sflag:s25] =	ssyncadd.s32 $0xFFFFC000  }
0xcf: {  	[tilespmem:s24], [sflag:$0x5] =	stream.linear.gather [spmem:s10], $0x4000, $0x38;
	[tilespmem:$0x1C200] =	vst v63  }
0xd0: {  	s14 =	sadd.s32 $0x1, s14;
	_ =	swait.ge [sflag:s25], $0x4000  }
0xd1: {  	p0 =	sne.s32 s14, s20;
	[sflag:s25] =	ssyncset.done $0x0  }
.Ltmp2:
0xd2: {  	[sflag:s25] =	ssyncadd.s32 $0xFFFFC000;
	(pc) =	sbr.rel @p0 .LBB2_1-.Ltmp2, $4  }
0xd3: {  	[hbm4b:s19+s3] =	stream.linear.scatter [tilespmem:s24], [sflag:$0x5], $0x4000, $0x38;
	[tilespmem:$0x1C200] =	vst v63  }
0xd4: {  	_ =	swait.ge [sflag:s25], $0x4000  }
0xd5: {  	[sflag:s25] =	ssyncset.done $0x0  }
0xd6: {  	[sflag:s25] =	ssyncadd.s32 $0xFFFFC000  }
0xd7: {  	_ =	sfence.sel $0x180000  }
0xd8: {  	[bflag:$0x0] =	sbarrier.arrive $0xFFFF  }
0xd9: {  	_ =	strace $0x9000004A  }
0xda: {  	s0 =	stileid.u32;
	[bflag:$0x2] =	sbarrier.arrive $0xFFFF  }
0xdb: {  	p0 =	sne.s32 s0, $0x0;
	s0 =	rddreg [dreg:$0x3]  }
0xdc: {  	s0 =	sadd.s32 @!p0 $0x100000, s0  }
0xdd: {  	[sflag:s0] =	ssyncadd.tile.s32 @!p0 $0x1;
	_ =	shalt  }
.Lfunc_end2:
_tile_overlayer_lowered:
.L_overlay_start_2:
0xde: {  	(tag) =	ssettag $0x2  }
0xdf: {  	s0 =	rddreg [dreg:$0x0];
	s2 =	stileid.u32  }
0xe0: {  	s1 =	rddreg [dreg:$0x1];
	p0 =	sne.s32 s2, $0x0  }
0xe1: {  	s3 =	rddreg [dreg:$0x2];
	[bflag:$0x3] =	sbarrier.arrive $0xFFFF;
	s2 =	simm.s32 @!p0 $0x1C05  }
0xe2: {  	[timem:s3], [sflag:s2] =	dma.local @!p0 [hbm:s0], s1  }
0xe3: {  	s0 =	simm.s32 @!p0 $0x5  }
0xe4: {  	_ =	swait.ge @!p0 [sflag:s0], s1  }
0xe5: {  	s1 =	ssub.s32 @!p0 $0x0, s1;
	[sflag:s0] =	ssyncset.done @!p0 $0x0  }
0xe6: {  	[sflag:s0] =	ssyncadd.s32 @!p0 s1  }
0xe7: {  	[bflag:$0x3] =	sbarrier.arrive $0xFFFF  }
0xe8: {  	_ =	shalt  }

// kernel: kernel.14.cloned.1.call-start
scs
__scs_entry_jumppad:
0x0: {  	(pc) =	sbr.rel $0x88, $3  }
0x1: {  	(tag) =	ssettag $0x0;
	lr =	simm.s32 $0x1  }
0x2: {  	[smem:$0x3F9A] =	sst lr;
	_ =	strace $0xD0000000  }
0x3: {  	_ = 	snop  }
0x4: {  	_ = 	snop  }
0x5: {  	_ = 	snop  }
0x6: {  	_ = 	snop  }
0x7: {  	_ = 	snop  }
__scs_overlays_trampoline_lowered:
0x8: {  	[smem:$0x3FA9] =	sst s0  }
0x9: {  	[smem:$0x3FAA] =	sst s1  }
0xa: {  	[smem:$0x3FAB] =	sst s2  }
0xb: {  	[smem:$0x3FAC] =	sst s3  }
0xc: {  	[smem:$0x3FAD] =	sst s4  }
0xd: {  	[smem:$0x3FAE] =	sst s5  }
0xe: {  	[smem:$0x3FAF] =	sst s6  }
0xf: {  	[smem:$0x3FB0] =	sst s7  }
0x10: {  	[smem:$0x3FB1] =	sst s8  }
0x11: {  	[smem:$0x3FB2] =	sst s9;
	s0 =	simm.s32 @!p0 $0x0  }
0x12: {  	s1 =	sld [smem:$0x3F98];
	s0 =	simm.s32 @p0 $0x1  }
0x13: {  	[smem:$0x3FB3] =	sst s0;
	s0 =	simm.s32 @!p1 $0x0  }
0x14: {  	s2 =	sld [smem:$0x3F97];
	s0 =	simm.s32 @p1 $0x1  }
0x15: {  	[smem:$0x3FB4] =	sst s0;
	s0 =	simm.s32 @!p2 $0x0  }
0x16: {  	s3 =	sld [smem:$0x3FDB];
	s0 =	simm.s32 @p2 $0x1  }
0x17: {  	s4 =	simm.s32 $0x1BF5;
	[smem:$0x3FB6] =	sst s0  }
0x18: {  	s0 =	sld [smem:$0x3F99];
	_ =	swait.ge [sflag:s4], $0x0  }
0x19: {  	s7 =	sld [smem:$0x3F9A]  }
0x1a: {  	s8 =	sadd.s32 $0xFFFFE003, lr  }
0x1b: {  	s9 =	sadd.s32 $0xFFFFFEF7, lr;
	s5 =	simm.s32 $0xFFFFFFFF;
	p2 =	slt.u32 s8, $0xFFFFF086  }
0x1c: {  	p1 =	slt.u32 s9, $0xF7A;
	s5 =	simm.s32 @!p2 $0x0  }
0x1d: {  	s5 =	simm.s32 @p1 $0x1;
	p0 =	seq.s32 s7, s2  }
0x1e: {  	s7 =	smul.u32 @!p0 $0xF7A, s2;
	p2 =	seq.s32 @!p0 s5, $0x0  }
0x1f: {  	s9 =	smul.u32 $0xF7A, s1;
	s8 =	simm.s32 @!p0 $0x1BF5;
	p2 =	por !p2, p0  }
0x20: {  	[sflag:s8] =	ssyncset.s32 @!p0 $0xFFFFF086;
	s6 =	sadd.s32 @!p0 s3, s7;
	s7 =	simm.s32 @!p0 $0x108  }
0x21: {  	s3 =	sadd.s32 s3, s9;
	s6 =	sadd.s32 @!p0 $0x88, s6;
	s7 =	simm.s32 @p2 $0x1082  }
0x22: {  	[simem:s7], [sflag:s8] =	dma.local @!p0 [hbm:s6], $0xF7A  }
0x23: {  	s9 =	sor.u32 $0xD0000000, s2;
	s6 =	simm.s32 $0x108;
	_ =	swait.ge @!p0 [sflag:s8], $0x0  }
0x24: {  	s3 =	sadd.s32 $0x88, s3;
	s6 =	simm.s32 @!p1 $0x1082;
	[sflag:s4] =	ssyncset.s32 $0xFFFFF086  }
0x25: {  	[simem:s6], [sflag:s4] =	dma.local [hbm:s3], $0xF7A  }
0x26: {  	[smem:$0x3F9A] =	sst s1;
	(tag) =	ssettag s2;
	_ =	strace s9  }
0x27: {  	s1 =	sld [smem:$0x3FAA]  }
0x28: {  	s2 =	sld [smem:$0x3FAB]  }
0x29: {  	s4 =	sld [smem:$0x3FAD]  }
0x2a: {  	p0 =	seq.s32 s5, $0x0;
	s5 =	sld [smem:$0x3FAE]  }
0x2b: {  	s6 =	sld [smem:$0x3FAF]  }
0x2c: {  	s7 =	sld [smem:$0x3FB0]  }
0x2d: {  	s3 =	simm.s32 $0x108;
	s8 =	sld [smem:$0x3FB1]  }
0x2e: {  	s3 =	simm.s32 @!p0 $0x1082;
	s9 =	sld [smem:$0x3FB2]  }
0x2f: {  	lr =	sadd.s32 s0, s3;
	s0 =	sld [smem:$0x3FA9]  }
0x30: {  	s3 =	sld [smem:$0x3FAC]  }
0x31: {  	[smem:$0x3FB5] =	sst s10  }
0x32: {  	s10 =	sld [smem:$0x3FB3];
	_ =	sdelay $0x3  }
0x33: {  	p0 =	seq.s32 s10, $0x1;
	s10 =	sld [smem:$0x3FB5];
	_ =	sdelay $0x3  }
0x34: {  	[smem:$0x3FB5] =	sst s10  }
0x35: {  	s10 =	sld [smem:$0x3FB4];
	_ =	sdelay $0x3  }
0x36: {  	p1 =	seq.s32 s10, $0x1;
	s10 =	sld [smem:$0x3FB5];
	_ =	sdelay $0x3  }
0x37: {  	[smem:$0x3FB5] =	sst s10  }
0x38: {  	s10 =	sld [smem:$0x3FB6]  }
0x39: {  	_ = 	snop;
	(pc) =	sbr.ind lr, $3  }
0x3a: {  	_ = 	snop  }
0x3b: {  	_ = 	snop  }
0x3c: {  	p2 =	seq.s32 s10, $0x1;
	s10 =	sld [smem:$0x3FB5]  }
0x3d: {  	_ =	shalt  }
0x3e: {  	_ =	shalt  }
0x3f: {  	_ =	shalt  }
0x40: {  	_ =	shalt  }
0x41: {  	_ =	shalt  }
0x42: {  	_ =	shalt  }
0x43: {  	_ =	shalt  }
0x44: {  	_ =	shalt  }
0x45: {  	_ =	shalt  }
0x46: {  	_ =	shalt  }
0x47: {  	_ =	shalt  }
0x48: {  	_ =	shalt  }
0x49: {  	_ =	shalt  }
0x4a: {  	_ =	shalt  }
0x4b: {  	_ =	shalt  }
0x4c: {  	_ =	shalt  }
0x4d: {  	_ =	shalt  }
0x4e: {  	_ =	shalt  }
0x4f: {  	_ =	shalt  }
0x50: {  	_ =	shalt  }
0x51: {  	_ =	shalt  }
0x52: {  	_ =	shalt  }
0x53: {  	_ =	shalt  }
0x54: {  	_ =	shalt  }
0x55: {  	_ =	shalt  }
0x56: {  	_ =	shalt  }
0x57: {  	_ =	shalt  }
0x58: {  	_ =	shalt  }
0x59: {  	_ =	shalt  }
0x5a: {  	_ =	shalt  }
0x5b: {  	_ =	shalt  }
0x5c: {  	_ =	shalt  }
0x5d: {  	_ =	shalt  }
0x5e: {  	_ =	shalt  }
0x5f: {  	_ =	shalt  }
0x60: {  	_ =	shalt  }
0x61: {  	_ =	shalt  }
0x62: {  	_ =	shalt  }
0x63: {  	_ =	shalt  }
0x64: {  	_ =	shalt  }
0x65: {  	_ =	shalt  }
0x66: {  	_ =	shalt  }
0x67: {  	_ =	shalt  }
0x68: {  	_ =	shalt  }
0x69: {  	_ =	shalt  }
0x6a: {  	_ =	shalt  }
0x6b: {  	_ =	shalt  }
0x6c: {  	_ =	shalt  }
0x6d: {  	_ =	shalt  }
0x6e: {  	_ =	shalt  }
0x6f: {  	_ =	shalt  }
0x70: {  	_ =	shalt  }
0x71: {  	_ =	shalt  }
0x72: {  	_ =	shalt  }
0x73: {  	_ =	shalt  }
0x74: {  	_ =	shalt  }
0x75: {  	_ =	shalt  }
0x76: {  	_ =	shalt  }
0x77: {  	_ =	shalt  }
0x78: {  	_ =	shalt  }
0x79: {  	_ =	shalt  }
0x7a: {  	_ =	shalt  }
0x7b: {  	_ =	shalt  }
0x7c: {  	_ =	shalt  }
0x7d: {  	_ =	shalt  }
0x7e: {  	_ =	shalt  }
0x7f: {  	_ =	shalt  }
0x80: {  	_ =	shalt  }
0x81: {  	_ =	shalt  }
0x82: {  	_ =	shalt  }
0x83: {  	_ =	shalt  }
0x84: {  	_ =	shalt  }
0x85: {  	_ =	shalt  }
0x86: {  	_ =	shalt  }
0x87: {  	_ =	shalt  }
.Lfunc_end0:
.L_simem_size_0:
called_computation.2_lowered:
.L_overlay_start_0:
0x88: {  	s2 =	sld [smem:$0x3FD9]  }
0x89: {  	s3 =	sld [smem:$0x3FFE];
	_ =	sdelay $0x1  }
0x8a: {  	s1 =	srdreg.scid  }
0x8b: {  	s0 =	sand.u32 $0x1, s1  }
0x8c: {  	s17 =	sshll.u32 s0, $0xA;
	s2 =	sadd.s32 s3, s2  }
0x8d: {  	s2 =	sadd.s32 s2, s17  }
0x8e: {  	[smem:$0x3FC1] =	sst s2  }
0x8f: {  	_ = 	snop  }
0x90: {  	s2 =	sld [smem:$0x3FD0];
	(tm) =	ssettm $0x1  }
0x91: {  	s18 =	sld [smem:$0x3FFB];
	_ =	sdelay $0x3  }
0x92: {  	_ =	strace s18  }
0x93: {  	s3 =	sld [smem:$0x3FFC];
	_ =	sdelay $0x3  }
0x94: {  	_ =	strace s3  }
0x95: {  	s3 =	sld [smem:$0x3FFD];
	_ =	sdelay $0x3  }
0x96: {  	_ =	strace s3  }
0x97: {  	_ =	strace $0x8FFFFFFF  }
0x98: {  	s19 =	sld [smem:$0x3FDB];
	_ =	sdelay $0x1  }
0x99: {  	s4 =	simm.s32 $_scs_section_size  }
0x9a: {  	s5 =	simm.s32 $_size__tile_overlayer_lowered;
	s6 =	simm.s32 $_tile_overlayer_lowered  }
0x9b: {  	s22 =	simm.s32 $0x1BFF;
	s21 =	sshll.u32 s6, $0x1;
	s3 =	sadd.s32 s4, s19  }
0x9c: {  	s7 =	simm.s32 $0x0;
	s20 =	sshll.u32 s5, $0x1;
	s5 =	sadd.s32 s21, s3  }
0x9d: {  	[timem:s7], [sflag:s22] =	dma.local [hbm:s5], s20  }
0x9e: {  	_ =	swait.ge [sflag:s22], s20  }
0x9f: {  	s4 =	ssub.s32 $0x0, s20;
	[sflag:s22] =	ssyncset.done $0x0  }
0xa0: {  	[sflag:s22] =	ssyncadd.s32 s4;
	_ =	sdelay $0x1  }
0xa1: {  	s23 =	simm.s32 $0x1B8B  }
0xa2: {  	_ =	swait.ge [sflag:s23], $0x1  }
0xa3: {  	[sflag:s23] =	ssyncset.done $0x0  }
0xa4: {  	s25 =	simm.s32 $0x1B8E;
	s24 =	sld [smem:$0x3FFE];
	[sflag:s23] =	ssyncadd.s32 $0xFFFFFFFF  }
0xa5: {  	s26 =	simm.s32 $execute0_lowered;
	[smem:$0x3FD2] =	sst s25  }
0xa6: {  	s5 =	sshll.u32 s26, $0x1;
	_ =	strace $0x8000004C;
	[dreg:$0x1] =	wrdreg $0xFFFFFFFF  }
0xa7: {  	s28 =	simm.s32 $_size_execute0_lowered;
	s3 =	sadd.s32 s3, s5;
	[dreg:$0x0] =	wrdreg $0x0  }
0xa8: {  	s5 =	sshll.u32 s28, $0x1;
	[dreg:$0x2] =	wrdreg s3  }
0xa9: {  	[dreg:$0x3] =	wrdreg s5  }
0xaa: {  	[dreg:$0x4] =	wrdreg $0xC0  }
0xab: {  	_ =	task [dreg:s7], $0x5FFFF  }
0xac: {  	[dreg:$0x1] =	wrdreg $0xFFFFFFFF  }
0xad: {  	[dreg:$0x0] =	wrdreg $0x60  }
0xae: {  	[dreg:$0x2] =	wrdreg s24  }
0xaf: {  	[dreg:$0x3] =	wrdreg s2  }
0xb0: {  	[dreg:$0x4] =	wrdreg $0x82000  }
0xb1: {  	[dreg:$0x5] =	wrdreg $0x9  }
0xb2: {  	_ =	task.clear_ibuf [dreg:s7], $0x6FFFF;
	_ =	strace $0x9000004C  }
0xb3: {  	s29 =	simm.s32 $0x9;
	_ =	strace $0x8000004E  }
0xb4: {  	_ =	swait.ge [sflag:s29], $0x1  }
0xb5: {  	[sflag:s29] =	ssyncadd.s32 $0xFFFFFFFF  }
0xb6: {  	_ =	strace $0x9000004E  }
0xb7: {  	_ =	sfence  }
0xb8: {  	s30 =	sld [smem:$0x0];
	_ =	sdelay $0x2  }
0xb9: {  	s31 =	sshll.u32 s1, $0xD;
	s1 =	sshrl.u32 s1, $0x2  }
0xba: {  	s3 =	sand.u32 $0x4000, s31;
	s1 =	sadd.s32 s1, s30  }
0xbb: {  	s0 =	sor.u32 s3, s0;
	s1 =	sshll.u32 s1, $0x11  }
0xbc: {  	s0 =	sor.u32 s1, s0  }
0xbd: {  	s0 =	sadd.s32 $0x8F2B, s0  }
0xbe: {  	[sflag:s0] =	ssyncadd.remote.s32 $0x1  }
0xbf: {  	_ =	sfence.sel $0xFFFF  }
0xc0: {  	[dreg:$0x0] =	wrdreg $0xFFFFFFFF;
	(pc) =	sbr.abs _section_cstart, $3  }
0xc1: {  	[dreg:$0x1] =	wrdreg $0xFFFFFFFF  }
0xc2: {  	_ =	task.clear_ibuf [dreg:s7], $0x2FFFF;
	_ =	strace $0x9FFFFFFF  }
0xc3: {  	(tm) =	ssettm $0x7FFFFFFF  }
tec
execute0_lowered:
.L_overlay_start_1:
0x0: {  	(tag) =	ssettag $0x1  }
0x1: {  	s0 =	rddreg [dreg:$0x0]  }
0x2: {  	s1 =	rddreg [dreg:$0x1]  }
0x3: {  	s2 =	rddreg [dreg:$0x2];
	s4 =	simm.s32 $0x0;
	s3 =	srdreg.scid  }
0x4: {  	s12 =	stileid.u32;
	s28 =	simm.s32 $0x100;
	s29 =	simm.s32 $0x3  }
0x5: {  	s30 =	simm.s32 $0x80;
	s31 =	simm.s32 $0x180;
	s8 =	smul.u32 $0x2900, s12  }
0x6: {  	[smem:$0x7FF] =	sst s4;
	s3 =	sand.u32 $0x1, s3;
	s10 =	smul.u32 $0x50000, s12  }
0x7: {  	s5 =	sadd.s32 $0xC600, s0;
	s6 =	sadd.s32 $0x2200, s0;
	s12 =	smul.u32 $0x14000, s12  }
0x8: {  	s0 =	sadd.s32 $0x34600, s0;
	s7 =	smul.u32 $0x29000, s3;
	s9 =	ssub.s32 $0x2, s3  }
0x9: {  	_ =	strace $0x8000004D;
	s3 =	smul.u32 $0x140000, s3;
	s11 =	sshrl.u32 s9, $0x1  }
0xa: {  	s25 =	sshrl.u32 s10, $0x2;
	s15 =	sadd.s32 $0x4000, s12;
	s16 =	sadd.s32 $0x8000, s12  }
0xb: {  	s17 =	sadd.s32 $0xC000, s12;
	s19 =	sadd.s32 $0x10000, s12;
	s13 =	ssub.s32 s9, s11  }
0xc: {  	s14 =	sadd.s32 s8, s7;
	s7 =	sadd.s32 s25, s2;
	s8 =	sadd.s32 s15, s2  }
0xd: {  	s9 =	sadd.s32 s16, s2;
	s10 =	sadd.s32 s17, s2;
	s11 =	sadd.s32 s19, s2  }
0xe: {  	s12 =	sadd.s32 s12, s3;
	s15 =	sadd.s32 s3, s15;
	s16 =	sadd.s32 s3, s16  }
0xf: {  	s24 =	sadd.s32 s3, s17;
	s3 =	sadd.s32 s3, s19;
	s18 =	sshrl.u32 s14, $0x3  }
0x10: {  	s12 =	sshrl.u32 s12, $0x3;
	s15 =	sshrl.u32 s15, $0x3;
	s21 =	sadd.s32 s1, s18  }
0x11: {  	s20 =	sor.u32 $0x10, s18;
	s18 =	sadd.s32 s6, s18;
	[dreg:$0x4] =	wrdreg s21  }
0x12: {  	s23 =	sshrl.u32 s16, $0x3;
	s12 =	sadd.s32 s0, s12;
	[dreg:$0x5] =	wrdreg s18  }
0x13: {  	s3 =	sshrl.u32 s3, $0x3;
	s22 =	sadd.s32 s0, s15;
	[dreg:$0x8] =	wrdreg s12  }
0x14: {  	s25 =	sadd.s32 $0x180, s14;
	s26 =	sadd.s32 s1, s20;
	[dreg:$0x9] =	wrdreg s22  }
0x15: {  	s21 =	sadd.s32 s6, s20;
	s12 =	sadd.s32 s0, s23;
	[dreg:$0x6] =	wrdreg s26  }
0x16: {  	s20 =	sadd.s32 s0, s3;
	s3 =	simm.s32 $0x4;
	[dreg:$0x7] =	wrdreg s21  }
0x17: {  	[dreg:$0xa] =	wrdreg s12;
	s12 =	sshrl.u32 s24, $0x3;
	s26 =	sshrl.u32 s25, $0x3  }
0x18: {  	s21 =	smax.u32 s13, $0x1;
	s24 =	sadd.s32 $0x100, s14;
	s25 =	simm.s32 $0x200  }
0x19: {  	s13 =	simm.s32 $0x2;
	s14 =	simm.s32 $0x0;
	s12 =	sadd.s32 s0, s12  }
0x1a: {  	s22 =	sadd.s32 s26, s6;
	s23 =	sadd.s32 s26, s1;
	s26 =	simm.s32 $0x5  }
0x1b: {  	v0 =	vimm.f32 $0.0e+00;
	s0 =	simm.s32 $0x1;
	[dreg:$0xb] =	wrdreg s12;
	s12 =	simm.s32 $0x4200  }
.LBB2_1:
0x1c: {  	s15 =	simm.s32 $0x0;
	s16 =	simm.s32 $0x200  }
.LBB2_2:
0x1d: {  	p0 =	sne.s32 s16, $0xFE00;
	[tilespmem:s15+$0x270] =	vst v0  }
0x1e: {  	[tilespmem:s15+$0x200] =	vst v0  }
0x1f: {  	[tilespmem:s15+$0x210] =	vst v0  }
.Ltmp0:
0x20: {  	[tilespmem:s15+$0x220] =	vst v0;
	(pc) =	sbr.rel @p0 .LBB2_2-.Ltmp0, $4  }
0x21: {  	[tilespmem:s15+$0x230] =	vst v0  }
0x22: {  	[tilespmem:s15+$0x240] =	vst v0  }
0x23: {  	[tilespmem:s15+$0x250] =	vst v0  }
0x24: {  	[tilespmem:s15+$0x260] =	vst v0;
	s15 =	sshra.s32 s16, $0x2;
	s16 =	sadd.s32 $0x200, s16  }
0x25: {  	[tilespmem:s15+$0x270] =	vst v0  }
0x26: {  	[tilespmem:s15+$0x200] =	vst v0  }
0x27: {  	[tilespmem:s15+$0x210] =	vst v0  }
0x28: {  	[tilespmem:s15+$0x220] =	vst v0  }
0x29: {  	[tilespmem:s15+$0x230] =	vst v0  }
0x2a: {  	[tilespmem:s15+$0x240] =	vst v0  }
0x2b: {  	[tilespmem:s15+$0x250] =	vst v0  }
0x2c: {  	[tilespmem:s15+$0x260] =	vst v0  }
0x2d: {  	[spmem:s7] =	stream.linear.scatter [tilespmem:s25], [sflag:$0x5], $0x4000, $0x38;
	[tilespmem:$0x1C200] =	vst v63  }
0x2e: {  	_ =	swait.ge [sflag:s26], $0x4000  }
0x2f: {  	[sflag:s26] =	ssyncset.done $0x0  }
0x30: {  	[sflag:s26] =	ssyncadd.s32 $0xFFFFC000  }
0x31: {  	[spmem:s8] =	stream.linear.scatter [tilespmem:s25], [sflag:$0x5], $0x4000, $0x38;
	[tilespmem:$0x1C200] =	vst v63  }
0x32: {  	_ =	swait.ge [sflag:s26], $0x4000  }
0x33: {  	[sflag:s26] =	ssyncset.done $0x0  }
0x34: {  	[sflag:s26] =	ssyncadd.s32 $0xFFFFC000  }
0x35: {  	[spmem:s9] =	stream.linear.scatter [tilespmem:s25], [sflag:$0x5], $0x4000, $0x38;
	[tilespmem:$0x1C200] =	vst v63  }
0x36: {  	_ =	swait.ge [sflag:s26], $0x4000  }
0x37: {  	[sflag:s26] =	ssyncset.done $0x0  }
0x38: {  	[sflag:s26] =	ssyncadd.s32 $0xFFFFC000  }
0x39: {  	[spmem:s10] =	stream.linear.scatter [tilespmem:s25], [sflag:$0x5], $0x4000, $0x38;
	[tilespmem:$0x1C200] =	vst v63  }
0x3a: {  	_ =	swait.ge [sflag:s26], $0x4000  }
0x3b: {  	[sflag:s26] =	ssyncset.done $0x0  }
0x3c: {  	[sflag:s26] =	ssyncadd.s32 $0xFFFFC000  }
0x3d: {  	[spmem:s11] =	stream.linear.scatter [tilespmem:s25], [sflag:$0x5], $0x4000, $0x38;
	[tilespmem:$0x1C200] =	vst v63  }
0x3e: {  	_ =	swait.ge [sflag:s26], $0x4000  }
0x3f: {  	[sflag:s26] =	ssyncset.done $0x0  }
0x40: {  	s15 =	simm.s32 $0x0;
	s16 =	rddreg [dreg:$0x4];
	[sflag:s26] =	ssyncadd.s32 $0xFFFFC000  }
0x41: {  	[tilespmem:s15], [sflag:$0x3] =	stream.linear.gather [hbm4b:s16+s15], $0x80, $0x38;
	[tilespmem:$0x1C200] =	vst v63  }
0x42: {  	s17 =	rddreg [dreg:$0x5]  }
0x43: {  	[tilespmem:s28], [sflag:$0x3] =	stream.linear.gather [hbm4b:s17+s15], $0x80, $0x38;
	[tilespmem:$0x1C200] =	vst v63  }
0x44: {  	_ =	swait.ge [sflag:s29], $0x80  }
0x45: {  	[sflag:s29] =	ssyncset.done $0x0  }
0x46: {  	[sflag:s29] =	ssyncadd.s32 $0xFFFFFF80  }
0x47: {  	_ =	swait.ge [sflag:s29], $0x80  }
0x48: {  	[sflag:s29] =	ssyncset.done $0x0  }
0x49: {  	[sflag:s29] =	ssyncadd.s32 $0xFFFFFF80  }
0x4a: {  	[tilespmem:s25], [sflag:$0x1] =	stream.indirect.gather [hbm4b:s5+s30], $0x80, s15, s30, $0xb8;
	[tilespmem:$0x1C200] =	vst v63  }
0x4b: {  	s18 =	rddreg [dreg:$0x6]  }
0x4c: {  	[tilespmem:s30], [sflag:$0x4] =	stream.linear.gather [hbm4b:s18+s15], $0x80, $0x38;
	[tilespmem:$0x1C200] =	vst v63  }
0x4d: {  	s19 =	rddreg [dreg:$0x7]  }
0x4e: {  	[tilespmem:s31], [sflag:$0x4] =	stream.linear.gather [hbm4b:s19+s15], $0x80, $0x38;
	[tilespmem:$0x1C200] =	vst v63  }
0x4f: {  	[bflag:$0x0] =	sbarrier.arrive $0xFFFF  }
0x50: {  	_ =	swait.ge [sflag:s0], $0x4000  }
0x51: {  	[sflag:s0] =	ssyncset.done $0x0  }
0x52: {  	[sflag:s0] =	ssyncadd.s32 $0xFFFFC000  }
0x53: {  	_ =	swait.ge [sflag:s3], $0x80  }
0x54: {  	[sflag:s3] =	ssyncset.done $0x0  }
0x55: {  	[sflag:s3] =	ssyncadd.s32 $0xFFFFFF80  }
0x56: {  	_ =	swait.ge [sflag:s3], $0x80  }
0x57: {  	[sflag:s3] =	ssyncset.done $0x0  }
0x58: {  	[sflag:s3] =	ssyncadd.s32 $0xFFFFFF80  }
0x59: {  	[tilespmem:s12], [sflag:$0x2] =	stream.indirect.gather [hbm4b:s5+s30], $0x80, s30, s30, $0xb8;
	[tilespmem:$0x1C200] =	vst v63  }
0x5a: {  	_ = 	snop  }
0x5b: {  	[spmem:s2] =	stream.indirect.scatter.add.f32 [tilespmem:s25], [sflag:$0x5], $0x80, s28, s30, $0xb8;
	[tilespmem:$0x1C200] =	vst v63  }
0x5c: {  	_ =	swait.ge [sflag:s26], $0x4000  }
0x5d: {  	s17 =	sshrl.u32 s24, $0x3;
	[sflag:s26] =	ssyncset.done $0x0  }
0x5e: {  	s18 =	sadd.s32 s1, s17;
	[sflag:s26] =	ssyncadd.s32 $0xFFFFC000  }
0x5f: {  	[tilespmem:s4], [sflag:$0x3] =	stream.linear.gather [hbm4b:s18+s4], $0x80, $0x38;
	[tilespmem:$0x1C200] =	vst v63  }
0x60: {  	s15 =	sadd.s32 s6, s17  }
0x61: {  	[tilespmem:s28], [sflag:$0x3] =	stream.linear.gather [hbm4b:s15+s4], $0x80, $0x38;
	[tilespmem:$0x1C200] =	vst v63  }
0x62: {  	_ =	swait.ge [sflag:s13], $0x4000  }
0x63: {  	[sflag:s13] =	ssyncset.done $0x0  }
0x64: {  	[sflag:s13] =	ssyncadd.s32 $0xFFFFC000  }
0x65: {  	_ =	swait.ge [sflag:s29], $0x80  }
0x66: {  	[sflag:s29] =	ssyncset.done $0x0  }
0x67: {  	[sflag:s29] =	ssyncadd.s32 $0xFFFFFF80  }
0x68: {  	_ =	swait.ge [sflag:s29], $0x80  }
0x69: {  	[sflag:s29] =	ssyncset.done $0x0  }
0x6a: {  	[sflag:s29] =	ssyncadd.s32 $0xFFFFFF80  }
0x6b: {  	[tilespmem:s25], [sflag:$0x1] =	stream.indirect.gather [hbm4b:s5+s30], $0x80, s4, s30, $0xb8;
	[tilespmem:$0x1C200] =	vst v63  }
0x6c: {  	_ = 	snop  }
0x6d: {  	[spmem:s2] =	stream.indirect.scatter.add.f32 [tilespmem:s12], [sflag:$0x5], $0x80, s31, s30, $0xb8;
	[tilespmem:$0x1C200] =	vst v63  }
0x6e: {  	_ =	swait.ge [sflag:s26], $0x4000  }
0x6f: {  	s16 =	sadd.s32 $0x100, s24;
	s19 =	sadd.s32 $0x0, s23;
	[sflag:s26] =	ssyncset.done $0x0  }
0x70: {  	s17 =	sadd.s32 $0x0, s22;
	s15 =	simm.s32 $0x20;
	[sflag:s26] =	ssyncadd.s32 $0xFFFFC000  }
0x71: {  	[tilespmem:s30], [sflag:$0x4] =	stream.linear.gather [hbm4b:s19+s4], $0x80, $0x38;
	[tilespmem:$0x1C200] =	vst v63  }
.LBB2_4:
0x72: {  	[tilespmem:s31], [sflag:$0x4] =	stream.linear.gather [hbm4b:s17+s4], $0x80, $0x38;
	[tilespmem:$0x1C200] =	vst v63  }
0x73: {  	s17 =	smov.u32 s15  }
0x74: {  	p0 =	sne.s32 s15, $0x4E0;
	s15 =	sadd.s32 $0x20, s15;
	_ =	swait.ge [sflag:s0], $0x4000  }
0x75: {  	[sflag:s0] =	ssyncset.done $0x0  }
0x76: {  	[sflag:s0] =	ssyncadd.s32 $0xFFFFC000  }
0x77: {  	_ =	swait.ge [sflag:s3], $0x80  }
0x78: {  	[sflag:s3] =	ssyncset.done $0x0  }
0x79: {  	[sflag:s3] =	ssyncadd.s32 $0xFFFFFF80  }
0x7a: {  	_ =	swait.ge [sflag:s3], $0x80  }
0x7b: {  	[sflag:s3] =	ssyncset.done $0x0  }
0x7c: {  	[sflag:s3] =	ssyncadd.s32 $0xFFFFFF80  }
0x7d: {  	[tilespmem:s12], [sflag:$0x2] =	stream.indirect.gather [hbm4b:s5+s30], $0x80, s30, s30, $0xb8;
	[tilespmem:$0x1C200] =	vst v63  }
0x7e: {  	_ = 	snop  }
0x7f: {  	[spmem:s2] =	stream.indirect.scatter.add.f32 [tilespmem:s25], [sflag:$0x5], $0x80, s28, s30, $0xb8;
	[tilespmem:$0x1C200] =	vst v63  }
0x80: {  	_ =	swait.ge [sflag:s26], $0x4000  }
0x81: {  	s18 =	sshrl.u32 s16, $0x3;
	[sflag:s26] =	ssyncset.done $0x0  }
0x82: {  	s19 =	sadd.s32 s1, s18;
	[sflag:s26] =	ssyncadd.s32 $0xFFFFC000  }
0x83: {  	[tilespmem:s4], [sflag:$0x3] =	stream.linear.gather [hbm4b:s19+s4], $0x80, $0x38;
	[tilespmem:$0x1C200] =	vst v63  }
0x84: {  	s18 =	sadd.s32 s6, s18  }
0x85: {  	[tilespmem:s28], [sflag:$0x3] =	stream.linear.gather [hbm4b:s18+s4], $0x80, $0x38;
	[tilespmem:$0x1C200] =	vst v63  }
0x86: {  	_ =	swait.ge [sflag:s13], $0x4000  }
0x87: {  	[sflag:s13] =	ssyncset.done $0x0  }
0x88: {  	[sflag:s13] =	ssyncadd.s32 $0xFFFFC000  }
0x89: {  	_ =	swait.ge [sflag:s29], $0x80  }
0x8a: {  	[sflag:s29] =	ssyncset.done $0x0  }
0x8b: {  	[sflag:s29] =	ssyncadd.s32 $0xFFFFFF80  }
0x8c: {  	_ =	swait.ge [sflag:s29], $0x80  }
0x8d: {  	[sflag:s29] =	ssyncset.done $0x0  }
0x8e: {  	[sflag:s29] =	ssyncadd.s32 $0xFFFFFF80  }
0x8f: {  	[tilespmem:s25], [sflag:$0x1] =	stream.indirect.gather [hbm4b:s5+s30], $0x80, s4, s30, $0xb8;
	[tilespmem:$0x1C200] =	vst v63  }
0x90: {  	_ = 	snop  }
0x91: {  	[spmem:s2] =	stream.indirect.scatter.add.f32 [tilespmem:s12], [sflag:$0x5], $0x80, s31, s30, $0xb8;
	[tilespmem:$0x1C200] =	vst v63  }
.Ltmp1:
0x92: {  	_ =	swait.ge [sflag:s26], $0x4000;
	(pc) =	sbr.rel @p0 .LBB2_4-.Ltmp1, $4  }
0x93: {  	[sflag:s26] =	ssyncset.done $0x0  }
0x94: {  	s18 =	sadd.s32 s17, s23;
	[sflag:s26] =	ssyncadd.s32 $0xFFFFC000  }
0x95: {  	[tilespmem:s30], [sflag:$0x4] =	stream.linear.gather [hbm4b:s18+s4], $0x80, $0x38;
	[tilespmem:$0x1C200] =	vst v63  }
0x96: {  	s16 =	sadd.s32 $0x100, s16;
	s17 =	sadd.s32 s17, s22  }
0x97: {  	[tilespmem:s31], [sflag:$0x4] =	stream.linear.gather [hbm4b:s17+s4], $0x80, $0x38;
	[tilespmem:$0x1C200] =	vst v63  }
0x98: {  	_ =	swait.ge [sflag:s0], $0x4000  }
0x99: {  	[sflag:s0] =	ssyncset.done $0x0  }
0x9a: {  	[sflag:s0] =	ssyncadd.s32 $0xFFFFC000  }
0x9b: {  	_ =	swait.ge [sflag:s3], $0x80  }
0x9c: {  	[sflag:s3] =	ssyncset.done $0x0  }
0x9d: {  	[sflag:s3] =	ssyncadd.s32 $0xFFFFFF80  }
0x9e: {  	_ =	swait.ge [sflag:s3], $0x80  }
0x9f: {  	[sflag:s3] =	ssyncset.done $0x0  }
0xa0: {  	[sflag:s3] =	ssyncadd.s32 $0xFFFFFF80  }
0xa1: {  	[tilespmem:s12], [sflag:$0x2] =	stream.indirect.gather [hbm4b:s5+s30], $0x80, s30, s30, $0xb8;
	[tilespmem:$0x1C200] =	vst v63  }
0xa2: {  	_ = 	snop  }
0xa3: {  	[spmem:s2] =	stream.indirect.scatter.add.f32 [tilespmem:s25], [sflag:$0x5], $0x80, s28, s30, $0xb8;
	[tilespmem:$0x1C200] =	vst v63  }
0xa4: {  	_ =	swait.ge [sflag:s26], $0x4000  }
0xa5: {  	[sflag:s26] =	ssyncset.done $0x0  }
0xa6: {  	[sflag:s26] =	ssyncadd.s32 $0xFFFFC000  }
0xa7: {  	_ =	swait.ge [sflag:s13], $0x4000  }
0xa8: {  	[sflag:s13] =	ssyncset.done $0x0  }
0xa9: {  	[sflag:s13] =	ssyncadd.s32 $0xFFFFC000  }
0xaa: {  	[spmem:s2] =	stream.indirect.scatter.add.f32 [tilespmem:s12], [sflag:$0x5], $0x80, s31, s30, $0xb8;
	[tilespmem:$0x1C200] =	vst v63  }
0xab: {  	_ =	swait.ge [sflag:s26], $0x4000  }
0xac: {  	[sflag:s26] =	ssyncset.done $0x0  }
0xad: {  	[sflag:s26] =	ssyncadd.s32 $0xFFFFC000  }
0xae: {  	[bflag:$0x0] =	sbarrier.arrive $0xFFFF  }
0xaf: {  	[tilespmem:s25], [sflag:$0x5] =	stream.linear.gather [spmem:s7], $0x4000, $0x38;
	[tilespmem:$0x1C200] =	vst v63  }
0xb0: {  	_ =	swait.ge [sflag:s26], $0x4000  }
0xb1: {  	[sflag:s26] =	ssyncset.done $0x0  }
0xb2: {  	s15 =	rddreg [dreg:$0x8];
	[sflag:s26] =	ssyncadd.s32 $0xFFFFC000  }
0xb3: {  	[hbm4b:s15+s4] =	stream.linear.scatter [tilespmem:s25], [sflag:$0x5], $0x4000, $0x38;
	[tilespmem:$0x1C200] =	vst v63  }
0xb4: {  	_ =	swait.ge [sflag:s26], $0x4000  }
0xb5: {  	[sflag:s26] =	ssyncset.done $0x0  }
0xb6: {  	[sflag:s26] =	ssyncadd.s32 $0xFFFFC000  }
0xb7: {  	[tilespmem:s25], [sflag:$0x5] =	stream.linear.gather [spmem:s8], $0x4000, $0x38;
	[tilespmem:$0x1C200] =	vst v63  }
0xb8: {  	_ =	swait.ge [sflag:s26], $0x4000  }
0xb9: {  	[sflag:s26] =	ssyncset.done $0x0  }
0xba: {  	s17 =	rddreg [dreg:$0x9];
	[sflag:s26] =	ssyncadd.s32 $0xFFFFC000  }
0xbb: {  	[hbm4b:s17+s4] =	stream.linear.scatter [tilespmem:s25], [sflag:$0x5], $0x4000, $0x38;
	[tilespmem:$0x1C200] =	vst v63  }
0xbc: {  	_ =	swait.ge [sflag:s26], $0x4000  }
0xbd: {  	[sflag:s26] =	ssyncset.done $0x0  }
0xbe: {  	[sflag:s26] =	ssyncadd.s32 $0xFFFFC000  }
0xbf: {  	[tilespmem:s25], [sflag:$0x5] =	stream.linear.gather [spmem:s9], $0x4000, $0x38;
	[tilespmem:$0x1C200] =	vst v63  }
0xc0: {  	_ =	swait.ge [sflag:s26], $0x4000  }
0xc1: {  	[sflag:s26] =	ssyncset.done $0x0  }
0xc2: {  	s18 =	rddreg [dreg:$0xa];
	[sflag:s26] =	ssyncadd.s32 $0xFFFFC000  }
0xc3: {  	[hbm4b:s18+s4] =	stream.linear.scatter [tilespmem:s25], [sflag:$0x5], $0x4000, $0x38;
	[tilespmem:$0x1C200] =	vst v63  }
0xc4: {  	_ =	swait.ge [sflag:s26], $0x4000  }
0xc5: {  	[sflag:s26] =	ssyncset.done $0x0  }
0xc6: {  	[sflag:s26] =	ssyncadd.s32 $0xFFFFC000  }
0xc7: {  	[tilespmem:s25], [sflag:$0x5] =	stream.linear.gather [spmem:s10], $0x4000, $0x38;
	[tilespmem:$0x1C200] =	vst v63  }
0xc8: {  	_ =	swait.ge [sflag:s26], $0x4000  }
0xc9: {  	[sflag:s26] =	ssyncset.done $0x0  }
0xca: {  	s19 =	rddreg [dreg:$0xb];
	[sflag:s26] =	ssyncadd.s32 $0xFFFFC000  }
0xcb: {  	[hbm4b:s19+s4] =	stream.linear.scatter [tilespmem:s25], [sflag:$0x5], $0x4000, $0x38;
	[tilespmem:$0x1C200] =	vst v63  }
0xcc: {  	_ =	swait.ge [sflag:s26], $0x4000  }
0xcd: {  	[sflag:s26] =	ssyncset.done $0x0  }
0xce: {  	[sflag:s26] =	ssyncadd.s32 $0xFFFFC000  }
0xcf: {  	[tilespmem:s25], [sflag:$0x5] =	stream.linear.gather [spmem:s11], $0x4000, $0x38;
	[tilespmem:$0x1C200] =	vst v63  }
0xd0: {  	s14 =	sadd.s32 $0x1, s14;
	_ =	swait.ge [sflag:s26], $0x4000  }
0xd1: {  	p0 =	sne.s32 s14, s21;
	[sflag:s26] =	ssyncset.done $0x0  }
.Ltmp2:
0xd2: {  	[sflag:s26] =	ssyncadd.s32 $0xFFFFC000;
	(pc) =	sbr.rel @p0 .LBB2_1-.Ltmp2, $4  }
0xd3: {  	[hbm4b:s20+s4] =	stream.linear.scatter [tilespmem:s25], [sflag:$0x5], $0x4000, $0x38;
	[tilespmem:$0x1C200] =	vst v63  }
0xd4: {  	_ =	swait.ge [sflag:s26], $0x4000  }
0xd5: {  	[sflag:s26] =	ssyncset.done $0x0  }
0xd6: {  	[sflag:s26] =	ssyncadd.s32 $0xFFFFC000  }
0xd7: {  	_ =	sfence.sel $0x180000  }
0xd8: {  	[bflag:$0x0] =	sbarrier.arrive $0xFFFF  }
0xd9: {  	_ =	strace $0x9000004D  }
0xda: {  	s0 =	stileid.u32;
	[bflag:$0x2] =	sbarrier.arrive $0xFFFF  }
0xdb: {  	p0 =	sne.s32 s0, $0x0;
	s0 =	rddreg [dreg:$0x3]  }
0xdc: {  	s0 =	sadd.s32 @!p0 $0x100000, s0  }
0xdd: {  	[sflag:s0] =	ssyncadd.tile.s32 @!p0 $0x1;
	_ =	shalt  }
.Lfunc_end2:
_tile_overlayer_lowered:
.L_overlay_start_2:
0xde: {  	(tag) =	ssettag $0x2  }
0xdf: {  	s0 =	rddreg [dreg:$0x0];
	s2 =	stileid.u32  }
0xe0: {  	s1 =	rddreg [dreg:$0x1];
	p0 =	sne.s32 s2, $0x0  }
0xe1: {  	s3 =	rddreg [dreg:$0x2];
	[bflag:$0x3] =	sbarrier.arrive $0xFFFF;
	s2 =	simm.s32 @!p0 $0x1C05  }
0xe2: {  	[timem:s3], [sflag:s2] =	dma.local @!p0 [hbm:s0], s1  }
0xe3: {  	s0 =	simm.s32 @!p0 $0x5  }
0xe4: {  	_ =	swait.ge @!p0 [sflag:s0], s1  }
0xe5: {  	s1 =	ssub.s32 @!p0 $0x0, s1;
	[sflag:s0] =	ssyncset.done @!p0 $0x0  }
0xe6: {  	[sflag:s0] =	ssyncadd.s32 @!p0 s1  }
0xe7: {  	[bflag:$0x3] =	sbarrier.arrive $0xFFFF  }
0xe8: {  	_ =	shalt  }

// kernel: kernel.8.cloned.1.call-start
scs
__scs_entry_jumppad:
0x0: {  	(pc) =	sbr.rel $0x88, $3  }
0x1: {  	(tag) =	ssettag $0x0;
	lr =	simm.s32 $0x1  }
0x2: {  	[smem:$0x3F9A] =	sst lr;
	_ =	strace $0xD0000000  }
0x3: {  	_ = 	snop  }
0x4: {  	_ = 	snop  }
0x5: {  	_ = 	snop  }
0x6: {  	_ = 	snop  }
0x7: {  	_ = 	snop  }
__scs_overlays_trampoline_lowered:
0x8: {  	[smem:$0x3FA9] =	sst s0  }
0x9: {  	[smem:$0x3FAA] =	sst s1  }
0xa: {  	[smem:$0x3FAB] =	sst s2  }
0xb: {  	[smem:$0x3FAC] =	sst s3  }
0xc: {  	[smem:$0x3FAD] =	sst s4  }
0xd: {  	[smem:$0x3FAE] =	sst s5  }
0xe: {  	[smem:$0x3FAF] =	sst s6  }
0xf: {  	[smem:$0x3FB0] =	sst s7  }
0x10: {  	[smem:$0x3FB1] =	sst s8  }
0x11: {  	[smem:$0x3FB2] =	sst s9;
	s0 =	simm.s32 @!p0 $0x0  }
0x12: {  	s1 =	sld [smem:$0x3F98];
	s0 =	simm.s32 @p0 $0x1  }
0x13: {  	[smem:$0x3FB3] =	sst s0;
	s0 =	simm.s32 @!p1 $0x0  }
0x14: {  	s2 =	sld [smem:$0x3F97];
	s0 =	simm.s32 @p1 $0x1  }
0x15: {  	[smem:$0x3FB4] =	sst s0;
	s0 =	simm.s32 @!p2 $0x0  }
0x16: {  	s3 =	sld [smem:$0x3FDB];
	s0 =	simm.s32 @p2 $0x1  }
0x17: {  	s4 =	simm.s32 $0x1BF5;
	[smem:$0x3FB6] =	sst s0  }
0x18: {  	s0 =	sld [smem:$0x3F99];
	_ =	swait.ge [sflag:s4], $0x0  }
0x19: {  	s7 =	sld [smem:$0x3F9A]  }
0x1a: {  	s8 =	sadd.s32 $0xFFFFE003, lr  }
0x1b: {  	s9 =	sadd.s32 $0xFFFFFEF7, lr;
	s5 =	simm.s32 $0xFFFFFFFF;
	p2 =	slt.u32 s8, $0xFFFFF086  }
0x1c: {  	p1 =	slt.u32 s9, $0xF7A;
	s5 =	simm.s32 @!p2 $0x0  }
0x1d: {  	s5 =	simm.s32 @p1 $0x1;
	p0 =	seq.s32 s7, s2  }
0x1e: {  	s7 =	smul.u32 @!p0 $0xF7A, s2;
	p2 =	seq.s32 @!p0 s5, $0x0  }
0x1f: {  	s9 =	smul.u32 $0xF7A, s1;
	s8 =	simm.s32 @!p0 $0x1BF5;
	p2 =	por !p2, p0  }
0x20: {  	[sflag:s8] =	ssyncset.s32 @!p0 $0xFFFFF086;
	s6 =	sadd.s32 @!p0 s3, s7;
	s7 =	simm.s32 @!p0 $0x108  }
0x21: {  	s3 =	sadd.s32 s3, s9;
	s6 =	sadd.s32 @!p0 $0x88, s6;
	s7 =	simm.s32 @p2 $0x1082  }
0x22: {  	[simem:s7], [sflag:s8] =	dma.local @!p0 [hbm:s6], $0xF7A  }
0x23: {  	s9 =	sor.u32 $0xD0000000, s2;
	s6 =	simm.s32 $0x108;
	_ =	swait.ge @!p0 [sflag:s8], $0x0  }
0x24: {  	s3 =	sadd.s32 $0x88, s3;
	s6 =	simm.s32 @!p1 $0x1082;
	[sflag:s4] =	ssyncset.s32 $0xFFFFF086  }
0x25: {  	[simem:s6], [sflag:s4] =	dma.local [hbm:s3], $0xF7A  }
0x26: {  	[smem:$0x3F9A] =	sst s1;
	(tag) =	ssettag s2;
	_ =	strace s9  }
0x27: {  	s1 =	sld [smem:$0x3FAA]  }
0x28: {  	s2 =	sld [smem:$0x3FAB]  }
0x29: {  	s4 =	sld [smem:$0x3FAD]  }
0x2a: {  	p0 =	seq.s32 s5, $0x0;
	s5 =	sld [smem:$0x3FAE]  }
0x2b: {  	s6 =	sld [smem:$0x3FAF]  }
0x2c: {  	s7 =	sld [smem:$0x3FB0]  }
0x2d: {  	s3 =	simm.s32 $0x108;
	s8 =	sld [smem:$0x3FB1]  }
0x2e: {  	s3 =	simm.s32 @!p0 $0x1082;
	s9 =	sld [smem:$0x3FB2]  }
0x2f: {  	lr =	sadd.s32 s0, s3;
	s0 =	sld [smem:$0x3FA9]  }
0x30: {  	s3 =	sld [smem:$0x3FAC]  }
0x31: {  	[smem:$0x3FB5] =	sst s10  }
0x32: {  	s10 =	sld [smem:$0x3FB3];
	_ =	sdelay $0x3  }
0x33: {  	p0 =	seq.s32 s10, $0x1;
	s10 =	sld [smem:$0x3FB5];
	_ =	sdelay $0x3  }
0x34: {  	[smem:$0x3FB5] =	sst s10  }
0x35: {  	s10 =	sld [smem:$0x3FB4];
	_ =	sdelay $0x3  }
0x36: {  	p1 =	seq.s32 s10, $0x1;
	s10 =	sld [smem:$0x3FB5];
	_ =	sdelay $0x3  }
0x37: {  	[smem:$0x3FB5] =	sst s10  }
0x38: {  	s10 =	sld [smem:$0x3FB6]  }
0x39: {  	_ = 	snop;
	(pc) =	sbr.ind lr, $3  }
0x3a: {  	_ = 	snop  }
0x3b: {  	_ = 	snop  }
0x3c: {  	p2 =	seq.s32 s10, $0x1;
	s10 =	sld [smem:$0x3FB5]  }
0x3d: {  	_ =	shalt  }
0x3e: {  	_ =	shalt  }
0x3f: {  	_ =	shalt  }
0x40: {  	_ =	shalt  }
0x41: {  	_ =	shalt  }
0x42: {  	_ =	shalt  }
0x43: {  	_ =	shalt  }
0x44: {  	_ =	shalt  }
0x45: {  	_ =	shalt  }
0x46: {  	_ =	shalt  }
0x47: {  	_ =	shalt  }
0x48: {  	_ =	shalt  }
0x49: {  	_ =	shalt  }
0x4a: {  	_ =	shalt  }
0x4b: {  	_ =	shalt  }
0x4c: {  	_ =	shalt  }
0x4d: {  	_ =	shalt  }
0x4e: {  	_ =	shalt  }
0x4f: {  	_ =	shalt  }
0x50: {  	_ =	shalt  }
0x51: {  	_ =	shalt  }
0x52: {  	_ =	shalt  }
0x53: {  	_ =	shalt  }
0x54: {  	_ =	shalt  }
0x55: {  	_ =	shalt  }
0x56: {  	_ =	shalt  }
0x57: {  	_ =	shalt  }
0x58: {  	_ =	shalt  }
0x59: {  	_ =	shalt  }
0x5a: {  	_ =	shalt  }
0x5b: {  	_ =	shalt  }
0x5c: {  	_ =	shalt  }
0x5d: {  	_ =	shalt  }
0x5e: {  	_ =	shalt  }
0x5f: {  	_ =	shalt  }
0x60: {  	_ =	shalt  }
0x61: {  	_ =	shalt  }
0x62: {  	_ =	shalt  }
0x63: {  	_ =	shalt  }
0x64: {  	_ =	shalt  }
0x65: {  	_ =	shalt  }
0x66: {  	_ =	shalt  }
0x67: {  	_ =	shalt  }
0x68: {  	_ =	shalt  }
0x69: {  	_ =	shalt  }
0x6a: {  	_ =	shalt  }
0x6b: {  	_ =	shalt  }
0x6c: {  	_ =	shalt  }
0x6d: {  	_ =	shalt  }
0x6e: {  	_ =	shalt  }
0x6f: {  	_ =	shalt  }
0x70: {  	_ =	shalt  }
0x71: {  	_ =	shalt  }
0x72: {  	_ =	shalt  }
0x73: {  	_ =	shalt  }
0x74: {  	_ =	shalt  }
0x75: {  	_ =	shalt  }
0x76: {  	_ =	shalt  }
0x77: {  	_ =	shalt  }
0x78: {  	_ =	shalt  }
0x79: {  	_ =	shalt  }
0x7a: {  	_ =	shalt  }
0x7b: {  	_ =	shalt  }
0x7c: {  	_ =	shalt  }
0x7d: {  	_ =	shalt  }
0x7e: {  	_ =	shalt  }
0x7f: {  	_ =	shalt  }
0x80: {  	_ =	shalt  }
0x81: {  	_ =	shalt  }
0x82: {  	_ =	shalt  }
0x83: {  	_ =	shalt  }
0x84: {  	_ =	shalt  }
0x85: {  	_ =	shalt  }
0x86: {  	_ =	shalt  }
0x87: {  	_ =	shalt  }
.Lfunc_end0:
.L_simem_size_0:
called_computation_lowered:
.L_overlay_start_0:
0x88: {  	s2 =	sld [smem:$0x3FD9]  }
0x89: {  	s3 =	sld [smem:$0x3FFE];
	_ =	sdelay $0x1  }
0x8a: {  	s1 =	srdreg.scid  }
0x8b: {  	s0 =	sand.u32 $0x1, s1  }
0x8c: {  	s16 =	sshll.u32 s0, $0xA;
	s2 =	sadd.s32 s3, s2  }
0x8d: {  	s2 =	sadd.s32 s2, s16  }
0x8e: {  	[smem:$0x3FC1] =	sst s2  }
0x8f: {  	_ = 	snop  }
0x90: {  	(tm) =	ssettm $0x1  }
0x91: {  	s17 =	sld [smem:$0x3FFB];
	_ =	sdelay $0x3  }
0x92: {  	_ =	strace s17  }
0x93: {  	s2 =	sld [smem:$0x3FFC];
	_ =	sdelay $0x3  }
0x94: {  	_ =	strace s2  }
0x95: {  	s2 =	sld [smem:$0x3FFD];
	_ =	sdelay $0x3  }
0x96: {  	_ =	strace s2  }
0x97: {  	_ =	strace $0x8FFFFFFF  }
0x98: {  	s18 =	sld [smem:$0x3FDB];
	_ =	sdelay $0x1  }
0x99: {  	s19 =	simm.s32 $_scs_section_size  }
0x9a: {  	s4 =	simm.s32 $_size__tile_overlayer_lowered;
	s5 =	simm.s32 $_tile_overlayer_lowered  }
0x9b: {  	s22 =	simm.s32 $0x1BFF;
	s21 =	sshll.u32 s5, $0x1;
	s2 =	sadd.s32 s19, s18  }
0x9c: {  	s6 =	simm.s32 $0x0;
	s20 =	sshll.u32 s4, $0x1;
	s4 =	sadd.s32 s21, s2  }
0x9d: {  	[timem:s6], [sflag:s22] =	dma.local [hbm:s4], s20  }
0x9e: {  	_ =	swait.ge [sflag:s22], s20  }
0x9f: {  	s3 =	ssub.s32 $0x0, s20;
	[sflag:s22] =	ssyncset.done $0x0  }
0xa0: {  	[sflag:s22] =	ssyncadd.s32 s3;
	_ =	sdelay $0x1  }
0xa1: {  	s23 =	simm.s32 $0x1B8B  }
0xa2: {  	_ =	swait.ge [sflag:s23], $0x1  }
0xa3: {  	[sflag:s23] =	ssyncset.done $0x0  }
0xa4: {  	s25 =	simm.s32 $0x1B8E;
	s24 =	sld [smem:$0x3FFE];
	[sflag:s23] =	ssyncadd.s32 $0xFFFFFFFF  }
0xa5: {  	s26 =	simm.s32 $execute0_lowered;
	[smem:$0x3FD2] =	sst s25  }
0xa6: {  	s4 =	sshll.u32 s26, $0x1;
	_ =	strace $0x80000046;
	[dreg:$0x1] =	wrdreg $0xFFFFFFFF  }
0xa7: {  	s28 =	simm.s32 $_size_execute0_lowered;
	s2 =	sadd.s32 s2, s4;
	[dreg:$0x0] =	wrdreg $0x0  }
0xa8: {  	s4 =	sshll.u32 s28, $0x1;
	[dreg:$0x2] =	wrdreg s2  }
0xa9: {  	[dreg:$0x3] =	wrdreg s4  }
0xaa: {  	[dreg:$0x4] =	wrdreg $0xC0  }
0xab: {  	_ =	task [dreg:s6], $0x5FFFF  }
0xac: {  	[dreg:$0x1] =	wrdreg $0xFFFFFFFF  }
0xad: {  	[dreg:$0x0] =	wrdreg $0x60  }
0xae: {  	[dreg:$0x2] =	wrdreg s24  }
0xaf: {  	[dreg:$0x3] =	wrdreg $0x4000  }
0xb0: {  	[dreg:$0x4] =	wrdreg $0x9  }
0xb1: {  	_ =	task.clear_ibuf [dreg:s6], $0x5FFFF;
	_ =	strace $0x90000046  }
0xb2: {  	s29 =	simm.s32 $0x9;
	_ =	strace $0x80000048  }
0xb3: {  	_ =	swait.ge [sflag:s29], $0x1  }
0xb4: {  	[sflag:s29] =	ssyncadd.s32 $0xFFFFFFFF  }
0xb5: {  	_ =	strace $0x90000048  }
0xb6: {  	_ =	sfence  }
0xb7: {  	s30 =	sld [smem:$0x0];
	_ =	sdelay $0x2  }
0xb8: {  	s31 =	sshll.u32 s1, $0xD;
	s1 =	sshrl.u32 s1, $0x2  }
0xb9: {  	s3 =	sand.u32 $0x4000, s31;
	s1 =	sadd.s32 s1, s30  }
0xba: {  	s0 =	sor.u32 s3, s0;
	s1 =	sshll.u32 s1, $0x11  }
0xbb: {  	s0 =	sor.u32 s1, s0  }
0xbc: {  	s0 =	sadd.s32 $0x8F2B, s0  }
0xbd: {  	[sflag:s0] =	ssyncadd.remote.s32 $0x1  }
0xbe: {  	_ =	sfence.sel $0xFFFF  }
0xbf: {  	[dreg:$0x0] =	wrdreg $0xFFFFFFFF;
	(pc) =	sbr.abs _section_cstart, $3  }
0xc0: {  	[dreg:$0x1] =	wrdreg $0xFFFFFFFF  }
0xc1: {  	_ =	task.clear_ibuf [dreg:s6], $0x2FFFF;
	_ =	strace $0x9FFFFFFF  }
0xc2: {  	(tm) =	ssettm $0x7FFFFFFF  }
0xc3: {  	_ =	shalt  }
tec
execute0_lowered:
.L_overlay_start_1:
0x0: {  	(tag) =	ssettag $0x1  }
0x1: {  	s5 =	rddreg [dreg:$0x0]  }
0x2: {  	s2 =	rddreg [dreg:$0x1]  }
0x3: {  	s3 =	srdreg.scid;
	s1 =	stileid.u32  }
0x4: {  	s0 =	rddreg [dreg:$0x2];
	s13 =	simm.s32 $0x3;
	s14 =	simm.s32 $0x1  }
0x5: {  	s15 =	simm.s32 $0x80;
	s16 =	simm.s32 $0x100;
	s4 =	smul.u32 $0x500, s1  }
0x6: {  	s17 =	simm.s32 $0x2;
	s18 =	simm.s32 $0x0;
	s8 =	smul.u32 $0xA00, s1  }
0x7: {  	s6 =	sand.u32 $0x1, s3;
	s3 =	simm.s32 $0x0;
	s10 =	smul.u32 $0x2900, s1  }
0x8: {  	s7 =	sshll.u32 s6, $0x7;
	[smem:$0x7FF] =	sst s3;
	s28 =	smul.u32 $0x29000, s6  }
0x9: {  	s29 =	ssub.s32 $0x2, s6;
	s4 =	sor.u32 s7, s4;
	_ =	strace $0x80000047  }
0xa: {  	s6 =	sshrl.u32 s29, $0x1;
	s8 =	sshrl.u32 s8, $0x2;
	s9 =	sshrl.u32 s4, $0x3  }
0xb: {  	s4 =	sadd.s32 $0x2200, s5;
	s10 =	sadd.s32 s10, s28;
	s11 =	ssub.s32 s29, s6  }
0xc: {  	s9 =	sadd.s32 s9, s5;
	s5 =	sadd.s32 s8, s2;
	s30 =	sshrl.u32 s10, $0x3  }
0xd: {  	s12 =	sor.u32 $0x80, s10;
	s8 =	smax.u32 s11, $0x1;
	s10 =	sadd.s32 $0x100, s10  }
0xe: {  	s6 =	sadd.s32 s4, s30;
	s7 =	sadd.s32 $0xC600, s9;
	s31 =	sshrl.u32 s12, $0x3  }
0xf: {  	v0 =	vimm.f32 $1.000000000e+00;
	v1 =	vimm.f32 $0.0e+00;
	s12 =	simm.s32 $0x180;
	s9 =	sadd.s32 $0x510, s6;
	s11 =	sadd.s32 s31, s4  }
.LBB2_1:
0x10: {  	[tilespmem:$0x100] =	vst v0  }
0x11: {  	[tilespmem:$0x110] =	vst v0  }
0x12: {  	[tilespmem:$0x120] =	vst v0  }
0x13: {  	[tilespmem:$0x130] =	vst v0  }
0x14: {  	[tilespmem:$0x140] =	vst v0  }
0x15: {  	[tilespmem:$0x150] =	vst v0  }
0x16: {  	[tilespmem:$0x160] =	vst v0  }
0x17: {  	[tilespmem:$0x170] =	vst v0  }
0x18: {  	[tilespmem:$0x180] =	vst v1  }
0x19: {  	[tilespmem:$0x190] =	vst v1  }
0x1a: {  	[tilespmem:$0x1A0] =	vst v1  }
0x1b: {  	[tilespmem:$0x1B0] =	vst v1  }
0x1c: {  	[tilespmem:$0x1C0] =	vst v1  }
0x1d: {  	[tilespmem:$0x1D0] =	vst v1  }
0x1e: {  	[tilespmem:$0x1E0] =	vst v1  }
0x1f: {  	[tilespmem:$0x1F0] =	vst v1  }
0x20: {  	[tilespmem:$0x200] =	vst v1  }
0x21: {  	[tilespmem:$0x210] =	vst v1  }
0x22: {  	[tilespmem:$0x220] =	vst v1  }
0x23: {  	[tilespmem:$0x230] =	vst v1  }
0x24: {  	[tilespmem:$0x240] =	vst v1  }
0x25: {  	[tilespmem:$0x250] =	vst v1  }
0x26: {  	[tilespmem:$0x260] =	vst v1  }
0x27: {  	[tilespmem:$0x270] =	vst v1  }
0x28: {  	[tilespmem:$0x280] =	vst v1  }
0x29: {  	[tilespmem:$0x290] =	vst v1  }
0x2a: {  	[tilespmem:$0x2A0] =	vst v1  }
0x2b: {  	[tilespmem:$0x2B0] =	vst v1  }
0x2c: {  	[tilespmem:$0x2C0] =	vst v1  }
0x2d: {  	[tilespmem:$0x2D0] =	vst v1  }
0x2e: {  	[tilespmem:$0x2E0] =	vst v1  }
0x2f: {  	[tilespmem:$0x2F0] =	vst v1  }
0x30: {  	[tilespmem:$0x300] =	vst v1  }
0x31: {  	[tilespmem:$0x310] =	vst v1  }
0x32: {  	[tilespmem:$0x320] =	vst v1  }
0x33: {  	[tilespmem:$0x330] =	vst v1  }
0x34: {  	[tilespmem:$0x340] =	vst v1  }
0x35: {  	[tilespmem:$0x350] =	vst v1  }
0x36: {  	[tilespmem:$0x360] =	vst v1  }
0x37: {  	[tilespmem:$0x370] =	vst v1  }
0x38: {  	[tilespmem:$0x380] =	vst v1  }
0x39: {  	[tilespmem:$0x390] =	vst v1  }
0x3a: {  	[tilespmem:$0x3A0] =	vst v1  }
0x3b: {  	[tilespmem:$0x3B0] =	vst v1  }
0x3c: {  	[tilespmem:$0x3C0] =	vst v1  }
0x3d: {  	[tilespmem:$0x3D0] =	vst v1  }
0x3e: {  	[tilespmem:$0x3E0] =	vst v1  }
0x3f: {  	[tilespmem:$0x3F0] =	vst v1  }
0x40: {  	[spmem:s5] =	stream.linear.scatter [tilespmem:s12], [sflag:$0x3], $0x280, $0x38;
	[tilespmem:$0x680] =	vst v63  }
0x41: {  	_ =	swait.ge [sflag:s13], $0x280  }
0x42: {  	[sflag:s13] =	ssyncset.done $0x0  }
0x43: {  	[sflag:s13] =	ssyncadd.s32 $0xFFFFFD80  }
0x44: {  	[tilespmem:s3], [sflag:$0x1] =	stream.linear.gather [hbm4b:s6+s3], $0x80, $0x38;
	[tilespmem:$0x680] =	vst v63  }
0x45: {  	[bflag:$0x0] =	sbarrier.arrive $0xFFFF  }
0x46: {  	_ =	swait.ge [sflag:s14], $0x80  }
0x47: {  	[sflag:s14] =	ssyncset.done $0x0  }
0x48: {  	s19 =	sadd.s32 $0x0, s11;
	[sflag:s14] =	ssyncadd.s32 $0xFFFFFF80  }
0x49: {  	[tilespmem:s15], [sflag:$0x2] =	stream.linear.gather [hbm4b:s19+s3], $0x80, $0x38;
	[tilespmem:$0x680] =	vst v63  }
0x4a: {  	_ = 	snop  }
0x4b: {  	[spmem:s2] =	stream.indirect.scatter.add.f32 [tilespmem:s16], [sflag:$0x3], $0x1, s3, s15, $0xb8;
	[tilespmem:$0x680] =	vst v63  }
0x4c: {  	_ =	swait.ge [sflag:s13], $0x80  }
0x4d: {  	[sflag:s13] =	ssyncset.done $0x0  }
0x4e: {  	[sflag:s13] =	ssyncadd.s32 $0xFFFFFF80  }
0x4f: {  	_ =	swait.ge [sflag:s17], $0x80  }
0x50: {  	s31 =	sshrl.u32 s10, $0x3;
	[sflag:s17] =	ssyncset.done $0x0  }
0x51: {  	s19 =	sadd.s32 s4, s31;
	[sflag:s17] =	ssyncadd.s32 $0xFFFFFF80  }
0x52: {  	[tilespmem:s3], [sflag:$0x1] =	stream.linear.gather [hbm4b:s19+s3], $0x80, $0x38;
	[tilespmem:$0x680] =	vst v63  }
0x53: {  	_ = 	snop  }
0x54: {  	[spmem:s2] =	stream.indirect.scatter.add.f32 [tilespmem:s16], [sflag:$0x3], $0x1, s15, s15, $0xb8;
	[tilespmem:$0x680] =	vst v63  }
0x55: {  	_ =	swait.ge [sflag:s13], $0x80  }
0x56: {  	s20 =	smov.u32 s10;
	s19 =	simm.s32 $0x20;
	[sflag:s13] =	ssyncset.done $0x0  }
.LBB2_2:
0x57: {  	p0 =	sne.s32 s19, $0x4E0;
	[sflag:s13] =	ssyncadd.s32 $0xFFFFFF80;
	s20 =	sadd.s32 $0x100, s20  }
0x58: {  	s21 =	smov.u32 s19;
	s19 =	sadd.s32 $0x20, s19  }
0x59: {  	_ =	swait.ge [sflag:s14], $0x80  }
0x5a: {  	[sflag:s14] =	ssyncset.done $0x0  }
0x5b: {  	s21 =	sadd.s32 s21, s11;
	[sflag:s14] =	ssyncadd.s32 $0xFFFFFF80  }
0x5c: {  	[tilespmem:s15], [sflag:$0x2] =	stream.linear.gather [hbm4b:s21+s3], $0x80, $0x38;
	[tilespmem:$0x680] =	vst v63  }
0x5d: {  	_ = 	snop  }
0x5e: {  	[spmem:s2] =	stream.indirect.scatter.add.f32 [tilespmem:s16], [sflag:$0x3], $0x1, s3, s15, $0xb8;
	[tilespmem:$0x680] =	vst v63  }
0x5f: {  	_ =	swait.ge [sflag:s13], $0x80  }
0x60: {  	[sflag:s13] =	ssyncset.done $0x0  }
0x61: {  	[sflag:s13] =	ssyncadd.s32 $0xFFFFFF80  }
0x62: {  	_ =	swait.ge [sflag:s17], $0x80  }
0x63: {  	s21 =	sshrl.u32 s20, $0x3;
	[sflag:s17] =	ssyncset.done $0x0  }
0x64: {  	s21 =	sadd.s32 s4, s21;
	[sflag:s17] =	ssyncadd.s32 $0xFFFFFF80  }
0x65: {  	[tilespmem:s3], [sflag:$0x1] =	stream.linear.gather [hbm4b:s21+s3], $0x80, $0x38;
	[tilespmem:$0x680] =	vst v63  }
.Ltmp0:
0x66: {  	_ = 	snop;
	(pc) =	sbr.rel @p0 .LBB2_2-.Ltmp0, $4  }
0x67: {  	_ = 	snop  }
0x68: {  	[spmem:s2] =	stream.indirect.scatter.add.f32 [tilespmem:s16], [sflag:$0x3], $0x1, s15, s15, $0xb8;
	[tilespmem:$0x680] =	vst v63  }
0x69: {  	_ =	swait.ge [sflag:s13], $0x80  }
0x6a: {  	[sflag:s13] =	ssyncset.done $0x0  }
0x6b: {  	[sflag:s13] =	ssyncadd.s32 $0xFFFFFF80  }
0x6c: {  	_ =	swait.ge [sflag:s14], $0x80  }
0x6d: {  	[sflag:s14] =	ssyncset.done $0x0  }
0x6e: {  	[sflag:s14] =	ssyncadd.s32 $0xFFFFFF80  }
0x6f: {  	[tilespmem:s15], [sflag:$0x2] =	stream.linear.gather [hbm4b:s9+s3], $0x80, $0x38;
	[tilespmem:$0x680] =	vst v63  }
0x70: {  	_ = 	snop  }
0x71: {  	[spmem:s2] =	stream.indirect.scatter.add.f32 [tilespmem:s16], [sflag:$0x3], $0x1, s3, s15, $0xb8;
	[tilespmem:$0x680] =	vst v63  }
0x72: {  	_ =	swait.ge [sflag:s13], $0x80  }
0x73: {  	[sflag:s13] =	ssyncset.done $0x0  }
0x74: {  	[sflag:s13] =	ssyncadd.s32 $0xFFFFFF80  }
0x75: {  	_ =	swait.ge [sflag:s17], $0x80  }
0x76: {  	[sflag:s17] =	ssyncset.done $0x0  }
0x77: {  	[sflag:s17] =	ssyncadd.s32 $0xFFFFFF80  }
0x78: {  	[spmem:s2] =	stream.indirect.scatter.add.f32 [tilespmem:s16], [sflag:$0x3], $0x1, s15, s15, $0xb8;
	[tilespmem:$0x680] =	vst v63  }
0x79: {  	_ =	swait.ge [sflag:s13], $0x80  }
0x7a: {  	[sflag:s13] =	ssyncset.done $0x0  }
0x7b: {  	[sflag:s13] =	ssyncadd.s32 $0xFFFFFF80  }
0x7c: {  	[bflag:$0x0] =	sbarrier.arrive $0xFFFF  }
0x7d: {  	[tilespmem:s12], [sflag:$0x3] =	stream.linear.gather [spmem:s5], $0x280, $0x38;
	[tilespmem:$0x680] =	vst v63  }
0x7e: {  	s18 =	sadd.s32 $0x1, s18;
	_ =	swait.ge [sflag:s13], $0x280  }
0x7f: {  	p0 =	sne.s32 s18, s8;
	[sflag:s13] =	ssyncset.done $0x0  }
.Ltmp1:
0x80: {  	[sflag:s13] =	ssyncadd.s32 $0xFFFFFD80;
	(pc) =	sbr.rel @p0 .LBB2_1-.Ltmp1, $4  }
0x81: {  	[hbm4b:s7+s15] =	stream.strided.scatter [tilespmem:s12], [sflag:$0x3], $0x280, s16, s15, $0x38;
	[tilespmem:$0x680] =	vst v63  }
0x82: {  	_ =	swait.ge [sflag:s13], $0x280  }
0x83: {  	[sflag:s13] =	ssyncset.done $0x0  }
0x84: {  	[sflag:s13] =	ssyncadd.s32 $0xFFFFFD80  }
0x85: {  	_ =	sfence.sel $0x180000  }
0x86: {  	[bflag:$0x0] =	sbarrier.arrive $0xFFFF  }
0x87: {  	p0 =	sne.s32 s1, $0x0;
	_ =	strace $0x90000047  }
0x88: {  	s0 =	sadd.s32 @!p0 $0x100000, s0;
	[bflag:$0x2] =	sbarrier.arrive $0xFFFF  }
0x89: {  	[sflag:s0] =	ssyncadd.tile.s32 @!p0 $0x1;
	_ =	shalt  }
.Lfunc_end2:
_tile_overlayer_lowered:
.L_overlay_start_2:
0x8a: {  	(tag) =	ssettag $0x2  }
0x8b: {  	s0 =	rddreg [dreg:$0x0];
	s2 =	stileid.u32  }
0x8c: {  	s1 =	rddreg [dreg:$0x1];
	p0 =	sne.s32 s2, $0x0  }
0x8d: {  	s3 =	rddreg [dreg:$0x2];
	[bflag:$0x3] =	sbarrier.arrive $0xFFFF;
	s2 =	simm.s32 @!p0 $0x1C03  }
0x8e: {  	[timem:s3], [sflag:s2] =	dma.local @!p0 [hbm:s0], s1  }
0x8f: {  	s0 =	simm.s32 @!p0 $0x3  }
0x90: {  	_ =	swait.ge @!p0 [sflag:s0], s1  }
0x91: {  	s1 =	ssub.s32 @!p0 $0x0, s1;
	[sflag:s0] =	ssyncset.done @!p0 $0x0  }
0x92: {  	[sflag:s0] =	ssyncadd.s32 @!p0 s1  }
0x93: {  	[bflag:$0x3] =	sbarrier.arrive $0xFFFF  }
0x94: {  	_ =	shalt  }

</sc_bundles>
